<compile_context>
chip_gen: v7x
topology: tpu7x:2x2x1
jax: 0.10.2.dev20260603
libtpu: 0.0.44.dev20260713+nightly
codegen_flags: <defaults>
</compile_context>

<pallas_src>
import functools

import numpy as np
import jax
import jax.numpy as jnp
from jax import lax
from jax.experimental import pallas as pl
from jax.experimental.pallas import tpu as pltpu
from jax.experimental.pallas import tpu_sc as plsc

_N = 10000
_E = 320000
_EPAD = 327680
_B = 200
_H = 256
_NMAX = 50
_NPAIR = _NMAX * (_NMAX - 1) // 2
_NB = 10
_BLK = _N // _NB
_TW = 632

_PAD_SRC = np.asarray((np.arange(_EPAD - _E) * 997) % _N, np.int32)
_PAD_DST = np.asarray(_N + (np.arange(_EPAD - _E) % 8), np.int32)


def _build_seg(D):
    nsl = D // 128
    parts = 32 // nsl
    e_part = _EPAD // parts
    CH = 128
    KI = 2
    blk = CH * KI
    nouter = e_part // blk

    mesh = plsc.VectorSubcoreMesh(core_axis_name="c", subcore_axis_name="s")

    @functools.partial(
        pl.kernel,
        out_type=jax.ShapeDtypeStruct((2 * _N, 128), jnp.float32),
        mesh=mesh,
        scratch_types=[
            pltpu.VMEM((blk,), jnp.int32),
            pltpu.VMEM((blk,), jnp.int32),
            pltpu.VMEM((KI, CH), jnp.int32),
            pltpu.VMEM((blk, 128), jnp.float32),
            pltpu.VMEM_SHARED((_N + 8, 128), jnp.float32),
            pltpu.SemaphoreType.DMA,
            pltpu.SemaphoreType.DMA,
        ],
    )
    def seg(h_flat, src, dst, out, srcb, dstb, srco, rows, acc, gsem, ssem):
        c = lax.axis_index("c")
        s = lax.axis_index("s")
        off = jnp.minimum(s * _TW, _N - _TW)
        l0 = pl.multiple_of(off, 8)
        if nsl == 2:
            hbase = c * _N
        else:
            hbase = 0
        gi = pl.multiple_of(hbase + off, 8)
        pltpu.sync_copy(h_flat.at[pl.ds(gi, _TW)], acc.at[pl.ds(l0, _TW)])
        plsc.subcore_barrier()

        if nsl == 2:
            p = s
        else:
            p = c * 16 + s

        def body(j, carry):
            e0 = pl.multiple_of(p * e_part + j * blk, 128)
            pltpu.sync_copy(src.at[pl.ds(e0, blk)], srcb)
            pltpu.sync_copy(dst.at[pl.ds(e0, blk)], dstb)
            if nsl == 2:
                for k in range(KI):
                    for i in range(CH // 16):
                        o = k * CH + i * 16
                        srco[k, pl.ds(i * 16, 16)] = srcb[pl.ds(o, 16)] + hbase
            gs = []
            for k in range(KI):
                idx = srco.at[k] if nsl == 2 else srcb.at[pl.ds(k * CH, CH)]
                gs.append(pltpu.async_copy(
                    h_flat.at[idx], rows.at[pl.ds(k * CH, CH)], gsem))
            ss = []
            for k in range(KI):
                gs[k].wait()
                ss.append(pltpu.async_copy(
                    rows.at[pl.ds(k * CH, CH)],
                    acc.at[dstb.at[pl.ds(k * CH, CH)]], ssem, add=True))
            for t in ss:
                t.wait()
            return carry

        lax.fori_loop(0, nouter, body, 0)
        plsc.subcore_barrier()
        go = pl.multiple_of(c * _N + off, 8)
        pltpu.sync_copy(acc.at[pl.ds(l0, _TW)], out.at[pl.ds(go, _TW)])

    return seg


_SEG_CACHE = {}


def _seg(D):
    if D not in _SEG_CACHE:
        _SEG_CACHE[D] = _build_seg(D)
    return _SEG_CACHE[D]


def _lrelu(v):
    return jnp.where(v >= 0, v, 0.2 * v)


_PHI = jax.lax.Precision.HIGHEST


def _dot(a, b):
    return jnp.dot(a, b, preferred_element_type=jnp.float32)


def _mlp1(pp, h0, W1, b1, interpret=False):
    Din = W1.shape[0]
    sub = h0 is not None

    def body(*refs):
        if sub:
            p_ref, h_ref, w_ref, b_ref, t_ref, st_ref = refs
            hpa = p_ref[0] + p_ref[1] - h_ref[...]
        else:
            p_ref, w_ref, b_ref, t_ref, st_ref = refs
            hpa = jnp.concatenate([p_ref[0], p_ref[1]], axis=1)
        t = _dot(hpa, w_ref[...]) + b_ref[...]
        t = _lrelu(t)
        t_ref[...] = t
        s1 = jnp.sum(t, axis=0)
        s2 = jnp.sum(t * t, axis=0)
        st_ref[...] = jnp.stack([s1, s2], axis=0).reshape(1, 2, _H)

    in_specs = [pl.BlockSpec((2, _BLK, 128), lambda i: (0, i, 0))]
    args = [pp.reshape(2, _N, 128)]
    if sub:
        in_specs.append(pl.BlockSpec((_BLK, 128), lambda i: (i, 0)))
        args.append(h0)
    in_specs += [
        pl.BlockSpec((Din, _H), lambda i: (0, 0)),
        pl.BlockSpec((1, _H), lambda i: (0, 0)),
    ]
    args += [W1, b1]
    return pl.pallas_call(
        body,
        grid=(_NB,),
        in_specs=in_specs,
        out_specs=[
            pl.BlockSpec((_BLK, _H), lambda i: (i, 0)),
            pl.BlockSpec((1, 2, _H), lambda i: (i, 0, 0)),
        ],
        out_shape=[
            jax.ShapeDtypeStruct((_N, _H), jnp.float32),
            jax.ShapeDtypeStruct((_NB, 2, _H), jnp.float32),
        ],
        interpret=interpret,
    )(*args)


def _stats(t, interpret=False):
    def body(t_ref, o_ref):
        tv = t_ref[...]
        m = jnp.mean(tv, axis=0)
        v = jnp.mean((tv - m) ** 2, axis=0)
        o_ref[...] = jnp.stack([m, v], axis=0)

    return pl.pallas_call(
        body,
        out_shape=jax.ShapeDtypeStruct((2, _H), jnp.float32),
        interpret=interpret,
    )(t)


def _mlp2(t, mv, gam, bet, W2, b2, batch3=None, smajor=False, interpret=False):
    pool = batch3 is not None

    def body(*refs):
        if pool:
            (t_ref, mv_ref, g_ref, be_ref, w_ref, b_ref, bat_ref,
             h_ref, p_ref) = refs
        else:
            t_ref, mv_ref, g_ref, be_ref, w_ref, b_ref, h_ref = refs
        m = mv_ref[0]
        v = mv_ref[1]
        tn = (t_ref[...] - m) / jnp.sqrt(v + 1e-5) * g_ref[...] + be_ref[...]
        h = _dot(tn, w_ref[...]) + b_ref[...]
        h = _lrelu(h)
        if smajor:
            h_ref[0] = h[:, :128]
            h_ref[1] = h[:, 128:]
        else:
            h_ref[...] = h
        if pool:
            i = pl.program_id(0)
            bat = bat_ref[...].reshape(_BLK)
            oh = (bat[:, None]
                  == lax.broadcasted_iota(jnp.int32, (_BLK, _B), 1))
            contrib = lax.dot_general(
                oh.astype(jnp.float32), h, (((0,), (0,)), ((), ())),
                preferred_element_type=jnp.float32, precision=_PHI)

            @pl.when(i == 0)
            def _():
                p_ref[...] = contrib

            @pl.when(i > 0)
            def _():
                p_ref[...] = p_ref[...] + contrib

    in_specs = [
        pl.BlockSpec((_BLK, _H), lambda i: (i, 0)),
        pl.BlockSpec((2, _H), lambda i: (0, 0)),
        pl.BlockSpec((1, _H), lambda i: (0, 0)),
        pl.BlockSpec((1, _H), lambda i: (0, 0)),
        pl.BlockSpec((_H, _H), lambda i: (0, 0)),
        pl.BlockSpec((1, _H), lambda i: (0, 0)),
    ]
    if smajor:
        out_specs = [pl.BlockSpec((2, _BLK, 128), lambda i: (0, i, 0))]
        out_shape = [jax.ShapeDtypeStruct((2, _N, 128), jnp.float32)]
    else:
        out_specs = [pl.BlockSpec((_BLK, _H), lambda i: (i, 0))]
        out_shape = [jax.ShapeDtypeStruct((_N, _H), jnp.float32)]
    args = [t, mv, gam, bet, W2, b2]
    if pool:
        in_specs.append(pl.BlockSpec((1, 1, _BLK), lambda i: (i, 0, 0)))
        out_specs.append(pl.BlockSpec((_B, _H), lambda i: (0, 0)))
        out_shape.append(jax.ShapeDtypeStruct((_B, _H), jnp.float32))
        args.append(batch3)
    res = pl.pallas_call(
        body,
        grid=(_NB,),
        in_specs=in_specs,
        out_specs=out_specs,
        out_shape=out_shape,
        interpret=interpret,
    )(*args)
    return res if pool else res[0]


def _head(pooled, stats, wd, eps_rand, gdiff, ssel, padj, interpret=False):
    def body(p_ref, s_ref, ebg_ref, ebb_ref, efw_ref, efb_ref,
             c1w_ref, c1b_ref, c2w_ref, c2b_ref,
             faw_ref, fbw_ref, f1b_ref, fbg_ref, fbb_ref, f2w_ref, f2b_ref,
             muw_ref, mub_ref, lvw_ref, lvb_ref,
             d0w_ref, d0b_ref, d1w_ref, d1b_ref, d2w_ref, d2b_ref,
             eps_ref, gd_ref, sel_ref, adj_ref, out_ref):
        mm = _dot

        out = p_ref[...]
        m = jnp.mean(out, axis=0)
        v = jnp.mean((out - m) ** 2, axis=0)
        out = (out - m) / jnp.sqrt(v + 1e-5) * ebg_ref[...] + ebb_ref[...]
        out = mm(out, efw_ref[...]) + efb_ref[...]
        cond = jnp.maximum(mm(s_ref[...], c1w_ref[...]) + c1b_ref[...], 0.0)
        cond = mm(cond, c2w_ref[...]) + c2b_ref[...]
        z = mm(out, faw_ref[...]) + mm(cond, fbw_ref[...]) + f1b_ref[...]
        z = _lrelu(z)
        mz = jnp.mean(z, axis=0)
        vz = jnp.mean((z - mz) ** 2, axis=0)
        z = (z - mz) / jnp.sqrt(vz + 1e-5) * fbg_ref[...] + fbb_ref[...]
        z = mm(z, f2w_ref[...]) + f2b_ref[...]
        mu = mm(z, muw_ref[...]) + mub_ref[...]
        logvar = mm(z, lvw_ref[...]) + lvb_ref[...]
        xg = mu + eps_ref[...] * jnp.exp(0.5 * logvar)
        d = jnp.maximum(mm(xg, d0w_ref[...]) + d0b_ref[...], 0.0)
        d = jnp.maximum(mm(d, d1w_ref[...]) + d1b_ref[...], 0.0)
        d = mm(d, d2w_ref[...]) + d2b_ref[...]
        ldiff = mm(d, sel_ref[...])
        xv = jnp.where(ldiff + gd_ref[...] >= 0, 1.0, 0.0)
        out_ref[...] = mm(xv, adj_ref[...])

    return pl.pallas_call(
        body,
        out_shape=jax.ShapeDtypeStruct((_B, _NMAX * _NMAX), jnp.float32),
        interpret=interpret,
    )(pooled, stats, *wd, eps_rand, gdiff, ssel, padj)


def _sel_matrices():
    ssel = np.zeros((2 * _NPAIR, _NPAIR), np.float32)
    ar = np.arange(_NPAIR)
    ssel[2 * ar, ar] = 1.0
    ssel[2 * ar + 1, ar] = -1.0
    iu = np.triu_indices(_NMAX, 1)
    padj = np.zeros((_NPAIR, _NMAX * _NMAX), np.float32)
    padj[ar, iu[0] * _NMAX + iu[1]] = 1.0
    padj[ar, iu[1] * _NMAX + iu[0]] = 1.0
    return ssel, padj


_SSEL, _PADJ = _sel_matrices()


def kernel(x, stats, params, edge_index, batch):
    return _kernel_impl(x, stats, params, edge_index, batch)


def _kernel_impl(x, stats, params, edge_index, batch):
    src = jnp.concatenate([edge_index[0].astype(jnp.int32),
                           jnp.asarray(_PAD_SRC)])
    dst = jnp.concatenate([edge_index[1].astype(jnp.int32),
                           jnp.asarray(_PAD_DST)])
    batch3 = batch.astype(jnp.int32).reshape(_NB, 1, _BLK)

    eps_rand = jax.random.normal(jax.random.key(7), (_B, 64), dtype=jnp.float32)
    u = jax.random.uniform(jax.random.key(13), (_B, _NPAIR, 2),
                           minval=1e-10, maxval=1.0)
    g = -jnp.log(-jnp.log(u))
    gdiff = (g[:, :, 0] - g[:, :, 1]).astype(jnp.float32)

    ssel = jnp.asarray(_SSEL)
    padj = jnp.asarray(_PADJ)

    def row(p):
        return p[1].reshape(1, -1)

    h_flat = x
    h0 = x
    pooled = None
    for li, c in enumerate(params['convs']):
        D = c['l1'][0].shape[0]
        pp = _seg(D)(h_flat, src, dst)
        t, _ = _mlp1(pp, h0 if D == 128 else None, c['l1'][0], row(c['l1']))
        mv = _stats(t)
        gam = c['bn'][0].reshape(1, _H)
        bet = c['bn'][1].reshape(1, _H)
        if li < 2:
            h_flat = _mlp2(t, mv, gam, bet, c['l2'][0], row(c['l2']),
                           smajor=True).reshape(2 * _N, 128)
            h0 = None
        else:
            _, pooled = _mlp2(t, mv, gam, bet, c['l2'][0], row(c['l2']),
                              batch3=batch3)

    p = params
    fglW = p['fgl_l1'][0]
    wd = [
        p['enc_bn'][0].reshape(1, _H), p['enc_bn'][1].reshape(1, _H),
        p['enc_fc'][0], row(p['enc_fc']),
        p['cond_l1'][0], row(p['cond_l1']),
        p['cond_l2'][0], row(p['cond_l2']),
        fglW[:_H], fglW[_H:], row(p['fgl_l1']),
        p['fgl_bn'][0].reshape(1, _H), p['fgl_bn'][1].reshape(1, _H),
        p['fgl_l2'][0], row(p['fgl_l2']),
        p['fc_mu'][0], row(p['fc_mu']),
        p['fc_logvar'][0], row(p['fc_logvar']),
        p['dec'][0][0], row(p['dec'][0]),
        p['dec'][1][0], row(p['dec'][1]),
        p['dec'][2][0], row(p['dec'][2]),
    ]
    adjflat = _head(pooled, stats, wd, eps_rand, gdiff, ssel, padj)
    return adjflat.reshape(_B, _NMAX, _NMAX)

# --- scband reference (transcript-rebuilt; emitter-appended) ---
"""Pipeline reference for scband-variational-auto-encoder-88089779241018 (READ-ONLY COPY).

The authoritative reference and input builder live on the scoring server;
editing this copy changes nothing except your own understanding.
"""

import jax, jax.numpy as jnp
import numpy as np

N_NODES = 10000
N_EDGES = 320000
D_IN = 128
H = 256
LAT = 64
B = 200
NC = 7
NMAX = 50
NPAIR = NMAX * (NMAX - 1) // 2


def _lin(key, din, dout):
    k1, k2 = jax.random.split(key)
    lim = 1.0 / np.sqrt(din)
    W = jax.random.uniform(k1, (din, dout), minval=-lim, maxval=lim, dtype=jnp.float32)
    b = jax.random.uniform(k2, (dout,), minval=-lim, maxval=lim, dtype=jnp.float32)
    return (W, b)


def setup_inputs(seed: int = 0) -> dict:
    key = jax.random.key(seed)
    ks = jax.random.split(key, 32)
    x = jax.random.normal(ks[0], (N_NODES, D_IN), dtype=jnp.float32)
    edge_index = jax.random.randint(ks[1], (2, N_EDGES), 0, N_NODES, dtype=jnp.int64 if jax.config.read('jax_enable_x64') else jnp.int32)
    stats = jax.random.normal(ks[2], (B, NC), dtype=jnp.float32)
    batch = jnp.sort(jax.random.randint(ks[3], (N_NODES,), 0, B))
    dims = [D_IN, H, H]
    convs = []
    for i in range(3):
        convs.append({
            'l1': _lin(ks[4 + 2 * i], dims[i], H),
            'bn': (jnp.ones(H), jnp.zeros(H)),
            'l2': _lin(ks[5 + 2 * i], H, H),
        })
    params = {
        'convs': convs,
        'enc_bn': (jnp.ones(H), jnp.zeros(H)),
        'enc_fc': _lin(ks[10], H, H),
        'cond_l1': _lin(ks[11], NC, 8),
        'cond_l2': _lin(ks[12], 8, 8),
        'fgl_l1': _lin(ks[13], H + 8, H),
        'fgl_bn': (jnp.ones(H), jnp.zeros(H)),
        'fgl_l2': _lin(ks[14], H, H),
        'fc_mu': _lin(ks[15], H, LAT),
        'fc_logvar': _lin(ks[16], H, LAT),
        'dec': [_lin(ks[17], LAT, H), _lin(ks[18], H, H), _lin(ks[19], H, 2 * NPAIR)],
    }
    return {'x': x, 'stats': stats, 'params': params, 'edge_index': edge_index, 'batch': batch}


def _bn(h, g, b, eps=1e-5):
    m = h.mean(0)
    v = h.var(0)
    return (h - m) / jnp.sqrt(v + eps) * g + b


def _lrelu(h):
    return jax.nn.leaky_relu(h, 0.2)


def _apply(p, h):
    return h @ p[0] + p[1]


def _forward(x, stats, params, edge_index, batch):
    src, dst = edge_index[0], edge_index[1]
    h = x
    for c in params['convs']:
        # GINConv: mlp((1+eps)*x + sum_{j in N(i)} x_j), eps=0
        agg = jax.ops.segment_sum(h[src], dst, num_segments=N_NODES)
        h = h + agg
        h = _lrelu(_apply(c['l1'], h))
        h = _bn(h, c['bn'][0], c['bn'][1])
        h = _lrelu(_apply(c['l2'], h))
    # global_add_pool
    out = jax.ops.segment_sum(h, batch, num_segments=B)
    out = _bn(out, params['enc_bn'][0], params['enc_bn'][1])
    out = _apply(params['enc_fc'], out)
    cond = _apply(params['cond_l2'], jax.nn.relu(_apply(params['cond_l1'], stats)))
    cat = jnp.concatenate([out, cond], axis=1)
    z = _apply(params['fgl_l1'], cat)
    z = _lrelu(z)
    z = _bn(z, params['fgl_bn'][0], params['fgl_bn'][1])
    z = _apply(params['fgl_l2'], z)
    mu = _apply(params['fc_mu'], z)
    logvar = _apply(params['fc_logvar'], z)
    # reparameterize (training-mode, fixed key for determinism)
    eps = jax.random.normal(jax.random.key(7), mu.shape, dtype=jnp.float32)
    xg = mu + eps * jnp.exp(0.5 * logvar)
    # decoder MLP
    d = xg
    for p in params['dec'][:2]:
        d = jax.nn.relu(_apply(p, d))
    d = _apply(params['dec'][2], d)
    logits = d.reshape(d.shape[0], -1, 2)
    # gumbel_softmax(tau=1, hard=True), fixed key
    u = jax.random.uniform(jax.random.key(13), logits.shape, minval=1e-10, maxval=1.0)
    g = -jnp.log(-jnp.log(u))
    y_soft = jax.nn.softmax((logits + g) / 1.0, axis=-1)
    y_hard = jax.nn.one_hot(jnp.argmax(y_soft, axis=-1), 2, dtype=y_soft.dtype)
    y = y_hard + y_soft - jax.lax.stop_gradient(y_soft)
    xv = y[:, :, 0]
    iu = np.triu_indices(NMAX, 1)
    adj = jnp.zeros((xv.shape[0], NMAX, NMAX), dtype=xv.dtype).at[:, iu[0], iu[1]].set(xv)
    adj = adj + jnp.transpose(adj, (0, 2, 1))
    return adj


def reference(x, stats, params, edge_index, batch):
    return _forward(x, stats, params, edge_index, batch)

if __name__ == "__main__":
    import jax
    _d = setup_inputs()
    print(jax.jit(kernel)(*tuple(_d.values())))

</pallas_src>

<mosaic_0001>
#map = affine_map<(d0, d1) -> (0, 0)>
#map1 = affine_map<(d0, d1) -> (0)>
module attributes {stable_mosaic.version = 14 : i64} {
  func.func @seg(%arg0: i32, %arg1: i32, %arg2: memref<20000x128xf32, #tpu.memory_space<hbm>>, %arg3: memref<327680xi32, #tpu.memory_space<hbm>>, %arg4: memref<327680xi32, #tpu.memory_space<hbm>>, %arg5: memref<20000x128xf32, #tpu.memory_space<hbm>>, %arg6: memref<256xi32, #tpu.memory_space<vmem>>, %arg7: memref<256xi32, #tpu.memory_space<vmem>>, %arg8: memref<2x128xi32, #tpu.memory_space<vmem>>, %arg9: memref<256x128xf32, #tpu.memory_space<vmem>>, %arg10: memref<10008x128xf32, #tpu.memory_space<vmem_shared>>, %arg11: memref<!tpu.dma_semaphore, #tpu.memory_space<semaphore_mem>>, %arg12: memref<!tpu.dma_semaphore, #tpu.memory_space<semaphore_mem>>) attributes {dimension_semantics = [#tpu.dimension_semantics<core_parallel>, #tpu.dimension_semantics<subcore_parallel>], iteration_bounds = array<i64: 2, 16>, scalar_prefetch = 0 : i64, scratch_operands = 7 : i64, tpu.core_type = #tpu.core_type<sc_vector_subcore>, window_params = [{transform_indices = #map}, {transform_indices = #map1}, {transform_indices = #map1}, {transform_indices = #map}]} {
    %mul3A = arith.constant 632 : i32
    %mul3A_0 = arith.muli %arg1, %mul3A : i32
    %min3A = arith.constant 9368 : i32
    %min3A_1 = arith.minsi %mul3A_0, %min3A : i32
    %multiple_of3A = tpu.assume_multiple %min3A_1, 8 : i32
    %mul3A_2 = arith.constant 10000 : i32
    %mul3A_3 = arith.muli %arg0, %mul3A_2 : i32
    %add3A = arith.addi %mul3A_3, %min3A_1 : i32
    %multiple_of3A_4 = tpu.assume_multiple %add3A, 8 : i32
    "tpu.region"() ({
      %run_scoped3A = tpu.sem_alloc : memref<!tpu.dma_semaphore, #tpu.memory_space<semaphore_mem>>
      %dma_start3A = arith.constant 0 : i32
      %dma_start3A_15 = tpu.memref_slice %arg10[%multiple_of3A, %dma_start3A] : memref<10008x128xf32, #tpu.memory_space<vmem_shared>> -> memref<632x128xf32, #tpu.memory_space<vmem_shared>>
      %dma_start3A_16 = arith.constant 0 : i32
      %dma_start3A_17 = tpu.memref_slice %arg2[%multiple_of3A_4, %dma_start3A_16] : memref<20000x128xf32, #tpu.memory_space<hbm>> -> memref<632x128xf32, #tpu.memory_space<hbm>>
      tpu.enqueue_dma source(%dma_start3A_17 : memref<632x128xf32, #tpu.memory_space<hbm>>) target(%dma_start3A_15 : memref<632x128xf32, #tpu.memory_space<vmem_shared>>) target_semaphore(%run_scoped3A : memref<!tpu.dma_semaphore, #tpu.memory_space<semaphore_mem>>)
      %dma_wait3A = arith.constant 0 : i32
      %dma_wait3A_18 = tpu.memref_slice %arg10[%multiple_of3A, %dma_wait3A] : memref<10008x128xf32, #tpu.memory_space<vmem_shared>> -> memref<632x128xf32, #tpu.memory_space<vmem_shared>>
      %dma_wait3A_19 = arith.constant 0 : i32
      %dma_wait3A_20 = tpu.memref_slice %arg2[%multiple_of3A_4, %dma_wait3A_19] : memref<20000x128xf32, #tpu.memory_space<hbm>> -> memref<632x128xf32, #tpu.memory_space<hbm>>
      tpu.wait_dma2 semaphore(%run_scoped3A : memref<!tpu.dma_semaphore, #tpu.memory_space<semaphore_mem>>) src(%dma_wait3A_20 : memref<632x128xf32, #tpu.memory_space<hbm>>) dst(%dma_wait3A_18 : memref<632x128xf32, #tpu.memory_space<vmem_shared>>)
      tpu.yield
    }) : () -> ()
    %barrier3A = arith.constant 0 : index
    tpu.barrier barrier_id(%barrier3A)
    %scan3A = arith.constant 0 : i32
    %scan3A_5 = arith.constant 0 : i32
    %scan3A_6 = arith.constant 80 : i32
    %scan3A_7 = arith.addi %scan3A_5, %scan3A_6 : i32
    %scan3A_8 = arith.constant 1 : i32
    scf.for %scan3A_15 = %scan3A_5 to %scan3A_7 step %scan3A_8  : i32 {
      %mul3A_16 = arith.constant 20480 : i32
      %mul3A_17 = arith.muli %arg1, %mul3A_16 : i32
      %mul3A_18 = arith.constant 256 : i32
      %mul3A_19 = arith.muli %scan3A_15, %mul3A_18 : i32
      %add3A_20 = arith.addi %mul3A_17, %mul3A_19 : i32
      %multiple_of3A_21 = tpu.assume_multiple %add3A_20, 128 : i32
      "tpu.region"() ({
        %run_scoped3A = tpu.sem_alloc : memref<!tpu.dma_semaphore, #tpu.memory_space<semaphore_mem>>
        %dma_start3A_266 = tpu.memref_slice %arg3[%multiple_of3A_21] : memref<327680xi32, #tpu.memory_space<hbm>> -> memref<256xi32, #tpu.memory_space<hbm>>
        %dma_start3A_267 = tpu.memref_slice %arg3[%multiple_of3A_21] : memref<327680xi32, #tpu.memory_space<hbm>> -> memref<256xi32, #tpu.memory_space<hbm>>
        tpu.enqueue_dma source(%dma_start3A_267 : memref<256xi32, #tpu.memory_space<hbm>>) target(%arg6 : memref<256xi32, #tpu.memory_space<vmem>>) target_semaphore(%run_scoped3A : memref<!tpu.dma_semaphore, #tpu.memory_space<semaphore_mem>>)
        %dma_wait3A_268 = tpu.memref_slice %arg3[%multiple_of3A_21] : memref<327680xi32, #tpu.memory_space<hbm>> -> memref<256xi32, #tpu.memory_space<hbm>>
        %dma_wait3A_269 = tpu.memref_slice %arg3[%multiple_of3A_21] : memref<327680xi32, #tpu.memory_space<hbm>> -> memref<256xi32, #tpu.memory_space<hbm>>
        tpu.wait_dma2 semaphore(%run_scoped3A : memref<!tpu.dma_semaphore, #tpu.memory_space<semaphore_mem>>) src(%dma_wait3A_269 : memref<256xi32, #tpu.memory_space<hbm>>) dst(%arg6 : memref<256xi32, #tpu.memory_space<vmem>>)
        tpu.yield
      }) : () -> ()
      "tpu.region"() ({
        %run_scoped3A = tpu.sem_alloc : memref<!tpu.dma_semaphore, #tpu.memory_space<semaphore_mem>>
        %dma_start3A_266 = tpu.memref_slice %arg4[%multiple_of3A_21] : memref<327680xi32, #tpu.memory_space<hbm>> -> memref<256xi32, #tpu.memory_space<hbm>>
        %dma_start3A_267 = tpu.memref_slice %arg4[%multiple_of3A_21] : memref<327680xi32, #tpu.memory_space<hbm>> -> memref<256xi32, #tpu.memory_space<hbm>>
        tpu.enqueue_dma source(%dma_start3A_267 : memref<256xi32, #tpu.memory_space<hbm>>) target(%arg7 : memref<256xi32, #tpu.memory_space<vmem>>) target_semaphore(%run_scoped3A : memref<!tpu.dma_semaphore, #tpu.memory_space<semaphore_mem>>)
        %dma_wait3A_268 = tpu.memref_slice %arg4[%multiple_of3A_21] : memref<327680xi32, #tpu.memory_space<hbm>> -> memref<256xi32, #tpu.memory_space<hbm>>
        %dma_wait3A_269 = tpu.memref_slice %arg4[%multiple_of3A_21] : memref<327680xi32, #tpu.memory_space<hbm>> -> memref<256xi32, #tpu.memory_space<hbm>>
        tpu.wait_dma2 semaphore(%run_scoped3A : memref<!tpu.dma_semaphore, #tpu.memory_space<semaphore_mem>>) src(%dma_wait3A_269 : memref<256xi32, #tpu.memory_space<hbm>>) dst(%arg7 : memref<256xi32, #tpu.memory_space<vmem>>)
        tpu.yield
      }) : () -> ()
      %get3A = arith.constant 0 : index
      %get3A_22 = tpu.vector_load %arg6[%get3A] {strides = array<i32>} : memref<256xi32, #tpu.memory_space<vmem>>, vector<16xi32>,
      %get3A_23 = vector.shape_cast %get3A_22 : vector<16xi32> to vector<16xi32>
      %add3A_24 = vector.broadcast %mul3A_3 : i32 to vector<16xi32>
      %add3A_25 = arith.addi %get3A_23, %add3A_24 : vector<16xi32>
      %swap3A = arith.constant 0 : i32
      %swap3A_26 = arith.index_cast %swap3A : i32 to index
      %swap3A_27 = arith.constant 0 : index
      %swap3A_28 = tpu.vector_load %arg8[%swap3A_26, %swap3A_27] {strides = array<i32>} : memref<2x128xi32, #tpu.memory_space<vmem>>, vector<1x16xi32>,
      %swap3A_29 = vector.shape_cast %swap3A_28 : vector<1x16xi32> to vector<16xi32>
      %swap3A_30 = vector.shape_cast %add3A_25 : vector<16xi32> to vector<1x16xi32>
      tpu.vector_store %arg8[%swap3A_26, %swap3A_27], %swap3A_30 {strides = array<i32>} : memref<2x128xi32, #tpu.memory_space<vmem>>, vector<1x16xi32>,
      %get3A_31 = arith.constant 16 : index
      %get3A_32 = tpu.vector_load %arg6[%get3A_31] {strides = array<i32>} : memref<256xi32, #tpu.memory_space<vmem>>, vector<16xi32>,
      %get3A_33 = vector.shape_cast %get3A_32 : vector<16xi32> to vector<16xi32>
      %add3A_34 = vector.broadcast %mul3A_3 : i32 to vector<16xi32>
      %add3A_35 = arith.addi %get3A_33, %add3A_34 : vector<16xi32>
      %swap3A_36 = arith.constant 0 : i32
      %swap3A_37 = arith.index_cast %swap3A_36 : i32 to index
      %swap3A_38 = arith.constant 16 : index
      %swap3A_39 = tpu.vector_load %arg8[%swap3A_37, %swap3A_38] {strides = array<i32>} : memref<2x128xi32, #tpu.memory_space<vmem>>, vector<1x16xi32>,
      %swap3A_40 = vector.shape_cast %swap3A_39 : vector<1x16xi32> to vector<16xi32>
      %swap3A_41 = vector.shape_cast %add3A_35 : vector<16xi32> to vector<1x16xi32>
      tpu.vector_store %arg8[%swap3A_37, %swap3A_38], %swap3A_41 {strides = array<i32>} : memref<2x128xi32, #tpu.memory_space<vmem>>, vector<1x16xi32>,
      %get3A_42 = arith.constant 32 : index
      %get3A_43 = tpu.vector_load %arg6[%get3A_42] {strides = array<i32>} : memref<256xi32, #tpu.memory_space<vmem>>, vector<16xi32>,
      %get3A_44 = vector.shape_cast %get3A_43 : vector<16xi32> to vector<16xi32>
      %add3A_45 = vector.broadcast %mul3A_3 : i32 to vector<16xi32>
      %add3A_46 = arith.addi %get3A_44, %add3A_45 : vector<16xi32>
      %swap3A_47 = arith.constant 0 : i32
      %swap3A_48 = arith.index_cast %swap3A_47 : i32 to index
      %swap3A_49 = arith.constant 32 : index
      %swap3A_50 = tpu.vector_load %arg8[%swap3A_48, %swap3A_49] {strides = array<i32>} : memref<2x128xi32, #tpu.memory_space<vmem>>, vector<1x16xi32>,
      %swap3A_51 = vector.shape_cast %swap3A_50 : vector<1x16xi32> to vector<16xi32>
      %swap3A_52 = vector.shape_cast %add3A_46 : vector<16xi32> to vector<1x16xi32>
      tpu.vector_store %arg8[%swap3A_48, %swap3A_49], %swap3A_52 {strides = array<i32>} : memref<2x128xi32, #tpu.memory_space<vmem>>, vector<1x16xi32>,
      %get3A_53 = arith.constant 48 : index
      %get3A_54 = tpu.vector_load %arg6[%get3A_53] {strides = array<i32>} : memref<256xi32, #tpu.memory_space<vmem>>, vector<16xi32>,
      %get3A_55 = vector.shape_cast %get3A_54 : vector<16xi32> to vector<16xi32>
      %add3A_56 = vector.broadcast %mul3A_3 : i32 to vector<16xi32>
      %add3A_57 = arith.addi %get3A_55, %add3A_56 : vector<16xi32>
      %swap3A_58 = arith.constant 0 : i32
      %swap3A_59 = arith.index_cast %swap3A_58 : i32 to index
      %swap3A_60 = arith.constant 48 : index
      %swap3A_61 = tpu.vector_load %arg8[%swap3A_59, %swap3A_60] {strides = array<i32>} : memref<2x128xi32, #tpu.memory_space<vmem>>, vector<1x16xi32>,
      %swap3A_62 = vector.shape_cast %swap3A_61 : vector<1x16xi32> to vector<16xi32>
      %swap3A_63 = vector.shape_cast %add3A_57 : vector<16xi32> to vector<1x16xi32>
      tpu.vector_store %arg8[%swap3A_59, %swap3A_60], %swap3A_63 {strides = array<i32>} : memref<2x128xi32, #tpu.memory_space<vmem>>, vector<1x16xi32>,
      %get3A_64 = arith.constant 64 : index
      %get3A_65 = tpu.vector_load %arg6[%get3A_64] {strides = array<i32>} : memref<256xi32, #tpu.memory_space<vmem>>, vector<16xi32>,
      %get3A_66 = vector.shape_cast %get3A_65 : vector<16xi32> to vector<16xi32>
      %add3A_67 = vector.broadcast %mul3A_3 : i32 to vector<16xi32>
      %add3A_68 = arith.addi %get3A_66, %add3A_67 : vector<16xi32>
      %swap3A_69 = arith.constant 0 : i32
      %swap3A_70 = arith.index_cast %swap3A_69 : i32 to index
      %swap3A_71 = arith.constant 64 : index
      %swap3A_72 = tpu.vector_load %arg8[%swap3A_70, %swap3A_71] {strides = array<i32>} : memref<2x128xi32, #tpu.memory_space<vmem>>, vector<1x16xi32>,
      %swap3A_73 = vector.shape_cast %swap3A_72 : vector<1x16xi32> to vector<16xi32>
      %swap3A_74 = vector.shape_cast %add3A_68 : vector<16xi32> to vector<1x16xi32>
      tpu.vector_store %arg8[%swap3A_70, %swap3A_71], %swap3A_74 {strides = array<i32>} : memref<2x128xi32, #tpu.memory_space<vmem>>, vector<1x16xi32>,
      %get3A_75 = arith.constant 80 : index
      %get3A_76 = tpu.vector_load %arg6[%get3A_75] {strides = array<i32>} : memref<256xi32, #tpu.memory_space<vmem>>, vector<16xi32>,
      %get3A_77 = vector.shape_cast %get3A_76 : vector<16xi32> to vector<16xi32>
      %add3A_78 = vector.broadcast %mul3A_3 : i32 to vector<16xi32>
      %add3A_79 = arith.addi %get3A_77, %add3A_78 : vector<16xi32>
      %swap3A_80 = arith.constant 0 : i32
      %swap3A_81 = arith.index_cast %swap3A_80 : i32 to index
      %swap3A_82 = arith.constant 80 : index
      %swap3A_83 = tpu.vector_load %arg8[%swap3A_81, %swap3A_82] {strides = array<i32>} : memref<2x128xi32, #tpu.memory_space<vmem>>, vector<1x16xi32>,
      %swap3A_84 = vector.shape_cast %swap3A_83 : vector<1x16xi32> to vector<16xi32>
      %swap3A_85 = vector.shape_cast %add3A_79 : vector<16xi32> to vector<1x16xi32>
      tpu.vector_store %arg8[%swap3A_81, %swap3A_82], %swap3A_85 {strides = array<i32>} : memref<2x128xi32, #tpu.memory_space<vmem>>, vector<1x16xi32>,
      %get3A_86 = arith.constant 96 : index
      %get3A_87 = tpu.vector_load %arg6[%get3A_86] {strides = array<i32>} : memref<256xi32, #tpu.memory_space<vmem>>, vector<16xi32>,
      %get3A_88 = vector.shape_cast %get3A_87 : vector<16xi32> to vector<16xi32>
      %add3A_89 = vector.broadcast %mul3A_3 : i32 to vector<16xi32>
      %add3A_90 = arith.addi %get3A_88, %add3A_89 : vector<16xi32>
      %swap3A_91 = arith.constant 0 : i32
      %swap3A_92 = arith.index_cast %swap3A_91 : i32 to index
      %swap3A_93 = arith.constant 96 : index
      %swap3A_94 = tpu.vector_load %arg8[%swap3A_92, %swap3A_93] {strides = array<i32>} : memref<2x128xi32, #tpu.memory_space<vmem>>, vector<1x16xi32>,
      %swap3A_95 = vector.shape_cast %swap3A_94 : vector<1x16xi32> to vector<16xi32>
      %swap3A_96 = vector.shape_cast %add3A_90 : vector<16xi32> to vector<1x16xi32>
      tpu.vector_store %arg8[%swap3A_92, %swap3A_93], %swap3A_96 {strides = array<i32>} : memref<2x128xi32, #tpu.memory_space<vmem>>, vector<1x16xi32>,
      %get3A_97 = arith.constant 112 : index
      %get3A_98 = tpu.vector_load %arg6[%get3A_97] {strides = array<i32>} : memref<256xi32, #tpu.memory_space<vmem>>, vector<16xi32>,
      %get3A_99 = vector.shape_cast %get3A_98 : vector<16xi32> to vector<16xi32>
      %add3A_100 = vector.broadcast %mul3A_3 : i32 to vector<16xi32>
      %add3A_101 = arith.addi %get3A_99, %add3A_100 : vector<16xi32>
      %swap3A_102 = arith.constant 0 : i32
      %swap3A_103 = arith.index_cast %swap3A_102 : i32 to index
      %swap3A_104 = arith.constant 112 : index
      %swap3A_105 = tpu.vector_load %arg8[%swap3A_103, %swap3A_104] {strides = array<i32>} : memref<2x128xi32, #tpu.memory_space<vmem>>, vector<1x16xi32>,
      %swap3A_106 = vector.shape_cast %swap3A_105 : vector<1x16xi32> to vector<16xi32>
      %swap3A_107 = vector.shape_cast %add3A_101 : vector<16xi32> to vector<1x16xi32>
      tpu.vector_store %arg8[%swap3A_103, %swap3A_104], %swap3A_107 {strides = array<i32>} : memref<2x128xi32, #tpu.memory_space<vmem>>, vector<1x16xi32>,
      %get3A_108 = arith.constant 128 : index
      %get3A_109 = tpu.vector_load %arg6[%get3A_108] {strides = array<i32>} : memref<256xi32, #tpu.memory_space<vmem>>, vector<16xi32>,
      %get3A_110 = vector.shape_cast %get3A_109 : vector<16xi32> to vector<16xi32>
      %add3A_111 = vector.broadcast %mul3A_3 : i32 to vector<16xi32>
      %add3A_112 = arith.addi %get3A_110, %add3A_111 : vector<16xi32>
      %swap3A_113 = arith.constant 1 : i32
      %swap3A_114 = arith.index_cast %swap3A_113 : i32 to index
      %swap3A_115 = arith.constant 0 : index
      %swap3A_116 = tpu.vector_load %arg8[%swap3A_114, %swap3A_115] {strides = array<i32>} : memref<2x128xi32, #tpu.memory_space<vmem>>, vector<1x16xi32>,
      %swap3A_117 = vector.shape_cast %swap3A_116 : vector<1x16xi32> to vector<16xi32>
      %swap3A_118 = vector.shape_cast %add3A_112 : vector<16xi32> to vector<1x16xi32>
      tpu.vector_store %arg8[%swap3A_114, %swap3A_115], %swap3A_118 {strides = array<i32>} : memref<2x128xi32, #tpu.memory_space<vmem>>, vector<1x16xi32>,
      %get3A_119 = arith.constant 144 : index
      %get3A_120 = tpu.vector_load %arg6[%get3A_119] {strides = array<i32>} : memref<256xi32, #tpu.memory_space<vmem>>, vector<16xi32>,
      %get3A_121 = vector.shape_cast %get3A_120 : vector<16xi32> to vector<16xi32>
      %add3A_122 = vector.broadcast %mul3A_3 : i32 to vector<16xi32>
      %add3A_123 = arith.addi %get3A_121, %add3A_122 : vector<16xi32>
      %swap3A_124 = arith.constant 1 : i32
      %swap3A_125 = arith.index_cast %swap3A_124 : i32 to index
      %swap3A_126 = arith.constant 16 : index
      %swap3A_127 = tpu.vector_load %arg8[%swap3A_125, %swap3A_126] {strides = array<i32>} : memref<2x128xi32, #tpu.memory_space<vmem>>, vector<1x16xi32>,
      %swap3A_128 = vector.shape_cast %swap3A_127 : vector<1x16xi32> to vector<16xi32>
      %swap3A_129 = vector.shape_cast %add3A_123 : vector<16xi32> to vector<1x16xi32>
      tpu.vector_store %arg8[%swap3A_125, %swap3A_126], %swap3A_129 {strides = array<i32>} : memref<2x128xi32, #tpu.memory_space<vmem>>, vector<1x16xi32>,
      %get3A_130 = arith.constant 160 : index
      %get3A_131 = tpu.vector_load %arg6[%get3A_130] {strides = array<i32>} : memref<256xi32, #tpu.memory_space<vmem>>, vector<16xi32>,
      %get3A_132 = vector.shape_cast %get3A_131 : vector<16xi32> to vector<16xi32>
      %add3A_133 = vector.broadcast %mul3A_3 : i32 to vector<16xi32>
      %add3A_134 = arith.addi %get3A_132, %add3A_133 : vector<16xi32>
      %swap3A_135 = arith.constant 1 : i32
      %swap3A_136 = arith.index_cast %swap3A_135 : i32 to index
      %swap3A_137 = arith.constant 32 : index
      %swap3A_138 = tpu.vector_load %arg8[%swap3A_136, %swap3A_137] {strides = array<i32>} : memref<2x128xi32, #tpu.memory_space<vmem>>, vector<1x16xi32>,
      %swap3A_139 = vector.shape_cast %swap3A_138 : vector<1x16xi32> to vector<16xi32>
      %swap3A_140 = vector.shape_cast %add3A_134 : vector<16xi32> to vector<1x16xi32>
      tpu.vector_store %arg8[%swap3A_136, %swap3A_137], %swap3A_140 {strides = array<i32>} : memref<2x128xi32, #tpu.memory_space<vmem>>, vector<1x16xi32>,
      %get3A_141 = arith.constant 176 : index
      %get3A_142 = tpu.vector_load %arg6[%get3A_141] {strides = array<i32>} : memref<256xi32, #tpu.memory_space<vmem>>, vector<16xi32>,
      %get3A_143 = vector.shape_cast %get3A_142 : vector<16xi32> to vector<16xi32>
      %add3A_144 = vector.broadcast %mul3A_3 : i32 to vector<16xi32>
      %add3A_145 = arith.addi %get3A_143, %add3A_144 : vector<16xi32>
      %swap3A_146 = arith.constant 1 : i32
      %swap3A_147 = arith.index_cast %swap3A_146 : i32 to index
      %swap3A_148 = arith.constant 48 : index
      %swap3A_149 = tpu.vector_load %arg8[%swap3A_147, %swap3A_148] {strides = array<i32>} : memref<2x128xi32, #tpu.memory_space<vmem>>, vector<1x16xi32>,
      %swap3A_150 = vector.shape_cast %swap3A_149 : vector<1x16xi32> to vector<16xi32>
      %swap3A_151 = vector.shape_cast %add3A_145 : vector<16xi32> to vector<1x16xi32>
      tpu.vector_store %arg8[%swap3A_147, %swap3A_148], %swap3A_151 {strides = array<i32>} : memref<2x128xi32, #tpu.memory_space<vmem>>, vector<1x16xi32>,
      %get3A_152 = arith.constant 192 : index
      %get3A_153 = tpu.vector_load %arg6[%get3A_152] {strides = array<i32>} : memref<256xi32, #tpu.memory_space<vmem>>, vector<16xi32>,
      %get3A_154 = vector.shape_cast %get3A_153 : vector<16xi32> to vector<16xi32>
      %add3A_155 = vector.broadcast %mul3A_3 : i32 to vector<16xi32>
      %add3A_156 = arith.addi %get3A_154, %add3A_155 : vector<16xi32>
      %swap3A_157 = arith.constant 1 : i32
      %swap3A_158 = arith.index_cast %swap3A_157 : i32 to index
      %swap3A_159 = arith.constant 64 : index
      %swap3A_160 = tpu.vector_load %arg8[%swap3A_158, %swap3A_159] {strides = array<i32>} : memref<2x128xi32, #tpu.memory_space<vmem>>, vector<1x16xi32>,
      %swap3A_161 = vector.shape_cast %swap3A_160 : vector<1x16xi32> to vector<16xi32>
      %swap3A_162 = vector.shape_cast %add3A_156 : vector<16xi32> to vector<1x16xi32>
      tpu.vector_store %arg8[%swap3A_158, %swap3A_159], %swap3A_162 {strides = array<i32>} : memref<2x128xi32, #tpu.memory_space<vmem>>, vector<1x16xi32>,
      %get3A_163 = arith.constant 208 : index
      %get3A_164 = tpu.vector_load %arg6[%get3A_163] {strides = array<i32>} : memref<256xi32, #tpu.memory_space<vmem>>, vector<16xi32>,
      %get3A_165 = vector.shape_cast %get3A_164 : vector<16xi32> to vector<16xi32>
      %add3A_166 = vector.broadcast %mul3A_3 : i32 to vector<16xi32>
      %add3A_167 = arith.addi %get3A_165, %add3A_166 : vector<16xi32>
      %swap3A_168 = arith.constant 1 : i32
      %swap3A_169 = arith.index_cast %swap3A_168 : i32 to index
      %swap3A_170 = arith.constant 80 : index
      %swap3A_171 = tpu.vector_load %arg8[%swap3A_169, %swap3A_170] {strides = array<i32>} : memref<2x128xi32, #tpu.memory_space<vmem>>, vector<1x16xi32>,
      %swap3A_172 = vector.shape_cast %swap3A_171 : vector<1x16xi32> to vector<16xi32>
      %swap3A_173 = vector.shape_cast %add3A_167 : vector<16xi32> to vector<1x16xi32>
      tpu.vector_store %arg8[%swap3A_169, %swap3A_170], %swap3A_173 {strides = array<i32>} : memref<2x128xi32, #tpu.memory_space<vmem>>, vector<1x16xi32>,
      %get3A_174 = arith.constant 224 : index
      %get3A_175 = tpu.vector_load %arg6[%get3A_174] {strides = array<i32>} : memref<256xi32, #tpu.memory_space<vmem>>, vector<16xi32>,
      %get3A_176 = vector.shape_cast %get3A_175 : vector<16xi32> to vector<16xi32>
      %add3A_177 = vector.broadcast %mul3A_3 : i32 to vector<16xi32>
      %add3A_178 = arith.addi %get3A_176, %add3A_177 : vector<16xi32>
      %swap3A_179 = arith.constant 1 : i32
      %swap3A_180 = arith.index_cast %swap3A_179 : i32 to index
      %swap3A_181 = arith.constant 96 : index
      %swap3A_182 = tpu.vector_load %arg8[%swap3A_180, %swap3A_181] {strides = array<i32>} : memref<2x128xi32, #tpu.memory_space<vmem>>, vector<1x16xi32>,
      %swap3A_183 = vector.shape_cast %swap3A_182 : vector<1x16xi32> to vector<16xi32>
      %swap3A_184 = vector.shape_cast %add3A_178 : vector<16xi32> to vector<1x16xi32>
      tpu.vector_store %arg8[%swap3A_180, %swap3A_181], %swap3A_184 {strides = array<i32>} : memref<2x128xi32, #tpu.memory_space<vmem>>, vector<1x16xi32>,
      %get3A_185 = arith.constant 240 : index
      %get3A_186 = tpu.vector_load %arg6[%get3A_185] {strides = array<i32>} : memref<256xi32, #tpu.memory_space<vmem>>, vector<16xi32>,
      %get3A_187 = vector.shape_cast %get3A_186 : vector<16xi32> to vector<16xi32>
      %add3A_188 = vector.broadcast %mul3A_3 : i32 to vector<16xi32>
      %add3A_189 = arith.addi %get3A_187, %add3A_188 : vector<16xi32>
      %swap3A_190 = arith.constant 1 : i32
      %swap3A_191 = arith.index_cast %swap3A_190 : i32 to index
      %swap3A_192 = arith.constant 112 : index
      %swap3A_193 = tpu.vector_load %arg8[%swap3A_191, %swap3A_192] {strides = array<i32>} : memref<2x128xi32, #tpu.memory_space<vmem>>, vector<1x16xi32>,
      %swap3A_194 = vector.shape_cast %swap3A_193 : vector<1x16xi32> to vector<16xi32>
      %swap3A_195 = vector.shape_cast %add3A_189 : vector<16xi32> to vector<1x16xi32>
      tpu.vector_store %arg8[%swap3A_191, %swap3A_192], %swap3A_195 {strides = array<i32>} : memref<2x128xi32, #tpu.memory_space<vmem>>, vector<1x16xi32>,
      %dma_start3A = arith.constant 0 : i32
      %dma_start3A_196 = arith.constant 0 : i32
      %dma_start3A_197 = arith.constant 0 : i32
      %dma_start3A_198 = tpu.memref_slice %arg9[%dma_start3A_196, %dma_start3A_197] : memref<256x128xf32, #tpu.memory_space<vmem>> -> memref<128x128xf32, #tpu.memory_space<vmem>>
      %dma_start3A_199 = arith.constant 0 : i32
      %dma_start3A_200 = tpu.memref_slice %arg8[%dma_start3A, %dma_start3A_199] : memref<2x128xi32, #tpu.memory_space<vmem>> -> memref<1x128xi32, #tpu.memory_space<vmem>>
      %dma_start3A_201 = tpu.memref_squeeze %dma_start3A_200 : memref<1x128xi32, #tpu.memory_space<vmem>> -> memref<128xi32, #tpu.memory_space<vmem>>
      %dma_start3A_202 = arith.constant 0 : i32
      %dma_start3A_203 = arith.constant 0 : i32
      %dma_start3A_204 = tpu.memref_slice %arg2[%dma_start3A_202, %dma_start3A_203] : memref<20000x128xf32, #tpu.memory_space<hbm>> -> memref<20000x128xf32, #tpu.memory_space<hbm>>
      tpu.enqueue_indirect_dma source(%dma_start3A_204 : memref<20000x128xf32, #tpu.memory_space<hbm>>) target(%dma_start3A_198 : memref<128x128xf32, #tpu.memory_space<vmem>>) offsets(%dma_start3A_201 : memref<128xi32, #tpu.memory_space<vmem>>) semaphore(%arg11 : memref<!tpu.dma_semaphore, #tpu.memory_space<semaphore_mem>>)
      %dma_start3A_205 = arith.constant 1 : i32
      %dma_start3A_206 = arith.constant 128 : i32
      %dma_start3A_207 = arith.constant 0 : i32
      %dma_start3A_208 = tpu.memref_slice %arg9[%dma_start3A_206, %dma_start3A_207] : memref<256x128xf32, #tpu.memory_space<vmem>> -> memref<128x128xf32, #tpu.memory_space<vmem>>
      %dma_start3A_209 = arith.constant 0 : i32
      %dma_start3A_210 = tpu.memref_slice %arg8[%dma_start3A_205, %dma_start3A_209] : memref<2x128xi32, #tpu.memory_space<vmem>> -> memref<1x128xi32, #tpu.memory_space<vmem>>
      %dma_start3A_211 = tpu.memref_squeeze %dma_start3A_210 : memref<1x128xi32, #tpu.memory_space<vmem>> -> memref<128xi32, #tpu.memory_space<vmem>>
      %dma_start3A_212 = arith.constant 0 : i32
      %dma_start3A_213 = arith.constant 0 : i32
      %dma_start3A_214 = tpu.memref_slice %arg2[%dma_start3A_212, %dma_start3A_213] : memref<20000x128xf32, #tpu.memory_space<hbm>> -> memref<20000x128xf32, #tpu.memory_space<hbm>>
      tpu.enqueue_indirect_dma source(%dma_start3A_214 : memref<20000x128xf32, #tpu.memory_space<hbm>>) target(%dma_start3A_208 : memref<128x128xf32, #tpu.memory_space<vmem>>) offsets(%dma_start3A_211 : memref<128xi32, #tpu.memory_space<vmem>>) semaphore(%arg11 : memref<!tpu.dma_semaphore, #tpu.memory_space<semaphore_mem>>)
      %dma_wait3A = arith.constant 0 : i32
      %dma_wait3A_215 = arith.constant 0 : i32
      %dma_wait3A_216 = arith.constant 0 : i32
      %dma_wait3A_217 = tpu.memref_slice %arg9[%dma_wait3A_215, %dma_wait3A_216] : memref<256x128xf32, #tpu.memory_space<vmem>> -> memref<128x128xf32, #tpu.memory_space<vmem>>
      %dma_wait3A_218 = arith.constant 0 : i32
      %dma_wait3A_219 = tpu.memref_slice %arg8[%dma_wait3A, %dma_wait3A_218] : memref<2x128xi32, #tpu.memory_space<vmem>> -> memref<1x128xi32, #tpu.memory_space<vmem>>
      %dma_wait3A_220 = tpu.memref_squeeze %dma_wait3A_219 : memref<1x128xi32, #tpu.memory_space<vmem>> -> memref<128xi32, #tpu.memory_space<vmem>>
      %dma_wait3A_221 = arith.constant 0 : i32
      %dma_wait3A_222 = arith.constant 0 : i32
      %dma_wait3A_223 = tpu.memref_slice %arg2[%dma_wait3A_221, %dma_wait3A_222] : memref<20000x128xf32, #tpu.memory_space<hbm>> -> memref<20000x128xf32, #tpu.memory_space<hbm>>
      tpu.wait_indirect_dma semaphore(%arg11 : memref<!tpu.dma_semaphore, #tpu.memory_space<semaphore_mem>>) src(%dma_wait3A_223 : memref<20000x128xf32, #tpu.memory_space<hbm>>) dst(%dma_wait3A_217 : memref<128x128xf32, #tpu.memory_space<vmem>>)
      %dma_start3A_224 = arith.constant 0 : i32
      %dma_start3A_225 = arith.constant 0 : i32
      %dma_start3A_226 = tpu.memref_slice %arg9[%dma_start3A_224, %dma_start3A_225] : memref<256x128xf32, #tpu.memory_space<vmem>> -> memref<128x128xf32, #tpu.memory_space<vmem>>
      %dma_start3A_227 = arith.constant 0 : i32
      %dma_start3A_228 = tpu.memref_slice %arg7[%dma_start3A_227] : memref<256xi32, #tpu.memory_space<vmem>> -> memref<128xi32, #tpu.memory_space<vmem>>
      %dma_start3A_229 = arith.constant 0 : i32
      %dma_start3A_230 = arith.constant 0 : i32
      %dma_start3A_231 = tpu.memref_slice %arg10[%dma_start3A_229, %dma_start3A_230] : memref<10008x128xf32, #tpu.memory_space<vmem_shared>> -> memref<10008x128xf32, #tpu.memory_space<vmem_shared>>
      tpu.enqueue_indirect_dma source(%dma_start3A_226 : memref<128x128xf32, #tpu.memory_space<vmem>>) target(%dma_start3A_231 : memref<10008x128xf32, #tpu.memory_space<vmem_shared>>) offsets(%dma_start3A_228 : memref<128xi32, #tpu.memory_space<vmem>>) semaphore(%arg12 : memref<!tpu.dma_semaphore, #tpu.memory_space<semaphore_mem>>) {add = true}
      %dma_wait3A_232 = arith.constant 1 : i32
      %dma_wait3A_233 = arith.constant 128 : i32
      %dma_wait3A_234 = arith.constant 0 : i32
      %dma_wait3A_235 = tpu.memref_slice %arg9[%dma_wait3A_233, %dma_wait3A_234] : memref<256x128xf32, #tpu.memory_space<vmem>> -> memref<128x128xf32, #tpu.memory_space<vmem>>
      %dma_wait3A_236 = arith.constant 0 : i32
      %dma_wait3A_237 = tpu.memref_slice %arg8[%dma_wait3A_232, %dma_wait3A_236] : memref<2x128xi32, #tpu.memory_space<vmem>> -> memref<1x128xi32, #tpu.memory_space<vmem>>
      %dma_wait3A_238 = tpu.memref_squeeze %dma_wait3A_237 : memref<1x128xi32, #tpu.memory_space<vmem>> -> memref<128xi32, #tpu.memory_space<vmem>>
      %dma_wait3A_239 = arith.constant 0 : i32
      %dma_wait3A_240 = arith.constant 0 : i32
      %dma_wait3A_241 = tpu.memref_slice %arg2[%dma_wait3A_239, %dma_wait3A_240] : memref<20000x128xf32, #tpu.memory_space<hbm>> -> memref<20000x128xf32, #tpu.memory_space<hbm>>
      tpu.wait_indirect_dma semaphore(%arg11 : memref<!tpu.dma_semaphore, #tpu.memory_space<semaphore_mem>>) src(%dma_wait3A_241 : memref<20000x128xf32, #tpu.memory_space<hbm>>) dst(%dma_wait3A_235 : memref<128x128xf32, #tpu.memory_space<vmem>>)
      %dma_start3A_242 = arith.constant 128 : i32
      %dma_start3A_243 = arith.constant 0 : i32
      %dma_start3A_244 = tpu.memref_slice %arg9[%dma_start3A_242, %dma_start3A_243] : memref<256x128xf32, #tpu.memory_space<vmem>> -> memref<128x128xf32, #tpu.memory_space<vmem>>
      %dma_start3A_245 = arith.constant 128 : i32
      %dma_start3A_246 = tpu.memref_slice %arg7[%dma_start3A_245] : memref<256xi32, #tpu.memory_space<vmem>> -> memref<128xi32, #tpu.memory_space<vmem>>
      %dma_start3A_247 = arith.constant 0 : i32
      %dma_start3A_248 = arith.constant 0 : i32
      %dma_start3A_249 = tpu.memref_slice %arg10[%dma_start3A_247, %dma_start3A_248] : memref<10008x128xf32, #tpu.memory_space<vmem_shared>> -> memref<10008x128xf32, #tpu.memory_space<vmem_shared>>
      tpu.enqueue_indirect_dma source(%dma_start3A_244 : memref<128x128xf32, #tpu.memory_space<vmem>>) target(%dma_start3A_249 : memref<10008x128xf32, #tpu.memory_space<vmem_shared>>) offsets(%dma_start3A_246 : memref<128xi32, #tpu.memory_space<vmem>>) semaphore(%arg12 : memref<!tpu.dma_semaphore, #tpu.memory_space<semaphore_mem>>) {add = true}
      %dma_wait3A_250 = arith.constant 0 : i32
      %dma_wait3A_251 = arith.constant 0 : i32
      %dma_wait3A_252 = tpu.memref_slice %arg9[%dma_wait3A_250, %dma_wait3A_251] : memref<256x128xf32, #tpu.memory_space<vmem>> -> memref<128x128xf32, #tpu.memory_space<vmem>>
      %dma_wait3A_253 = arith.constant 0 : i32
      %dma_wait3A_254 = tpu.memref_slice %arg7[%dma_wait3A_253] : memref<256xi32, #tpu.memory_space<vmem>> -> memref<128xi32, #tpu.memory_space<vmem>>
      %dma_wait3A_255 = arith.constant 0 : i32
      %dma_wait3A_256 = arith.constant 0 : i32
      %dma_wait3A_257 = tpu.memref_slice %arg10[%dma_wait3A_255, %dma_wait3A_256] : memref<10008x128xf32, #tpu.memory_space<vmem_shared>> -> memref<10008x128xf32, #tpu.memory_space<vmem_shared>>
      tpu.wait_indirect_dma semaphore(%arg12 : memref<!tpu.dma_semaphore, #tpu.memory_space<semaphore_mem>>) src(%dma_wait3A_252 : memref<128x128xf32, #tpu.memory_space<vmem>>) dst(%dma_wait3A_257 : memref<10008x128xf32, #tpu.memory_space<vmem_shared>>)
      %dma_wait3A_258 = arith.constant 128 : i32
      %dma_wait3A_259 = arith.constant 0 : i32
      %dma_wait3A_260 = tpu.memref_slice %arg9[%dma_wait3A_258, %dma_wait3A_259] : memref<256x128xf32, #tpu.memory_space<vmem>> -> memref<128x128xf32, #tpu.memory_space<vmem>>
      %dma_wait3A_261 = arith.constant 128 : i32
      %dma_wait3A_262 = tpu.memref_slice %arg7[%dma_wait3A_261] : memref<256xi32, #tpu.memory_space<vmem>> -> memref<128xi32, #tpu.memory_space<vmem>>
      %dma_wait3A_263 = arith.constant 0 : i32
      %dma_wait3A_264 = arith.constant 0 : i32
      %dma_wait3A_265 = tpu.memref_slice %arg10[%dma_wait3A_263, %dma_wait3A_264] : memref<10008x128xf32, #tpu.memory_space<vmem_shared>> -> memref<10008x128xf32, #tpu.memory_space<vmem_shared>>
      tpu.wait_indirect_dma semaphore(%arg12 : memref<!tpu.dma_semaphore, #tpu.memory_space<semaphore_mem>>) src(%dma_wait3A_260 : memref<128x128xf32, #tpu.memory_space<vmem>>) dst(%dma_wait3A_265 : memref<10008x128xf32, #tpu.memory_space<vmem_shared>>)
    }
    %scan3A_9 = arith.constant 80 : i32
    %barrier3A_10 = arith.constant 0 : index
    tpu.barrier barrier_id(%barrier3A_10)
    %mul3A_11 = arith.constant 10000 : i32
    %mul3A_12 = arith.muli %arg0, %mul3A_11 : i32
    %add3A_13 = arith.addi %mul3A_12, %min3A_1 : i32
    %multiple_of3A_14 = tpu.assume_multiple %add3A_13, 8 : i32
    "tpu.region"() ({
      %run_scoped3A = tpu.sem_alloc : memref<!tpu.dma_semaphore, #tpu.memory_space<semaphore_mem>>
      %dma_start3A = arith.constant 0 : i32
      %dma_start3A_15 = tpu.memref_slice %arg5[%multiple_of3A_14, %dma_start3A] : memref<20000x128xf32, #tpu.memory_space<hbm>> -> memref<632x128xf32, #tpu.memory_space<hbm>>
      %dma_start3A_16 = arith.constant 0 : i32
      %dma_start3A_17 = tpu.memref_slice %arg10[%multiple_of3A, %dma_start3A_16] : memref<10008x128xf32, #tpu.memory_space<vmem_shared>> -> memref<632x128xf32, #tpu.memory_space<vmem_shared>>
      tpu.enqueue_dma source(%dma_start3A_17 : memref<632x128xf32, #tpu.memory_space<vmem_shared>>) target(%dma_start3A_15 : memref<632x128xf32, #tpu.memory_space<hbm>>) target_semaphore(%run_scoped3A : memref<!tpu.dma_semaphore, #tpu.memory_space<semaphore_mem>>)
      %dma_wait3A = arith.constant 0 : i32
      %dma_wait3A_18 = tpu.memref_slice %arg5[%multiple_of3A_14, %dma_wait3A] : memref<20000x128xf32, #tpu.memory_space<hbm>> -> memref<632x128xf32, #tpu.memory_space<hbm>>
      %dma_wait3A_19 = arith.constant 0 : i32
      %dma_wait3A_20 = tpu.memref_slice %arg10[%multiple_of3A, %dma_wait3A_19] : memref<10008x128xf32, #tpu.memory_space<vmem_shared>> -> memref<632x128xf32, #tpu.memory_space<vmem_shared>>
      tpu.wait_dma2 semaphore(%run_scoped3A : memref<!tpu.dma_semaphore, #tpu.memory_space<semaphore_mem>>) src(%dma_wait3A_20 : memref<632x128xf32, #tpu.memory_space<vmem_shared>>) dst(%dma_wait3A_18 : memref<632x128xf32, #tpu.memory_space<hbm>>)
      tpu.yield
    }) : () -> ()
    return
  }
}

#map = affine_map<(d0, d1) -> (0, 0)>
#map1 = affine_map<(d0, d1) -> (0)>
module attributes {stable_mosaic.version = 14 : i64} {
  func.func @seg(%arg0: i32, %arg1: i32, %arg2: memref<20000x128xf32, #tpu.memory_space<hbm>>, %arg3: memref<327680xi32, #tpu.memory_space<hbm>>, %arg4: memref<327680xi32, #tpu.memory_space<hbm>>, %arg5: memref<20000x128xf32, #tpu.memory_space<hbm>>, %arg6: memref<256xi32, #tpu.memory_space<vmem>>, %arg7: memref<256xi32, #tpu.memory_space<vmem>>, %arg8: memref<2x128xi32, #tpu.memory_space<vmem>>, %arg9: memref<256x128xf32, #tpu.memory_space<vmem>>, %arg10: memref<10008x128xf32, #tpu.memory_space<vmem_shared>>, %arg11: memref<!tpu.dma_semaphore, #tpu.memory_space<semaphore_mem>>, %arg12: memref<!tpu.dma_semaphore, #tpu.memory_space<semaphore_mem>>) attributes {dimension_semantics = [#tpu.dimension_semantics<core_parallel>, #tpu.dimension_semantics<subcore_parallel>], iteration_bounds = array<i64: 2, 16>, scalar_prefetch = 0 : i64, scratch_operands = 7 : i64, tpu.core_type = #tpu.core_type<sc_vector_subcore>, window_params = [{transform_indices = #map}, {transform_indices = #map1}, {transform_indices = #map1}, {transform_indices = #map}]} {
    %mul3A = arith.constant 632 : i32
    %mul3A_0 = arith.muli %arg1, %mul3A : i32
    %min3A = arith.constant 9368 : i32
    %min3A_1 = arith.minsi %mul3A_0, %min3A : i32
    %multiple_of3A = tpu.assume_multiple %min3A_1, 8 : i32
    %mul3A_2 = arith.constant 10000 : i32
    %mul3A_3 = arith.muli %arg0, %mul3A_2 : i32
    %add3A = arith.addi %mul3A_3, %min3A_1 : i32
    %multiple_of3A_4 = tpu.assume_multiple %add3A, 8 : i32
    "tpu.region"() ({
      %run_scoped3A = tpu.sem_alloc : memref<!tpu.dma_semaphore, #tpu.memory_space<semaphore_mem>>
      %dma_start3A = arith.constant 0 : i32
      %dma_start3A_15 = tpu.memref_slice %arg10[%multiple_of3A, %dma_start3A] : memref<10008x128xf32, #tpu.memory_space<vmem_shared>> -> memref<632x128xf32, #tpu.memory_space<vmem_shared>>
      %dma_start3A_16 = arith.constant 0 : i32
      %dma_start3A_17 = tpu.memref_slice %arg2[%multiple_of3A_4, %dma_start3A_16] : memref<20000x128xf32, #tpu.memory_space<hbm>> -> memref<632x128xf32, #tpu.memory_space<hbm>>
      tpu.enqueue_dma source(%dma_start3A_17 : memref<632x128xf32, #tpu.memory_space<hbm>>) target(%dma_start3A_15 : memref<632x128xf32, #tpu.memory_space<vmem_shared>>) target_semaphore(%run_scoped3A : memref<!tpu.dma_semaphore, #tpu.memory_space<semaphore_mem>>)
      %dma_wait3A = arith.constant 0 : i32
      %dma_wait3A_18 = tpu.memref_slice %arg10[%multiple_of3A, %dma_wait3A] : memref<10008x128xf32, #tpu.memory_space<vmem_shared>> -> memref<632x128xf32, #tpu.memory_space<vmem_shared>>
      %dma_wait3A_19 = arith.constant 0 : i32
      %dma_wait3A_20 = tpu.memref_slice %arg2[%multiple_of3A_4, %dma_wait3A_19] : memref<20000x128xf32, #tpu.memory_space<hbm>> -> memref<632x128xf32, #tpu.memory_space<hbm>>
      tpu.wait_dma2 semaphore(%run_scoped3A : memref<!tpu.dma_semaphore, #tpu.memory_space<semaphore_mem>>) src(%dma_wait3A_20 : memref<632x128xf32, #tpu.memory_space<hbm>>) dst(%dma_wait3A_18 : memref<632x128xf32, #tpu.memory_space<vmem_shared>>)
      tpu.yield
    }) : () -> ()
    %barrier3A = arith.constant 0 : index
    tpu.barrier barrier_id(%barrier3A)
    %scan3A = arith.constant 0 : i32
    %scan3A_5 = arith.constant 0 : i32
    %scan3A_6 = arith.constant 80 : i32
    %scan3A_7 = arith.addi %scan3A_5, %scan3A_6 : i32
    %scan3A_8 = arith.constant 1 : i32
    scf.for %scan3A_15 = %scan3A_5 to %scan3A_7 step %scan3A_8  : i32 {
      %mul3A_16 = arith.constant 20480 : i32
      %mul3A_17 = arith.muli %arg1, %mul3A_16 : i32
      %mul3A_18 = arith.constant 256 : i32
      %mul3A_19 = arith.muli %scan3A_15, %mul3A_18 : i32
      %add3A_20 = arith.addi %mul3A_17, %mul3A_19 : i32
      %multiple_of3A_21 = tpu.assume_multiple %add3A_20, 128 : i32
      "tpu.region"() ({
        %run_scoped3A = tpu.sem_alloc : memref<!tpu.dma_semaphore, #tpu.memory_space<semaphore_mem>>
        %dma_start3A_266 = tpu.memref_slice %arg3[%multiple_of3A_21] : memref<327680xi32, #tpu.memory_space<hbm>> -> memref<256xi32, #tpu.memory_space<hbm>>
        %dma_start3A_267 = tpu.memref_slice %arg3[%multiple_of3A_21] : memref<327680xi32, #tpu.memory_space<hbm>> -> memref<256xi32, #tpu.memory_space<hbm>>
        tpu.enqueue_dma source(%dma_start3A_267 : memref<256xi32, #tpu.memory_space<hbm>>) target(%arg6 : memref<256xi32, #tpu.memory_space<vmem>>) target_semaphore(%run_scoped3A : memref<!tpu.dma_semaphore, #tpu.memory_space<semaphore_mem>>)
        %dma_wait3A_268 = tpu.memref_slice %arg3[%multiple_of3A_21] : memref<327680xi32, #tpu.memory_space<hbm>> -> memref<256xi32, #tpu.memory_space<hbm>>
        %dma_wait3A_269 = tpu.memref_slice %arg3[%multiple_of3A_21] : memref<327680xi32, #tpu.memory_space<hbm>> -> memref<256xi32, #tpu.memory_space<hbm>>
        tpu.wait_dma2 semaphore(%run_scoped3A : memref<!tpu.dma_semaphore, #tpu.memory_space<semaphore_mem>>) src(%dma_wait3A_269 : memref<256xi32, #tpu.memory_space<hbm>>) dst(%arg6 : memref<256xi32, #tpu.memory_space<vmem>>)
        tpu.yield
      }) : () -> ()
      "tpu.region"() ({
        %run_scoped3A = tpu.sem_alloc : memref<!tpu.dma_semaphore, #tpu.memory_space<semaphore_mem>>
        %dma_start3A_266 = tpu.memref_slice %arg4[%multiple_of3A_21] : memref<327680xi32, #tpu.memory_space<hbm>> -> memref<256xi32, #tpu.memory_space<hbm>>
        %dma_start3A_267 = tpu.memref_slice %arg4[%multiple_of3A_21] : memref<327680xi32, #tpu.memory_space<hbm>> -> memref<256xi32, #tpu.memory_space<hbm>>
        tpu.enqueue_dma source(%dma_start3A_267 : memref<256xi32, #tpu.memory_space<hbm>>) target(%arg7 : memref<256xi32, #tpu.memory_space<vmem>>) target_semaphore(%run_scoped3A : memref<!tpu.dma_semaphore, #tpu.memory_space<semaphore_mem>>)
        %dma_wait3A_268 = tpu.memref_slice %arg4[%multiple_of3A_21] : memref<327680xi32, #tpu.memory_space<hbm>> -> memref<256xi32, #tpu.memory_space<hbm>>
        %dma_wait3A_269 = tpu.memref_slice %arg4[%multiple_of3A_21] : memref<327680xi32, #tpu.memory_space<hbm>> -> memref<256xi32, #tpu.memory_space<hbm>>
        tpu.wait_dma2 semaphore(%run_scoped3A : memref<!tpu.dma_semaphore, #tpu.memory_space<semaphore_mem>>) src(%dma_wait3A_269 : memref<256xi32, #tpu.memory_space<hbm>>) dst(%arg7 : memref<256xi32, #tpu.memory_space<vmem>>)
        tpu.yield
      }) : () -> ()
      %get3A = arith.constant 0 : index
      %get3A_22 = tpu.vector_load %arg6[%get3A] {strides = array<i32>} : memref<256xi32, #tpu.memory_space<vmem>>, vector<16xi32>,
      %get3A_23 = vector.shape_cast %get3A_22 : vector<16xi32> to vector<16xi32>
      %add3A_24 = vector.broadcast %mul3A_3 : i32 to vector<16xi32>
      %add3A_25 = arith.addi %get3A_23, %add3A_24 : vector<16xi32>
      %swap3A = arith.constant 0 : i32
      %swap3A_26 = arith.index_cast %swap3A : i32 to index
      %swap3A_27 = arith.constant 0 : index
      %swap3A_28 = tpu.vector_load %arg8[%swap3A_26, %swap3A_27] {strides = array<i32>} : memref<2x128xi32, #tpu.memory_space<vmem>>, vector<1x16xi32>,
      %swap3A_29 = vector.shape_cast %swap3A_28 : vector<1x16xi32> to vector<16xi32>
      %swap3A_30 = vector.shape_cast %add3A_25 : vector<16xi32> to vector<1x16xi32>
      tpu.vector_store %arg8[%swap3A_26, %swap3A_27], %swap3A_30 {strides = array<i32>} : memref<2x128xi32, #tpu.memory_space<vmem>>, vector<1x16xi32>,
      %get3A_31 = arith.constant 16 : index
      %get3A_32 = tpu.vector_load %arg6[%get3A_31] {strides = array<i32>} : memref<256xi32, #tpu.memory_space<vmem>>, vector<16xi32>,
      %get3A_33 = vector.shape_cast %get3A_32 : vector<16xi32> to vector<16xi32>
      %add3A_34 = vector.broadcast %mul3A_3 : i32 to vector<16xi32>
      %add3A_35 = arith.addi %get3A_33, %add3A_34 : vector<16xi32>
      %swap3A_36 = arith.constant 0 : i32
      %swap3A_37 = arith.index_cast %swap3A_36 : i32 to index
      %swap3A_38 = arith.constant 16 : index
      %swap3A_39 = tpu.vector_load %arg8[%swap3A_37, %swap3A_38] {strides = array<i32>} : memref<2x128xi32, #tpu.memory_space<vmem>>, vector<1x16xi32>,
      %swap3A_40 = vector.shape_cast %swap3A_39 : vector<1x16xi32> to vector<16xi32>
      %swap3A_41 = vector.shape_cast %add3A_35 : vector<16xi32> to vector<1x16xi32>
      tpu.vector_store %arg8[%swap3A_37, %swap3A_38], %swap3A_41 {strides = array<i32>} : memref<2x128xi32, #tpu.memory_space<vmem>>, vector<1x16xi32>,
      %get3A_42 = arith.constant 32 : index
      %get3A_43 = tpu.vector_load %arg6[%get3A_42] {strides = array<i32>} : memref<256xi32, #tpu.memory_space<vmem>>, vector<16xi32>,
      %get3A_44 = vector.shape_cast %get3A_43 : vector<16xi32> to vector<16xi32>
      %add3A_45 = vector.broadcast %mul3A_3 : i32 to vector<16xi32>
      %add3A_46 = arith.addi %get3A_44, %add3A_45 : vector<16xi32>
      %swap3A_47 = arith.constant 0 : i32
      %swap3A_48 = arith.index_cast %swap3A_47 : i32 to index
      %swap3A_49 = arith.constant 32 : index
      %swap3A_50 = tpu.vector_load %arg8[%swap3A_48, %swap3A_49] {strides = array<i32>} : memref<2x128xi32, #tpu.memory_space<vmem>>, vector<1x16xi32>,
      %swap3A_51 = vector.shape_cast %swap3A_50 : vector<1x16xi32> to vector<16xi32>
      %swap3A_52 = vector.shape_cast %add3A_46 : vector<16xi32> to vector<1x16xi32>
      tpu.vector_store %arg8[%swap3A_48, %swap3A_49], %swap3A_52 {strides = array<i32>} : memref<2x128xi32, #tpu.memory_space<vmem>>, vector<1x16xi32>,
      %get3A_53 = arith.constant 48 : index
      %get3A_54 = tpu.vector_load %arg6[%get3A_53] {strides = array<i32>} : memref<256xi32, #tpu.memory_space<vmem>>, vector<16xi32>,
      %get3A_55 = vector.shape_cast %get3A_54 : vector<16xi32> to vector<16xi32>
      %add3A_56 = vector.broadcast %mul3A_3 : i32 to vector<16xi32>
      %add3A_57 = arith.addi %get3A_55, %add3A_56 : vector<16xi32>
      %swap3A_58 = arith.constant 0 : i32
      %swap3A_59 = arith.index_cast %swap3A_58 : i32 to index
      %swap3A_60 = arith.constant 48 : index
      %swap3A_61 = tpu.vector_load %arg8[%swap3A_59, %swap3A_60] {strides = array<i32>} : memref<2x128xi32, #tpu.memory_space<vmem>>, vector<1x16xi32>,
      %swap3A_62 = vector.shape_cast %swap3A_61 : vector<1x16xi32> to vector<16xi32>
      %swap3A_63 = vector.shape_cast %add3A_57 : vector<16xi32> to vector<1x16xi32>
      tpu.vector_store %arg8[%swap3A_59, %swap3A_60], %swap3A_63 {strides = array<i32>} : memref<2x128xi32, #tpu.memory_space<vmem>>, vector<1x16xi32>,
      %get3A_64 = arith.constant 64 : index
      %get3A_65 = tpu.vector_load %arg6[%get3A_64] {strides = array<i32>} : memref<256xi32, #tpu.memory_space<vmem>>, vector<16xi32>,
      %get3A_66 = vector.shape_cast %get3A_65 : vector<16xi32> to vector<16xi32>
      %add3A_67 = vector.broadcast %mul3A_3 : i32 to vector<16xi32>
      %add3A_68 = arith.addi %get3A_66, %add3A_67 : vector<16xi32>
      %swap3A_69 = arith.constant 0 : i32
      %swap3A_70 = arith.index_cast %swap3A_69 : i32 to index
      %swap3A_71 = arith.constant 64 : index
      %swap3A_72 = tpu.vector_load %arg8[%swap3A_70, %swap3A_71] {strides = array<i32>} : memref<2x128xi32, #tpu.memory_space<vmem>>, vector<1x16xi32>,
      %swap3A_73 = vector.shape_cast %swap3A_72 : vector<1x16xi32> to vector<16xi32>
      %swap3A_74 = vector.shape_cast %add3A_68 : vector<16xi32> to vector<1x16xi32>
      tpu.vector_store %arg8[%swap3A_70, %swap3A_71], %swap3A_74 {strides = array<i32>} : memref<2x128xi32, #tpu.memory_space<vmem>>, vector<1x16xi32>,
      %get3A_75 = arith.constant 80 : index
      %get3A_76 = tpu.vector_load %arg6[%get3A_75] {strides = array<i32>} : memref<256xi32, #tpu.memory_space<vmem>>, vector<16xi32>,
      %get3A_77 = vector.shape_cast %get3A_76 : vector<16xi32> to vector<16xi32>
      %add3A_78 = vector.broadcast %mul3A_3 : i32 to vector<16xi32>
      %add3A_79 = arith.addi %get3A_77, %add3A_78 : vector<16xi32>
      %swap3A_80 = arith.constant 0 : i32
      %swap3A_81 = arith.index_cast %swap3A_80 : i32 to index
      %swap3A_82 = arith.constant 80 : index
      %swap3A_83 = tpu.vector_load %arg8[%swap3A_81, %swap3A_82] {strides = array<i32>} : memref<2x128xi32, #tpu.memory_space<vmem>>, vector<1x16xi32>,
      %swap3A_84 = vector.shape_cast %swap3A_83 : vector<1x16xi32> to vector<16xi32>
      %swap3A_85 = vector.shape_cast %add3A_79 : vector<16xi32> to vector<1x16xi32>
      tpu.vector_store %arg8[%swap3A_81, %swap3A_82], %swap3A_85 {strides = array<i32>} : memref<2x128xi32, #tpu.memory_space<vmem>>, vector<1x16xi32>,
      %get3A_86 = arith.constant 96 : index
      %get3A_87 = tpu.vector_load %arg6[%get3A_86] {strides = array<i32>} : memref<256xi32, #tpu.memory_space<vmem>>, vector<16xi32>,
      %get3A_88 = vector.shape_cast %get3A_87 : vector<16xi32> to vector<16xi32>
      %add3A_89 = vector.broadcast %mul3A_3 : i32 to vector<16xi32>
      %add3A_90 = arith.addi %get3A_88, %add3A_89 : vector<16xi32>
      %swap3A_91 = arith.constant 0 : i32
      %swap3A_92 = arith.index_cast %swap3A_91 : i32 to index
      %swap3A_93 = arith.constant 96 : index
      %swap3A_94 = tpu.vector_load %arg8[%swap3A_92, %swap3A_93] {strides = array<i32>} : memref<2x128xi32, #tpu.memory_space<vmem>>, vector<1x16xi32>,
      %swap3A_95 = vector.shape_cast %swap3A_94 : vector<1x16xi32> to vector<16xi32>
      %swap3A_96 = vector.shape_cast %add3A_90 : vector<16xi32> to vector<1x16xi32>
      tpu.vector_store %arg8[%swap3A_92, %swap3A_93], %swap3A_96 {strides = array<i32>} : memref<2x128xi32, #tpu.memory_space<vmem>>, vector<1x16xi32>,
      %get3A_97 = arith.constant 112 : index
      %get3A_98 = tpu.vector_load %arg6[%get3A_97] {strides = array<i32>} : memref<256xi32, #tpu.memory_space<vmem>>, vector<16xi32>,
      %get3A_99 = vector.shape_cast %get3A_98 : vector<16xi32> to vector<16xi32>
      %add3A_100 = vector.broadcast %mul3A_3 : i32 to vector<16xi32>
      %add3A_101 = arith.addi %get3A_99, %add3A_100 : vector<16xi32>
      %swap3A_102 = arith.constant 0 : i32
      %swap3A_103 = arith.index_cast %swap3A_102 : i32 to index
      %swap3A_104 = arith.constant 112 : index
      %swap3A_105 = tpu.vector_load %arg8[%swap3A_103, %swap3A_104] {strides = array<i32>} : memref<2x128xi32, #tpu.memory_space<vmem>>, vector<1x16xi32>,
      %swap3A_106 = vector.shape_cast %swap3A_105 : vector<1x16xi32> to vector<16xi32>
      %swap3A_107 = vector.shape_cast %add3A_101 : vector<16xi32> to vector<1x16xi32>
      tpu.vector_store %arg8[%swap3A_103, %swap3A_104], %swap3A_107 {strides = array<i32>} : memref<2x128xi32, #tpu.memory_space<vmem>>, vector<1x16xi32>,
      %get3A_108 = arith.constant 128 : index
      %get3A_109 = tpu.vector_load %arg6[%get3A_108] {strides = array<i32>} : memref<256xi32, #tpu.memory_space<vmem>>, vector<16xi32>,
      %get3A_110 = vector.shape_cast %get3A_109 : vector<16xi32> to vector<16xi32>
      %add3A_111 = vector.broadcast %mul3A_3 : i32 to vector<16xi32>
      %add3A_112 = arith.addi %get3A_110, %add3A_111 : vector<16xi32>
      %swap3A_113 = arith.constant 1 : i32
      %swap3A_114 = arith.index_cast %swap3A_113 : i32 to index
      %swap3A_115 = arith.constant 0 : index
      %swap3A_116 = tpu.vector_load %arg8[%swap3A_114, %swap3A_115] {strides = array<i32>} : memref<2x128xi32, #tpu.memory_space<vmem>>, vector<1x16xi32>,
      %swap3A_117 = vector.shape_cast %swap3A_116 : vector<1x16xi32> to vector<16xi32>
      %swap3A_118 = vector.shape_cast %add3A_112 : vector<16xi32> to vector<1x16xi32>
      tpu.vector_store %arg8[%swap3A_114, %swap3A_115], %swap3A_118 {strides = array<i32>} : memref<2x128xi32, #tpu.memory_space<vmem>>, vector<1x16xi32>,
      %get3A_119 = arith.constant 144 : index
      %get3A_120 = tpu.vector_load %arg6[%get3A_119] {strides = array<i32>} : memref<256xi32, #tpu.memory_space<vmem>>, vector<16xi32>,
      %get3A_121 = vector.shape_cast %get3A_120 : vector<16xi32> to vector<16xi32>
      %add3A_122 = vector.broadcast %mul3A_3 : i32 to vector<16xi32>
      %add3A_123 = arith.addi %get3A_121, %add3A_122 : vector<16xi32>
      %swap3A_124 = arith.constant 1 : i32
      %swap3A_125 = arith.index_cast %swap3A_124 : i32 to index
      %swap3A_126 = arith.constant 16 : index
      %swap3A_127 = tpu.vector_load %arg8[%swap3A_125, %swap3A_126] {strides = array<i32>} : memref<2x128xi32, #tpu.memory_space<vmem>>, vector<1x16xi32>,
      %swap3A_128 = vector.shape_cast %swap3A_127 : vector<1x16xi32> to vector<16xi32>
      %swap3A_129 = vector.shape_cast %add3A_123 : vector<16xi32> to vector<1x16xi32>
      tpu.vector_store %arg8[%swap3A_125, %swap3A_126], %swap3A_129 {strides = array<i32>} : memref<2x128xi32, #tpu.memory_space<vmem>>, vector<1x16xi32>,
      %get3A_130 = arith.constant 160 : index
      %get3A_131 = tpu.vector_load %arg6[%get3A_130] {strides = array<i32>} : memref<256xi32, #tpu.memory_space<vmem>>, vector<16xi32>,
      %get3A_132 = vector.shape_cast %get3A_131 : vector<16xi32> to vector<16xi32>
      %add3A_133 = vector.broadcast %mul3A_3 : i32 to vector<16xi32>
      %add3A_134 = arith.addi %get3A_132, %add3A_133 : vector<16xi32>
      %swap3A_135 = arith.constant 1 : i32
      %swap3A_136 = arith.index_cast %swap3A_135 : i32 to index
      %swap3A_137 = arith.constant 32 : index
      %swap3A_138 = tpu.vector_load %arg8[%swap3A_136, %swap3A_137] {strides = array<i32>} : memref<2x128xi32, #tpu.memory_space<vmem>>, vector<1x16xi32>,
      %swap3A_139 = vector.shape_cast %swap3A_138 : vector<1x16xi32> to vector<16xi32>
      %swap3A_140 = vector.shape_cast %add3A_134 : vector<16xi32> to vector<1x16xi32>
      tpu.vector_store %arg8[%swap3A_136, %swap3A_137], %swap3A_140 {strides = array<i32>} : memref<2x128xi32, #tpu.memory_space<vmem>>, vector<1x16xi32>,
      %get3A_141 = arith.constant 176 : index
      %get3A_142 = tpu.vector_load %arg6[%get3A_141] {strides = array<i32>} : memref<256xi32, #tpu.memory_space<vmem>>, vector<16xi32>,
      %get3A_143 = vector.shape_cast %get3A_142 : vector<16xi32> to vector<16xi32>
      %add3A_144 = vector.broadcast %mul3A_3 : i32 to vector<16xi32>
      %add3A_145 = arith.addi %get3A_143, %add3A_144 : vector<16xi32>
      %swap3A_146 = arith.constant 1 : i32
      %swap3A_147 = arith.index_cast %swap3A_146 : i32 to index
      %swap3A_148 = arith.constant 48 : index
      %swap3A_149 = tpu.vector_load %arg8[%swap3A_147, %swap3A_148] {strides = array<i32>} : memref<2x128xi32, #tpu.memory_space<vmem>>, vector<1x16xi32>,
      %swap3A_150 = vector.shape_cast %swap3A_149 : vector<1x16xi32> to vector<16xi32>
      %swap3A_151 = vector.shape_cast %add3A_145 : vector<16xi32> to vector<1x16xi32>
      tpu.vector_store %arg8[%swap3A_147, %swap3A_148], %swap3A_151 {strides = array<i32>} : memref<2x128xi32, #tpu.memory_space<vmem>>, vector<1x16xi32>,
      %get3A_152 = arith.constant 192 : index
      %get3A_153 = tpu.vector_load %arg6[%get3A_152] {strides = array<i32>} : memref<256xi32, #tpu.memory_space<vmem>>, vector<16xi32>,
      %get3A_154 = vector.shape_cast %get3A_153 : vector<16xi32> to vector<16xi32>
      %add3A_155 = vector.broadcast %mul3A_3 : i32 to vector<16xi32>
      %add3A_156 = arith.addi %get3A_154, %add3A_155 : vector<16xi32>
      %swap3A_157 = arith.constant 1 : i32
      %swap3A_158 = arith.index_cast %swap3A_157 : i32 to index
      %swap3A_159 = arith.constant 64 : index
      %swap3A_160 = tpu.vector_load %arg8[%swap3A_158, %swap3A_159] {strides = array<i32>} : memref<2x128xi32, #tpu.memory_space<vmem>>, vector<1x16xi32>,
      %swap3A_161 = vector.shape_cast %swap3A_160 : vector<1x16xi32> to vector<16xi32>
      %swap3A_162 = vector.shape_cast %add3A_156 : vector<16xi32> to vector<1x16xi32>
      tpu.vector_store %arg8[%swap3A_158, %swap3A_159], %swap3A_162 {strides = array<i32>} : memref<2x128xi32, #tpu.memory_space<vmem>>, vector<1x16xi32>,
      %get3A_163 = arith.constant 208 : index
      %get3A_164 = tpu.vector_load %arg6[%get3A_163] {strides = array<i32>} : memref<256xi32, #tpu.memory_space<vmem>>, vector<16xi32>,
      %get3A_165 = vector.shape_cast %get3A_164 : vector<16xi32> to vector<16xi32>
      %add3A_166 = vector.broadcast %mul3A_3 : i32 to vector<16xi32>
      %add3A_167 = arith.addi %get3A_165, %add3A_166 : vector<16xi32>
      %swap3A_168 = arith.constant 1 : i32
      %swap3A_169 = arith.index_cast %swap3A_168 : i32 to index
      %swap3A_170 = arith.constant 80 : index
      %swap3A_171 = tpu.vector_load %arg8[%swap3A_169, %swap3A_170] {strides = array<i32>} : memref<2x128xi32, #tpu.memory_space<vmem>>, vector<1x16xi32>,
      %swap3A_172 = vector.shape_cast %swap3A_171 : vector<1x16xi32> to vector<16xi32>
      %swap3A_173 = vector.shape_cast %add3A_167 : vector<16xi32> to vector<1x16xi32>
      tpu.vector_store %arg8[%swap3A_169, %swap3A_170], %swap3A_173 {strides = array<i32>} : memref<2x128xi32, #tpu.memory_space<vmem>>, vector<1x16xi32>,
      %get3A_174 = arith.constant 224 : index
      %get3A_175 = tpu.vector_load %arg6[%get3A_174] {strides = array<i32>} : memref<256xi32, #tpu.memory_space<vmem>>, vector<16xi32>,
      %get3A_176 = vector.shape_cast %get3A_175 : vector<16xi32> to vector<16xi32>
      %add3A_177 = vector.broadcast %mul3A_3 : i32 to vector<16xi32>
      %add3A_178 = arith.addi %get3A_176, %add3A_177 : vector<16xi32>
      %swap3A_179 = arith.constant 1 : i32
      %swap3A_180 = arith.index_cast %swap3A_179 : i32 to index
      %swap3A_181 = arith.constant 96 : index
      %swap3A_182 = tpu.vector_load %arg8[%swap3A_180, %swap3A_181] {strides = array<i32>} : memref<2x128xi32, #tpu.memory_space<vmem>>, vector<1x16xi32>,
      %swap3A_183 = vector.shape_cast %swap3A_182 : vector<1x16xi32> to vector<16xi32>
      %swap3A_184 = vector.shape_cast %add3A_178 : vector<16xi32> to vector<1x16xi32>
      tpu.vector_store %arg8[%swap3A_180, %swap3A_181], %swap3A_184 {strides = array<i32>} : memref<2x128xi32, #tpu.memory_space<vmem>>, vector<1x16xi32>,
      %get3A_185 = arith.constant 240 : index
      %get3A_186 = tpu.vector_load %arg6[%get3A_185] {strides = array<i32>} : memref<256xi32, #tpu.memory_space<vmem>>, vector<16xi32>,
      %get3A_187 = vector.shape_cast %get3A_186 : vector<16xi32> to vector<16xi32>
      %add3A_188 = vector.broadcast %mul3A_3 : i32 to vector<16xi32>
      %add3A_189 = arith.addi %get3A_187, %add3A_188 : vector<16xi32>
      %swap3A_190 = arith.constant 1 : i32
      %swap3A_191 = arith.index_cast %swap3A_190 : i32 to index
      %swap3A_192 = arith.constant 112 : index
      %swap3A_193 = tpu.vector_load %arg8[%swap3A_191, %swap3A_192] {strides = array<i32>} : memref<2x128xi32, #tpu.memory_space<vmem>>, vector<1x16xi32>,
      %swap3A_194 = vector.shape_cast %swap3A_193 : vector<1x16xi32> to vector<16xi32>
      %swap3A_195 = vector.shape_cast %add3A_189 : vector<16xi32> to vector<1x16xi32>
      tpu.vector_store %arg8[%swap3A_191, %swap3A_192], %swap3A_195 {strides = array<i32>} : memref<2x128xi32, #tpu.memory_space<vmem>>, vector<1x16xi32>,
      %dma_start3A = arith.constant 0 : i32
      %dma_start3A_196 = arith.constant 0 : i32
      %dma_start3A_197 = arith.constant 0 : i32
      %dma_start3A_198 = tpu.memref_slice %arg9[%dma_start3A_196, %dma_start3A_197] : memref<256x128xf32, #tpu.memory_space<vmem>> -> memref<128x128xf32, #tpu.memory_space<vmem>>
      %dma_start3A_199 = arith.constant 0 : i32
      %dma_start3A_200 = tpu.memref_slice %arg8[%dma_start3A, %dma_start3A_199] : memref<2x128xi32, #tpu.memory_space<vmem>> -> memref<1x128xi32, #tpu.memory_space<vmem>>
      %dma_start3A_201 = tpu.memref_squeeze %dma_start3A_200 : memref<1x128xi32, #tpu.memory_space<vmem>> -> memref<128xi32, #tpu.memory_space<vmem>>
      %dma_start3A_202 = arith.constant 0 : i32
      %dma_start3A_203 = arith.constant 0 : i32
      %dma_start3A_204 = tpu.memref_slice %arg2[%dma_start3A_202, %dma_start3A_203] : memref<20000x128xf32, #tpu.memory_space<hbm>> -> memref<20000x128xf32, #tpu.memory_space<hbm>>
      tpu.enqueue_indirect_dma source(%dma_start3A_204 : memref<20000x128xf32, #tpu.memory_space<hbm>>) target(%dma_start3A_198 : memref<128x128xf32, #tpu.memory_space<vmem>>) offsets(%dma_start3A_201 : memref<128xi32, #tpu.memory_space<vmem>>) semaphore(%arg11 : memref<!tpu.dma_semaphore, #tpu.memory_space<semaphore_mem>>)
      %dma_start3A_205 = arith.constant 1 : i32
      %dma_start3A_206 = arith.constant 128 : i32
      %dma_start3A_207 = arith.constant 0 : i32
      %dma_start3A_208 = tpu.memref_slice %arg9[%dma_start3A_206, %dma_start3A_207] : memref<256x128xf32, #tpu.memory_space<vmem>> -> memref<128x128xf32, #tpu.memory_space<vmem>>
      %dma_start3A_209 = arith.constant 0 : i32
      %dma_start3A_210 = tpu.memref_slice %arg8[%dma_start3A_205, %dma_start3A_209] : memref<2x128xi32, #tpu.memory_space<vmem>> -> memref<1x128xi32, #tpu.memory_space<vmem>>
      %dma_start3A_211 = tpu.memref_squeeze %dma_start3A_210 : memref<1x128xi32, #tpu.memory_space<vmem>> -> memref<128xi32, #tpu.memory_space<vmem>>
      %dma_start3A_212 = arith.constant 0 : i32
      %dma_start3A_213 = arith.constant 0 : i32
      %dma_start3A_214 = tpu.memref_slice %arg2[%dma_start3A_212, %dma_start3A_213] : memref<20000x128xf32, #tpu.memory_space<hbm>> -> memref<20000x128xf32, #tpu.memory_space<hbm>>
      tpu.enqueue_indirect_dma source(%dma_start3A_214 : memref<20000x128xf32, #tpu.memory_space<hbm>>) target(%dma_start3A_208 : memref<128x128xf32, #tpu.memory_space<vmem>>) offsets(%dma_start3A_211 : memref<128xi32, #tpu.memory_space<vmem>>) semaphore(%arg11 : memref<!tpu.dma_semaphore, #tpu.memory_space<semaphore_mem>>)
      %dma_wait3A = arith.constant 0 : i32
      %dma_wait3A_215 = arith.constant 0 : i32
      %dma_wait3A_216 = arith.constant 0 : i32
      %dma_wait3A_217 = tpu.memref_slice %arg9[%dma_wait3A_215, %dma_wait3A_216] : memref<256x128xf32, #tpu.memory_space<vmem>> -> memref<128x128xf32, #tpu.memory_space<vmem>>
      %dma_wait3A_218 = arith.constant 0 : i32
      %dma_wait3A_219 = tpu.memref_slice %arg8[%dma_wait3A, %dma_wait3A_218] : memref<2x128xi32, #tpu.memory_space<vmem>> -> memref<1x128xi32, #tpu.memory_space<vmem>>
      %dma_wait3A_220 = tpu.memref_squeeze %dma_wait3A_219 : memref<1x128xi32, #tpu.memory_space<vmem>> -> memref<128xi32, #tpu.memory_space<vmem>>
      %dma_wait3A_221 = arith.constant 0 : i32
      %dma_wait3A_222 = arith.constant 0 : i32
      %dma_wait3A_223 = tpu.memref_slice %arg2[%dma_wait3A_221, %dma_wait3A_222] : memref<20000x128xf32, #tpu.memory_space<hbm>> -> memref<20000x128xf32, #tpu.memory_space<hbm>>
      tpu.wait_indirect_dma semaphore(%arg11 : memref<!tpu.dma_semaphore, #tpu.memory_space<semaphore_mem>>) src(%dma_wait3A_223 : memref<20000x128xf32, #tpu.memory_space<hbm>>) dst(%dma_wait3A_217 : memref<128x128xf32, #tpu.memory_space<vmem>>)
      %dma_start3A_224 = arith.constant 0 : i32
      %dma_start3A_225 = arith.constant 0 : i32
      %dma_start3A_226 = tpu.memref_slice %arg9[%dma_start3A_224, %dma_start3A_225] : memref<256x128xf32, #tpu.memory_space<vmem>> -> memref<128x128xf32, #tpu.memory_space<vmem>>
      %dma_start3A_227 = arith.constant 0 : i32
      %dma_start3A_228 = tpu.memref_slice %arg7[%dma_start3A_227] : memref<256xi32, #tpu.memory_space<vmem>> -> memref<128xi32, #tpu.memory_space<vmem>>
      %dma_start3A_229 = arith.constant 0 : i32
      %dma_start3A_230 = arith.constant 0 : i32
      %dma_start3A_231 = tpu.memref_slice %arg10[%dma_start3A_229, %dma_start3A_230] : memref<10008x128xf32, #tpu.memory_space<vmem_shared>> -> memref<10008x128xf32, #tpu.memory_space<vmem_shared>>
      tpu.enqueue_indirect_dma source(%dma_start3A_226 : memref<128x128xf32, #tpu.memory_space<vmem>>) target(%dma_start3A_231 : memref<10008x128xf32, #tpu.memory_space<vmem_shared>>) offsets(%dma_start3A_228 : memref<128xi32, #tpu.memory_space<vmem>>) semaphore(%arg12 : memref<!tpu.dma_semaphore, #tpu.memory_space<semaphore_mem>>) {add = true}
      %dma_wait3A_232 = arith.constant 1 : i32
      %dma_wait3A_233 = arith.constant 128 : i32
      %dma_wait3A_234 = arith.constant 0 : i32
      %dma_wait3A_235 = tpu.memref_slice %arg9[%dma_wait3A_233, %dma_wait3A_234] : memref<256x128xf32, #tpu.memory_space<vmem>> -> memref<128x128xf32, #tpu.memory_space<vmem>>
      %dma_wait3A_236 = arith.constant 0 : i32
      %dma_wait3A_237 = tpu.memref_slice %arg8[%dma_wait3A_232, %dma_wait3A_236] : memref<2x128xi32, #tpu.memory_space<vmem>> -> memref<1x128xi32, #tpu.memory_space<vmem>>
      %dma_wait3A_238 = tpu.memref_squeeze %dma_wait3A_237 : memref<1x128xi32, #tpu.memory_space<vmem>> -> memref<128xi32, #tpu.memory_space<vmem>>
      %dma_wait3A_239 = arith.constant 0 : i32
      %dma_wait3A_240 = arith.constant 0 : i32
      %dma_wait3A_241 = tpu.memref_slice %arg2[%dma_wait3A_239, %dma_wait3A_240] : memref<20000x128xf32, #tpu.memory_space<hbm>> -> memref<20000x128xf32, #tpu.memory_space<hbm>>
      tpu.wait_indirect_dma semaphore(%arg11 : memref<!tpu.dma_semaphore, #tpu.memory_space<semaphore_mem>>) src(%dma_wait3A_241 : memref<20000x128xf32, #tpu.memory_space<hbm>>) dst(%dma_wait3A_235 : memref<128x128xf32, #tpu.memory_space<vmem>>)
      %dma_start3A_242 = arith.constant 128 : i32
      %dma_start3A_243 = arith.constant 0 : i32
      %dma_start3A_244 = tpu.memref_slice %arg9[%dma_start3A_242, %dma_start3A_243] : memref<256x128xf32, #tpu.memory_space<vmem>> -> memref<128x128xf32, #tpu.memory_space<vmem>>
      %dma_start3A_245 = arith.constant 128 : i32
      %dma_start3A_246 = tpu.memref_slice %arg7[%dma_start3A_245] : memref<256xi32, #tpu.memory_space<vmem>> -> memref<128xi32, #tpu.memory_space<vmem>>
      %dma_start3A_247 = arith.constant 0 : i32
      %dma_start3A_248 = arith.constant 0 : i32
      %dma_start3A_249 = tpu.memref_slice %arg10[%dma_start3A_247, %dma_start3A_248] : memref<10008x128xf32, #tpu.memory_space<vmem_shared>> -> memref<10008x128xf32, #tpu.memory_space<vmem_shared>>
      tpu.enqueue_indirect_dma source(%dma_start3A_244 : memref<128x128xf32, #tpu.memory_space<vmem>>) target(%dma_start3A_249 : memref<10008x128xf32, #tpu.memory_space<vmem_shared>>) offsets(%dma_start3A_246 : memref<128xi32, #tpu.memory_space<vmem>>) semaphore(%arg12 : memref<!tpu.dma_semaphore, #tpu.memory_space<semaphore_mem>>) {add = true}
      %dma_wait3A_250 = arith.constant 0 : i32
      %dma_wait3A_251 = arith.constant 0 : i32
      %dma_wait3A_252 = tpu.memref_slice %arg9[%dma_wait3A_250, %dma_wait3A_251] : memref<256x128xf32, #tpu.memory_space<vmem>> -> memref<128x128xf32, #tpu.memory_space<vmem>>
      %dma_wait3A_253 = arith.constant 0 : i32
      %dma_wait3A_254 = tpu.memref_slice %arg7[%dma_wait3A_253] : memref<256xi32, #tpu.memory_space<vmem>> -> memref<128xi32, #tpu.memory_space<vmem>>
      %dma_wait3A_255 = arith.constant 0 : i32
      %dma_wait3A_256 = arith.constant 0 : i32
      %dma_wait3A_257 = tpu.memref_slice %arg10[%dma_wait3A_255, %dma_wait3A_256] : memref<10008x128xf32, #tpu.memory_space<vmem_shared>> -> memref<10008x128xf32, #tpu.memory_space<vmem_shared>>
      tpu.wait_indirect_dma semaphore(%arg12 : memref<!tpu.dma_semaphore, #tpu.memory_space<semaphore_mem>>) src(%dma_wait3A_252 : memref<128x128xf32, #tpu.memory_space<vmem>>) dst(%dma_wait3A_257 : memref<10008x128xf32, #tpu.memory_space<vmem_shared>>)
      %dma_wait3A_258 = arith.constant 128 : i32
      %dma_wait3A_259 = arith.constant 0 : i32
      %dma_wait3A_260 = tpu.memref_slice %arg9[%dma_wait3A_258, %dma_wait3A_259] : memref<256x128xf32, #tpu.memory_space<vmem>> -> memref<128x128xf32, #tpu.memory_space<vmem>>
      %dma_wait3A_261 = arith.constant 128 : i32
      %dma_wait3A_262 = tpu.memref_slice %arg7[%dma_wait3A_261] : memref<256xi32, #tpu.memory_space<vmem>> -> memref<128xi32, #tpu.memory_space<vmem>>
      %dma_wait3A_263 = arith.constant 0 : i32
      %dma_wait3A_264 = arith.constant 0 : i32
      %dma_wait3A_265 = tpu.memref_slice %arg10[%dma_wait3A_263, %dma_wait3A_264] : memref<10008x128xf32, #tpu.memory_space<vmem_shared>> -> memref<10008x128xf32, #tpu.memory_space<vmem_shared>>
      tpu.wait_indirect_dma semaphore(%arg12 : memref<!tpu.dma_semaphore, #tpu.memory_space<semaphore_mem>>) src(%dma_wait3A_260 : memref<128x128xf32, #tpu.memory_space<vmem>>) dst(%dma_wait3A_265 : memref<10008x128xf32, #tpu.memory_space<vmem_shared>>)
    }
    %scan3A_9 = arith.constant 80 : i32
    %barrier3A_10 = arith.constant 0 : index
    tpu.barrier barrier_id(%barrier3A_10)
    %mul3A_11 = arith.constant 10000 : i32
    %mul3A_12 = arith.muli %arg0, %mul3A_11 : i32
    %add3A_13 = arith.addi %mul3A_12, %min3A_1 : i32
    %multiple_of3A_14 = tpu.assume_multiple %add3A_13, 8 : i32
    "tpu.region"() ({
      %run_scoped3A = tpu.sem_alloc : memref<!tpu.dma_semaphore, #tpu.memory_space<semaphore_mem>>
      %dma_start3A = arith.constant 0 : i32
      %dma_start3A_15 = tpu.memref_slice %arg5[%multiple_of3A_14, %dma_start3A] : memref<20000x128xf32, #tpu.memory_space<hbm>> -> memref<632x128xf32, #tpu.memory_space<hbm>>
      %dma_start3A_16 = arith.constant 0 : i32
      %dma_start3A_17 = tpu.memref_slice %arg10[%multiple_of3A, %dma_start3A_16] : memref<10008x128xf32, #tpu.memory_space<vmem_shared>> -> memref<632x128xf32, #tpu.memory_space<vmem_shared>>
      tpu.enqueue_dma source(%dma_start3A_17 : memref<632x128xf32, #tpu.memory_space<vmem_shared>>) target(%dma_start3A_15 : memref<632x128xf32, #tpu.memory_space<hbm>>) target_semaphore(%run_scoped3A : memref<!tpu.dma_semaphore, #tpu.memory_space<semaphore_mem>>)
      %dma_wait3A = arith.constant 0 : i32
      %dma_wait3A_18 = tpu.memref_slice %arg5[%multiple_of3A_14, %dma_wait3A] : memref<20000x128xf32, #tpu.memory_space<hbm>> -> memref<632x128xf32, #tpu.memory_space<hbm>>
      %dma_wait3A_19 = arith.constant 0 : i32
      %dma_wait3A_20 = tpu.memref_slice %arg10[%multiple_of3A, %dma_wait3A_19] : memref<10008x128xf32, #tpu.memory_space<vmem_shared>> -> memref<632x128xf32, #tpu.memory_space<vmem_shared>>
      tpu.wait_dma2 semaphore(%run_scoped3A : memref<!tpu.dma_semaphore, #tpu.memory_space<semaphore_mem>>) src(%dma_wait3A_20 : memref<632x128xf32, #tpu.memory_space<vmem_shared>>) dst(%dma_wait3A_18 : memref<632x128xf32, #tpu.memory_space<hbm>>)
      tpu.yield
    }) : () -> ()
    return
  }
}

#map = affine_map<(d0, d1) -> (0, 0)>
#map1 = affine_map<(d0, d1) -> (0)>
module attributes {stable_mosaic.version = 14 : i64} {
  func.func @seg(%arg0: i32, %arg1: i32, %arg2: memref<10000x128xf32, #tpu.memory_space<hbm>>, %arg3: memref<327680xi32, #tpu.memory_space<hbm>>, %arg4: memref<327680xi32, #tpu.memory_space<hbm>>, %arg5: memref<20000x128xf32, #tpu.memory_space<hbm>>, %arg6: memref<256xi32, #tpu.memory_space<vmem>>, %arg7: memref<256xi32, #tpu.memory_space<vmem>>, %arg8: memref<2x128xi32, #tpu.memory_space<vmem>>, %arg9: memref<256x128xf32, #tpu.memory_space<vmem>>, %arg10: memref<10008x128xf32, #tpu.memory_space<vmem_shared>>, %arg11: memref<!tpu.dma_semaphore, #tpu.memory_space<semaphore_mem>>, %arg12: memref<!tpu.dma_semaphore, #tpu.memory_space<semaphore_mem>>) attributes {dimension_semantics = [#tpu.dimension_semantics<core_parallel>, #tpu.dimension_semantics<subcore_parallel>], iteration_bounds = array<i64: 2, 16>, scalar_prefetch = 0 : i64, scratch_operands = 7 : i64, tpu.core_type = #tpu.core_type<sc_vector_subcore>, window_params = [{transform_indices = #map}, {transform_indices = #map1}, {transform_indices = #map1}, {transform_indices = #map}]} {
    %mul3A = arith.constant 632 : i32
    %mul3A_0 = arith.muli %arg1, %mul3A : i32
    %min3A = arith.constant 9368 : i32
    %min3A_1 = arith.minsi %mul3A_0, %min3A : i32
    %multiple_of3A = tpu.assume_multiple %min3A_1, 8 : i32
    %add3A = arith.constant 0 : i32
    %add3A_2 = arith.addi %add3A, %min3A_1 : i32
    %multiple_of3A_3 = tpu.assume_multiple %add3A_2, 8 : i32
    "tpu.region"() ({
      %run_scoped3A = tpu.sem_alloc : memref<!tpu.dma_semaphore, #tpu.memory_space<semaphore_mem>>
      %dma_start3A = arith.constant 0 : i32
      %dma_start3A_17 = tpu.memref_slice %arg10[%multiple_of3A, %dma_start3A] : memref<10008x128xf32, #tpu.memory_space<vmem_shared>> -> memref<632x128xf32, #tpu.memory_space<vmem_shared>>
      %dma_start3A_18 = arith.constant 0 : i32
      %dma_start3A_19 = tpu.memref_slice %arg2[%multiple_of3A_3, %dma_start3A_18] : memref<10000x128xf32, #tpu.memory_space<hbm>> -> memref<632x128xf32, #tpu.memory_space<hbm>>
      tpu.enqueue_dma source(%dma_start3A_19 : memref<632x128xf32, #tpu.memory_space<hbm>>) target(%dma_start3A_17 : memref<632x128xf32, #tpu.memory_space<vmem_shared>>) target_semaphore(%run_scoped3A : memref<!tpu.dma_semaphore, #tpu.memory_space<semaphore_mem>>)
      %dma_wait3A = arith.constant 0 : i32
      %dma_wait3A_20 = tpu.memref_slice %arg10[%multiple_of3A, %dma_wait3A] : memref<10008x128xf32, #tpu.memory_space<vmem_shared>> -> memref<632x128xf32, #tpu.memory_space<vmem_shared>>
      %dma_wait3A_21 = arith.constant 0 : i32
      %dma_wait3A_22 = tpu.memref_slice %arg2[%multiple_of3A_3, %dma_wait3A_21] : memref<10000x128xf32, #tpu.memory_space<hbm>> -> memref<632x128xf32, #tpu.memory_space<hbm>>
      tpu.wait_dma2 semaphore(%run_scoped3A : memref<!tpu.dma_semaphore, #tpu.memory_space<semaphore_mem>>) src(%dma_wait3A_22 : memref<632x128xf32, #tpu.memory_space<hbm>>) dst(%dma_wait3A_20 : memref<632x128xf32, #tpu.memory_space<vmem_shared>>)
      tpu.yield
    }) : () -> ()
    %barrier3A = arith.constant 0 : index
    tpu.barrier barrier_id(%barrier3A)
    %mul3A_4 = arith.constant 16 : i32
    %mul3A_5 = arith.muli %arg0, %mul3A_4 : i32
    %add3A_6 = arith.addi %mul3A_5, %arg1 : i32
    %scan3A = arith.constant 0 : i32
    %scan3A_7 = arith.constant 0 : i32
    %scan3A_8 = arith.constant 40 : i32
    %scan3A_9 = arith.addi %scan3A_7, %scan3A_8 : i32
    %scan3A_10 = arith.constant 1 : i32
    scf.for %scan3A_17 = %scan3A_7 to %scan3A_9 step %scan3A_10  : i32 {
      %mul3A_18 = arith.constant 10240 : i32
      %mul3A_19 = arith.muli %add3A_6, %mul3A_18 : i32
      %mul3A_20 = arith.constant 256 : i32
      %mul3A_21 = arith.muli %scan3A_17, %mul3A_20 : i32
      %add3A_22 = arith.addi %mul3A_19, %mul3A_21 : i32
      %multiple_of3A_23 = tpu.assume_multiple %add3A_22, 128 : i32
      "tpu.region"() ({
        %run_scoped3A = tpu.sem_alloc : memref<!tpu.dma_semaphore, #tpu.memory_space<semaphore_mem>>
        %dma_start3A_86 = tpu.memref_slice %arg3[%multiple_of3A_23] : memref<327680xi32, #tpu.memory_space<hbm>> -> memref<256xi32, #tpu.memory_space<hbm>>
        %dma_start3A_87 = tpu.memref_slice %arg3[%multiple_of3A_23] : memref<327680xi32, #tpu.memory_space<hbm>> -> memref<256xi32, #tpu.memory_space<hbm>>
        tpu.enqueue_dma source(%dma_start3A_87 : memref<256xi32, #tpu.memory_space<hbm>>) target(%arg6 : memref<256xi32, #tpu.memory_space<vmem>>) target_semaphore(%run_scoped3A : memref<!tpu.dma_semaphore, #tpu.memory_space<semaphore_mem>>)
        %dma_wait3A_88 = tpu.memref_slice %arg3[%multiple_of3A_23] : memref<327680xi32, #tpu.memory_space<hbm>> -> memref<256xi32, #tpu.memory_space<hbm>>
        %dma_wait3A_89 = tpu.memref_slice %arg3[%multiple_of3A_23] : memref<327680xi32, #tpu.memory_space<hbm>> -> memref<256xi32, #tpu.memory_space<hbm>>
        tpu.wait_dma2 semaphore(%run_scoped3A : memref<!tpu.dma_semaphore, #tpu.memory_space<semaphore_mem>>) src(%dma_wait3A_89 : memref<256xi32, #tpu.memory_space<hbm>>) dst(%arg6 : memref<256xi32, #tpu.memory_space<vmem>>)
        tpu.yield
      }) : () -> ()
      "tpu.region"() ({
        %run_scoped3A = tpu.sem_alloc : memref<!tpu.dma_semaphore, #tpu.memory_space<semaphore_mem>>
        %dma_start3A_86 = tpu.memref_slice %arg4[%multiple_of3A_23] : memref<327680xi32, #tpu.memory_space<hbm>> -> memref<256xi32, #tpu.memory_space<hbm>>
        %dma_start3A_87 = tpu.memref_slice %arg4[%multiple_of3A_23] : memref<327680xi32, #tpu.memory_space<hbm>> -> memref<256xi32, #tpu.memory_space<hbm>>
        tpu.enqueue_dma source(%dma_start3A_87 : memref<256xi32, #tpu.memory_space<hbm>>) target(%arg7 : memref<256xi32, #tpu.memory_space<vmem>>) target_semaphore(%run_scoped3A : memref<!tpu.dma_semaphore, #tpu.memory_space<semaphore_mem>>)
        %dma_wait3A_88 = tpu.memref_slice %arg4[%multiple_of3A_23] : memref<327680xi32, #tpu.memory_space<hbm>> -> memref<256xi32, #tpu.memory_space<hbm>>
        %dma_wait3A_89 = tpu.memref_slice %arg4[%multiple_of3A_23] : memref<327680xi32, #tpu.memory_space<hbm>> -> memref<256xi32, #tpu.memory_space<hbm>>
        tpu.wait_dma2 semaphore(%run_scoped3A : memref<!tpu.dma_semaphore, #tpu.memory_space<semaphore_mem>>) src(%dma_wait3A_89 : memref<256xi32, #tpu.memory_space<hbm>>) dst(%arg7 : memref<256xi32, #tpu.memory_space<vmem>>)
        tpu.yield
      }) : () -> ()
      %dma_start3A = arith.constant 0 : i32
      %dma_start3A_24 = arith.constant 0 : i32
      %dma_start3A_25 = tpu.memref_slice %arg9[%dma_start3A, %dma_start3A_24] : memref<256x128xf32, #tpu.memory_space<vmem>> -> memref<128x128xf32, #tpu.memory_space<vmem>>
      %dma_start3A_26 = arith.constant 0 : i32
      %dma_start3A_27 = tpu.memref_slice %arg6[%dma_start3A_26] : memref<256xi32, #tpu.memory_space<vmem>> -> memref<128xi32, #tpu.memory_space<vmem>>
      %dma_start3A_28 = arith.constant 0 : i32
      %dma_start3A_29 = arith.constant 0 : i32
      %dma_start3A_30 = tpu.memref_slice %arg2[%dma_start3A_28, %dma_start3A_29] : memref<10000x128xf32, #tpu.memory_space<hbm>> -> memref<10000x128xf32, #tpu.memory_space<hbm>>
      tpu.enqueue_indirect_dma source(%dma_start3A_30 : memref<10000x128xf32, #tpu.memory_space<hbm>>) target(%dma_start3A_25 : memref<128x128xf32, #tpu.memory_space<vmem>>) offsets(%dma_start3A_27 : memref<128xi32, #tpu.memory_space<vmem>>) semaphore(%arg11 : memref<!tpu.dma_semaphore, #tpu.memory_space<semaphore_mem>>)
      %dma_start3A_31 = arith.constant 128 : i32
      %dma_start3A_32 = arith.constant 0 : i32
      %dma_start3A_33 = tpu.memref_slice %arg9[%dma_start3A_31, %dma_start3A_32] : memref<256x128xf32, #tpu.memory_space<vmem>> -> memref<128x128xf32, #tpu.memory_space<vmem>>
      %dma_start3A_34 = arith.constant 128 : i32
      %dma_start3A_35 = tpu.memref_slice %arg6[%dma_start3A_34] : memref<256xi32, #tpu.memory_space<vmem>> -> memref<128xi32, #tpu.memory_space<vmem>>
      %dma_start3A_36 = arith.constant 0 : i32
      %dma_start3A_37 = arith.constant 0 : i32
      %dma_start3A_38 = tpu.memref_slice %arg2[%dma_start3A_36, %dma_start3A_37] : memref<10000x128xf32, #tpu.memory_space<hbm>> -> memref<10000x128xf32, #tpu.memory_space<hbm>>
      tpu.enqueue_indirect_dma source(%dma_start3A_38 : memref<10000x128xf32, #tpu.memory_space<hbm>>) target(%dma_start3A_33 : memref<128x128xf32, #tpu.memory_space<vmem>>) offsets(%dma_start3A_35 : memref<128xi32, #tpu.memory_space<vmem>>) semaphore(%arg11 : memref<!tpu.dma_semaphore, #tpu.memory_space<semaphore_mem>>)
      %dma_wait3A = arith.constant 0 : i32
      %dma_wait3A_39 = arith.constant 0 : i32
      %dma_wait3A_40 = tpu.memref_slice %arg9[%dma_wait3A, %dma_wait3A_39] : memref<256x128xf32, #tpu.memory_space<vmem>> -> memref<128x128xf32, #tpu.memory_space<vmem>>
      %dma_wait3A_41 = arith.constant 0 : i32
      %dma_wait3A_42 = tpu.memref_slice %arg6[%dma_wait3A_41] : memref<256xi32, #tpu.memory_space<vmem>> -> memref<128xi32, #tpu.memory_space<vmem>>
      %dma_wait3A_43 = arith.constant 0 : i32
      %dma_wait3A_44 = arith.constant 0 : i32
      %dma_wait3A_45 = tpu.memref_slice %arg2[%dma_wait3A_43, %dma_wait3A_44] : memref<10000x128xf32, #tpu.memory_space<hbm>> -> memref<10000x128xf32, #tpu.memory_space<hbm>>
      tpu.wait_indirect_dma semaphore(%arg11 : memref<!tpu.dma_semaphore, #tpu.memory_space<semaphore_mem>>) src(%dma_wait3A_45 : memref<10000x128xf32, #tpu.memory_space<hbm>>) dst(%dma_wait3A_40 : memref<128x128xf32, #tpu.memory_space<vmem>>)
      %dma_start3A_46 = arith.constant 0 : i32
      %dma_start3A_47 = arith.constant 0 : i32
      %dma_start3A_48 = tpu.memref_slice %arg9[%dma_start3A_46, %dma_start3A_47] : memref<256x128xf32, #tpu.memory_space<vmem>> -> memref<128x128xf32, #tpu.memory_space<vmem>>
      %dma_start3A_49 = arith.constant 0 : i32
      %dma_start3A_50 = tpu.memref_slice %arg7[%dma_start3A_49] : memref<256xi32, #tpu.memory_space<vmem>> -> memref<128xi32, #tpu.memory_space<vmem>>
      %dma_start3A_51 = arith.constant 0 : i32
      %dma_start3A_52 = arith.constant 0 : i32
      %dma_start3A_53 = tpu.memref_slice %arg10[%dma_start3A_51, %dma_start3A_52] : memref<10008x128xf32, #tpu.memory_space<vmem_shared>> -> memref<10008x128xf32, #tpu.memory_space<vmem_shared>>
      tpu.enqueue_indirect_dma source(%dma_start3A_48 : memref<128x128xf32, #tpu.memory_space<vmem>>) target(%dma_start3A_53 : memref<10008x128xf32, #tpu.memory_space<vmem_shared>>) offsets(%dma_start3A_50 : memref<128xi32, #tpu.memory_space<vmem>>) semaphore(%arg12 : memref<!tpu.dma_semaphore, #tpu.memory_space<semaphore_mem>>) {add = true}
      %dma_wait3A_54 = arith.constant 128 : i32
      %dma_wait3A_55 = arith.constant 0 : i32
      %dma_wait3A_56 = tpu.memref_slice %arg9[%dma_wait3A_54, %dma_wait3A_55] : memref<256x128xf32, #tpu.memory_space<vmem>> -> memref<128x128xf32, #tpu.memory_space<vmem>>
      %dma_wait3A_57 = arith.constant 128 : i32
      %dma_wait3A_58 = tpu.memref_slice %arg6[%dma_wait3A_57] : memref<256xi32, #tpu.memory_space<vmem>> -> memref<128xi32, #tpu.memory_space<vmem>>
      %dma_wait3A_59 = arith.constant 0 : i32
      %dma_wait3A_60 = arith.constant 0 : i32
      %dma_wait3A_61 = tpu.memref_slice %arg2[%dma_wait3A_59, %dma_wait3A_60] : memref<10000x128xf32, #tpu.memory_space<hbm>> -> memref<10000x128xf32, #tpu.memory_space<hbm>>
      tpu.wait_indirect_dma semaphore(%arg11 : memref<!tpu.dma_semaphore, #tpu.memory_space<semaphore_mem>>) src(%dma_wait3A_61 : memref<10000x128xf32, #tpu.memory_space<hbm>>) dst(%dma_wait3A_56 : memref<128x128xf32, #tpu.memory_space<vmem>>)
      %dma_start3A_62 = arith.constant 128 : i32
      %dma_start3A_63 = arith.constant 0 : i32
      %dma_start3A_64 = tpu.memref_slice %arg9[%dma_start3A_62, %dma_start3A_63] : memref<256x128xf32, #tpu.memory_space<vmem>> -> memref<128x128xf32, #tpu.memory_space<vmem>>
      %dma_start3A_65 = arith.constant 128 : i32
      %dma_start3A_66 = tpu.memref_slice %arg7[%dma_start3A_65] : memref<256xi32, #tpu.memory_space<vmem>> -> memref<128xi32, #tpu.memory_space<vmem>>
      %dma_start3A_67 = arith.constant 0 : i32
      %dma_start3A_68 = arith.constant 0 : i32
      %dma_start3A_69 = tpu.memref_slice %arg10[%dma_start3A_67, %dma_start3A_68] : memref<10008x128xf32, #tpu.memory_space<vmem_shared>> -> memref<10008x128xf32, #tpu.memory_space<vmem_shared>>
      tpu.enqueue_indirect_dma source(%dma_start3A_64 : memref<128x128xf32, #tpu.memory_space<vmem>>) target(%dma_start3A_69 : memref<10008x128xf32, #tpu.memory_space<vmem_shared>>) offsets(%dma_start3A_66 : memref<128xi32, #tpu.memory_space<vmem>>) semaphore(%arg12 : memref<!tpu.dma_semaphore, #tpu.memory_space<semaphore_mem>>) {add = true}
      %dma_wait3A_70 = arith.constant 0 : i32
      %dma_wait3A_71 = arith.constant 0 : i32
      %dma_wait3A_72 = tpu.memref_slice %arg9[%dma_wait3A_70, %dma_wait3A_71] : memref<256x128xf32, #tpu.memory_space<vmem>> -> memref<128x128xf32, #tpu.memory_space<vmem>>
      %dma_wait3A_73 = arith.constant 0 : i32
      %dma_wait3A_74 = tpu.memref_slice %arg7[%dma_wait3A_73] : memref<256xi32, #tpu.memory_space<vmem>> -> memref<128xi32, #tpu.memory_space<vmem>>
      %dma_wait3A_75 = arith.constant 0 : i32
      %dma_wait3A_76 = arith.constant 0 : i32
      %dma_wait3A_77 = tpu.memref_slice %arg10[%dma_wait3A_75, %dma_wait3A_76] : memref<10008x128xf32, #tpu.memory_space<vmem_shared>> -> memref<10008x128xf32, #tpu.memory_space<vmem_shared>>
      tpu.wait_indirect_dma semaphore(%arg12 : memref<!tpu.dma_semaphore, #tpu.memory_space<semaphore_mem>>) src(%dma_wait3A_72 : memref<128x128xf32, #tpu.memory_space<vmem>>) dst(%dma_wait3A_77 : memref<10008x128xf32, #tpu.memory_space<vmem_shared>>)
      %dma_wait3A_78 = arith.constant 128 : i32
      %dma_wait3A_79 = arith.constant 0 : i32
      %dma_wait3A_80 = tpu.memref_slice %arg9[%dma_wait3A_78, %dma_wait3A_79] : memref<256x128xf32, #tpu.memory_space<vmem>> -> memref<128x128xf32, #tpu.memory_space<vmem>>
      %dma_wait3A_81 = arith.constant 128 : i32
      %dma_wait3A_82 = tpu.memref_slice %arg7[%dma_wait3A_81] : memref<256xi32, #tpu.memory_space<vmem>> -> memref<128xi32, #tpu.memory_space<vmem>>
      %dma_wait3A_83 = arith.constant 0 : i32
      %dma_wait3A_84 = arith.constant 0 : i32
      %dma_wait3A_85 = tpu.memref_slice %arg10[%dma_wait3A_83, %dma_wait3A_84] : memref<10008x128xf32, #tpu.memory_space<vmem_shared>> -> memref<10008x128xf32, #tpu.memory_space<vmem_shared>>
      tpu.wait_indirect_dma semaphore(%arg12 : memref<!tpu.dma_semaphore, #tpu.memory_space<semaphore_mem>>) src(%dma_wait3A_80 : memref<128x128xf32, #tpu.memory_space<vmem>>) dst(%dma_wait3A_85 : memref<10008x128xf32, #tpu.memory_space<vmem_shared>>)
    }
    %scan3A_11 = arith.constant 40 : i32
    %barrier3A_12 = arith.constant 0 : index
    tpu.barrier barrier_id(%barrier3A_12)
    %mul3A_13 = arith.constant 10000 : i32
    %mul3A_14 = arith.muli %arg0, %mul3A_13 : i32
    %add3A_15 = arith.addi %mul3A_14, %min3A_1 : i32
    %multiple_of3A_16 = tpu.assume_multiple %add3A_15, 8 : i32
    "tpu.region"() ({
      %run_scoped3A = tpu.sem_alloc : memref<!tpu.dma_semaphore, #tpu.memory_space<semaphore_mem>>
      %dma_start3A = arith.constant 0 : i32
      %dma_start3A_17 = tpu.memref_slice %arg5[%multiple_of3A_16, %dma_start3A] : memref<20000x128xf32, #tpu.memory_space<hbm>> -> memref<632x128xf32, #tpu.memory_space<hbm>>
      %dma_start3A_18 = arith.constant 0 : i32
      %dma_start3A_19 = tpu.memref_slice %arg10[%multiple_of3A, %dma_start3A_18] : memref<10008x128xf32, #tpu.memory_space<vmem_shared>> -> memref<632x128xf32, #tpu.memory_space<vmem_shared>>
      tpu.enqueue_dma source(%dma_start3A_19 : memref<632x128xf32, #tpu.memory_space<vmem_shared>>) target(%dma_start3A_17 : memref<632x128xf32, #tpu.memory_space<hbm>>) target_semaphore(%run_scoped3A : memref<!tpu.dma_semaphore, #tpu.memory_space<semaphore_mem>>)
      %dma_wait3A = arith.constant 0 : i32
      %dma_wait3A_20 = tpu.memref_slice %arg5[%multiple_of3A_16, %dma_wait3A] : memref<20000x128xf32, #tpu.memory_space<hbm>> -> memref<632x128xf32, #tpu.memory_space<hbm>>
      %dma_wait3A_21 = arith.constant 0 : i32
      %dma_wait3A_22 = tpu.memref_slice %arg10[%multiple_of3A, %dma_wait3A_21] : memref<10008x128xf32, #tpu.memory_space<vmem_shared>> -> memref<632x128xf32, #tpu.memory_space<vmem_shared>>
      tpu.wait_dma2 semaphore(%run_scoped3A : memref<!tpu.dma_semaphore, #tpu.memory_space<semaphore_mem>>) src(%dma_wait3A_22 : memref<632x128xf32, #tpu.memory_space<vmem_shared>>) dst(%dma_wait3A_20 : memref<632x128xf32, #tpu.memory_space<hbm>>)
      tpu.yield
    }) : () -> ()
    return
  }
}

module attributes {stable_mosaic.version = 14 : i64} {
  func.func @body(%arg0: memref<10000x256xf32, #tpu.memory_space<vmem>>, %arg1: memref<2x256xf32, #tpu.memory_space<vmem>>) attributes {dimension_semantics = [], scalar_prefetch = 0 : i64, scratch_operands = 0 : i64, tpu.core_type = #tpu.core_type<tc>} {
    %get3A = arith.constant 0 : index
    %get3A_0 = arith.constant 0 : index
    %get3A_1 = vector.load %arg0[%get3A, %get3A_0] : memref<10000x256xf32, #tpu.memory_space<vmem>>, vector<10000x256xf32>
    %reduce_sum3A = arith.constant dense<0.000000e+00> : vector<256xf32>
    %reduce_sum3A_2 = vector.multi_reduction <add>, %get3A_1, %reduce_sum3A [0] : vector<10000x256xf32> to vector<256xf32>
    %div3A = arith.constant 1.000000e+04 : f32
    %div3A_3 = vector.broadcast %div3A : f32 to vector<256xf32>
    %div3A_4 = arith.divf %reduce_sum3A_2, %div3A_3 : vector<256xf32>
    %broadcast_in_dim3A = vector.shape_cast %div3A_4 : vector<256xf32> to vector<1x256xf32>
    %sub3A = vector.broadcast %broadcast_in_dim3A : vector<1x256xf32> to vector<10000x256xf32>
    %sub3A_5 = arith.subf %get3A_1, %sub3A : vector<10000x256xf32>
    %integer_pow3A = arith.mulf %sub3A_5, %sub3A_5 : vector<10000x256xf32>
    %reduce_sum3A_6 = arith.constant dense<0.000000e+00> : vector<256xf32>
    %reduce_sum3A_7 = vector.multi_reduction <add>, %integer_pow3A, %reduce_sum3A_6 [0] : vector<10000x256xf32> to vector<256xf32>
    %div3A_8 = arith.constant 1.000000e+04 : f32
    %div3A_9 = vector.broadcast %div3A_8 : f32 to vector<256xf32>
    %div3A_10 = arith.divf %reduce_sum3A_7, %div3A_9 : vector<256xf32>
    %stack3A = vector.shape_cast %div3A_4 : vector<256xf32> to vector<1x256xf32>
    %stack3A_11 = vector.shape_cast %div3A_10 : vector<256xf32> to vector<1x256xf32>
    %stack3A_12 = tpu.concatenate %stack3A, %stack3A_11 in 0 : vector<1x256xf32>, vector<1x256xf32> -> vector<2x256xf32>
    %swap3A = arith.constant 0 : index
    %swap3A_13 = arith.constant 0 : index
    %swap3A_14 = vector.load %arg1[%swap3A, %swap3A_13] : memref<2x256xf32, #tpu.memory_space<vmem>>, vector<2x256xf32>
    tpu.vector_store %arg1[%swap3A, %swap3A_13], %stack3A_12 {strides = array<i32>} : memref<2x256xf32, #tpu.memory_space<vmem>>, vector<2x256xf32>,
    return
  }
}

module attributes {stable_mosaic.version = 14 : i64} {
  func.func @body(%arg0: i32, %arg1: memref<2x1000x128xf32, #tpu.memory_space<vmem>>, %arg2: memref<1000x128xf32, #tpu.memory_space<vmem>>, %arg3: memref<128x256xf32, #tpu.memory_space<vmem>>, %arg4: memref<1x256xf32, #tpu.memory_space<vmem>>, %arg5: memref<1000x256xf32, #tpu.memory_space<vmem>>, %arg6: memref<1x2x256xf32, #tpu.memory_space<vmem>>) attributes {dimension_semantics = [#tpu.dimension_semantics<arbitrary>], iteration_bounds = array<i64: 10>, scalar_prefetch = 0 : i64, scratch_operands = 0 : i64, tpu.core_type = #tpu.core_type<tc>, window_params = [{transform_indices = @transform_0, window_bounds = array<i64: 2, 1000, 128>}, {transform_indices = @transform_1, window_bounds = array<i64: 1000, 128>}, {pipeline_mode = #tpu.pipeline_mode<synchronous>, transform_indices = @transform_2, window_bounds = array<i64: 128, 256>}, {pipeline_mode = #tpu.pipeline_mode<synchronous>, transform_indices = @transform_3, window_bounds = array<i64: 1, 256>}, {transform_indices = @transform_4, window_bounds = array<i64: 1000, 256>}, {transform_indices = @transform_5, window_bounds = array<i64: 1, 2, 256>}]} {
    %get3A = arith.constant 0 : index
    %get3A_0 = arith.constant 0 : index
    %get3A_1 = arith.constant 0 : index
    %get3A_2 = vector.load %arg1[%get3A, %get3A_0, %get3A_1] : memref<2x1000x128xf32, #tpu.memory_space<vmem>>, vector<1x1000x128xf32>
    %get3A_3 = vector.shape_cast %get3A_2 : vector<1x1000x128xf32> to vector<1000x128xf32>
    %get3A_4 = arith.constant 1 : index
    %get3A_5 = arith.constant 0 : index
    %get3A_6 = arith.constant 0 : index
    %get3A_7 = vector.load %arg1[%get3A_4, %get3A_5, %get3A_6] : memref<2x1000x128xf32, #tpu.memory_space<vmem>>, vector<1x1000x128xf32>
    %get3A_8 = vector.shape_cast %get3A_7 : vector<1x1000x128xf32> to vector<1000x128xf32>
    %add3A = arith.addf %get3A_3, %get3A_8 : vector<1000x128xf32>
    %get3A_9 = arith.constant 0 : index
    %get3A_10 = arith.constant 0 : index
    %get3A_11 = vector.load %arg2[%get3A_9, %get3A_10] : memref<1000x128xf32, #tpu.memory_space<vmem>>, vector<1000x128xf32>
    %sub3A = arith.subf %add3A, %get3A_11 : vector<1000x128xf32>
    %get3A_12 = arith.constant 0 : index
    %get3A_13 = arith.constant 0 : index
    %get3A_14 = vector.load %arg3[%get3A_12, %get3A_13] : memref<128x256xf32, #tpu.memory_space<vmem>>, vector<128x256xf32>
    %dot_general3A = arith.constant dense<0.000000e+00> : vector<1000x256xf32>
    %dot_general3A_15 = tpu.matmul %sub3A, %get3A_14, %dot_general3A {dimension_numbers = #tpu.dot_dimension_numbers<[1], [0], [0], [1], [0, 0, 1, 1], [], []>, transpose_lhs_hint = false} : vector<1000x128xf32>, vector<128x256xf32>, vector<1000x256xf32> -> vector<1000x256xf32>
    %get3A_16 = arith.constant 0 : index
    %get3A_17 = arith.constant 0 : index
    %get3A_18 = vector.load %arg4[%get3A_16, %get3A_17] : memref<1x256xf32, #tpu.memory_space<vmem>>, vector<1x256xf32>
    %add3A_19 = vector.broadcast %get3A_18 : vector<1x256xf32> to vector<1000x256xf32>
    %add3A_20 = arith.addf %dot_general3A_15, %add3A_19 : vector<1000x256xf32>
    %jit3A = arith.constant 2.000000e-01 : f32
    %ge3A = arith.constant 0.000000e+00 : f32
    %ge3A_21 = vector.broadcast %ge3A : f32 to vector<1000x256xf32>
    %ge3A_22 = arith.cmpf oge, %add3A_20, %ge3A_21 : vector<1000x256xf32>
    %mul3A = vector.broadcast %jit3A : f32 to vector<1000x256xf32>
    %mul3A_23 = arith.mulf %mul3A, %add3A_20 : vector<1000x256xf32>
    %select_n3A = arith.select %ge3A_22, %add3A_20, %mul3A_23 : vector<1000x256xi1>, vector<1000x256xf32>
    %swap3A = arith.constant 0 : index
    %swap3A_24 = arith.constant 0 : index
    %swap3A_25 = vector.load %arg5[%swap3A, %swap3A_24] : memref<1000x256xf32, #tpu.memory_space<vmem>>, vector<1000x256xf32>
    tpu.vector_store %arg5[%swap3A, %swap3A_24], %select_n3A {strides = array<i32>} : memref<1000x256xf32, #tpu.memory_space<vmem>>, vector<1000x256xf32>,
    %reduce_sum3A = arith.constant dense<0.000000e+00> : vector<256xf32>
    %reduce_sum3A_26 = vector.multi_reduction <add>, %select_n3A, %reduce_sum3A [0] : vector<1000x256xf32> to vector<256xf32>
    %mul3A_27 = arith.mulf %select_n3A, %select_n3A : vector<1000x256xf32>
    %reduce_sum3A_28 = arith.constant dense<0.000000e+00> : vector<256xf32>
    %reduce_sum3A_29 = vector.multi_reduction <add>, %mul3A_27, %reduce_sum3A_28 [0] : vector<1000x256xf32> to vector<256xf32>
    %stack3A = vector.shape_cast %reduce_sum3A_26 : vector<256xf32> to vector<1x256xf32>
    %stack3A_30 = vector.shape_cast %reduce_sum3A_29 : vector<256xf32> to vector<1x256xf32>
    %stack3A_31 = tpu.concatenate %stack3A, %stack3A_30 in 0 : vector<1x256xf32>, vector<1x256xf32> -> vector<2x256xf32>
    %reshape3A = vector.shape_cast %stack3A_31 : vector<2x256xf32> to vector<1x2x256xf32>
    %swap3A_32 = arith.constant 0 : index
    %swap3A_33 = arith.constant 0 : index
    %swap3A_34 = arith.constant 0 : index
    %swap3A_35 = vector.load %arg6[%swap3A_32, %swap3A_33, %swap3A_34] : memref<1x2x256xf32, #tpu.memory_space<vmem>>, vector<1x2x256xf32>
    tpu.vector_store %arg6[%swap3A_32, %swap3A_33, %swap3A_34], %reshape3A {strides = array<i32>} : memref<1x2x256xf32, #tpu.memory_space<vmem>>, vector<1x2x256xf32>,
    return
  }
  func.func @transform_0(%arg0: i32) -> (i32, i32, i32) {
    %c0_i32 = arith.constant 0 : i32
    %c0_i32_0 = arith.constant 0 : i32
    %c0_i32_1 = arith.constant 0 : i32
    return %c0_i32, %arg0, %c0_i32_0 : i32, i32, i32
  }
  func.func @transform_1(%arg0: i32) -> (i32, i32) {
    %c0_i32 = arith.constant 0 : i32
    %c0_i32_0 = arith.constant 0 : i32
    return %arg0, %c0_i32 : i32, i32
  }
  func.func @transform_2(%arg0: i32) -> (i32, i32) {
    %c0_i32 = arith.constant 0 : i32
    %c0_i32_0 = arith.constant 0 : i32
    %c0_i32_1 = arith.constant 0 : i32
    return %c0_i32, %c0_i32_0 : i32, i32
  }
  func.func @transform_3(%arg0: i32) -> (i32, i32) {
    %c0_i32 = arith.constant 0 : i32
    %c0_i32_0 = arith.constant 0 : i32
    %c0_i32_1 = arith.constant 0 : i32
    return %c0_i32, %c0_i32_0 : i32, i32
  }
  func.func @transform_4(%arg0: i32) -> (i32, i32) {
    %c0_i32 = arith.constant 0 : i32
    %c0_i32_0 = arith.constant 0 : i32
    return %arg0, %c0_i32 : i32, i32
  }
  func.func @transform_5(%arg0: i32) -> (i32, i32, i32) {
    %c0_i32 = arith.constant 0 : i32
    %c0_i32_0 = arith.constant 0 : i32
    %c0_i32_1 = arith.constant 0 : i32
    return %arg0, %c0_i32, %c0_i32_0 : i32, i32, i32
  }
}

module attributes {stable_mosaic.version = 14 : i64} {
  func.func @body(%arg0: i32, %arg1: memref<1000x256xf32, #tpu.memory_space<vmem>>, %arg2: memref<2x256xf32, #tpu.memory_space<vmem>>, %arg3: memref<1x256xf32, #tpu.memory_space<vmem>>, %arg4: memref<1x256xf32, #tpu.memory_space<vmem>>, %arg5: memref<256x256xf32, #tpu.memory_space<vmem>>, %arg6: memref<1x256xf32, #tpu.memory_space<vmem>>, %arg7: memref<2x1000x128xf32, #tpu.memory_space<vmem>>) attributes {dimension_semantics = [#tpu.dimension_semantics<arbitrary>], iteration_bounds = array<i64: 10>, scalar_prefetch = 0 : i64, scratch_operands = 0 : i64, tpu.core_type = #tpu.core_type<tc>, window_params = [{transform_indices = @transform_0, window_bounds = array<i64: 1000, 256>}, {pipeline_mode = #tpu.pipeline_mode<synchronous>, transform_indices = @transform_1, window_bounds = array<i64: 2, 256>}, {pipeline_mode = #tpu.pipeline_mode<synchronous>, transform_indices = @transform_2, window_bounds = array<i64: 1, 256>}, {pipeline_mode = #tpu.pipeline_mode<synchronous>, transform_indices = @transform_3, window_bounds = array<i64: 1, 256>}, {pipeline_mode = #tpu.pipeline_mode<synchronous>, transform_indices = @transform_4, window_bounds = array<i64: 256, 256>}, {pipeline_mode = #tpu.pipeline_mode<synchronous>, transform_indices = @transform_5, window_bounds = array<i64: 1, 256>}, {transform_indices = @transform_6, window_bounds = array<i64: 2, 1000, 128>}]} {
    %get3A = arith.constant 0 : index
    %get3A_0 = arith.constant 0 : index
    %get3A_1 = vector.load %arg2[%get3A, %get3A_0] : memref<2x256xf32, #tpu.memory_space<vmem>>, vector<1x256xf32>
    %get3A_2 = vector.shape_cast %get3A_1 : vector<1x256xf32> to vector<256xf32>
    %get3A_3 = arith.constant 1 : index
    %get3A_4 = arith.constant 0 : index
    %get3A_5 = vector.load %arg2[%get3A_3, %get3A_4] : memref<2x256xf32, #tpu.memory_space<vmem>>, vector<1x256xf32>
    %get3A_6 = vector.shape_cast %get3A_5 : vector<1x256xf32> to vector<256xf32>
    %get3A_7 = arith.constant 0 : index
    %get3A_8 = arith.constant 0 : index
    %get3A_9 = vector.load %arg1[%get3A_7, %get3A_8] : memref<1000x256xf32, #tpu.memory_space<vmem>>, vector<1000x256xf32>
    %broadcast_in_dim3A = vector.shape_cast %get3A_2 : vector<256xf32> to vector<1x256xf32>
    %sub3A = vector.broadcast %broadcast_in_dim3A : vector<1x256xf32> to vector<1000x256xf32>
    %sub3A_10 = arith.subf %get3A_9, %sub3A : vector<1000x256xf32>
    %add3A = arith.constant 9.99999974E-6 : f32
    %add3A_11 = vector.broadcast %add3A : f32 to vector<256xf32>
    %add3A_12 = arith.addf %get3A_6, %add3A_11 : vector<256xf32>
    %sqrt3A = math.sqrt %add3A_12 : vector<256xf32>
    %broadcast_in_dim3A_13 = vector.shape_cast %sqrt3A : vector<256xf32> to vector<1x256xf32>
    %div3A = vector.broadcast %broadcast_in_dim3A_13 : vector<1x256xf32> to vector<1000x256xf32>
    %div3A_14 = arith.divf %sub3A_10, %div3A : vector<1000x256xf32>
    %get3A_15 = arith.constant 0 : index
    %get3A_16 = arith.constant 0 : index
    %get3A_17 = vector.load %arg3[%get3A_15, %get3A_16] : memref<1x256xf32, #tpu.memory_space<vmem>>, vector<1x256xf32>
    %mul3A = vector.broadcast %get3A_17 : vector<1x256xf32> to vector<1000x256xf32>
    %mul3A_18 = arith.mulf %div3A_14, %mul3A : vector<1000x256xf32>
    %get3A_19 = arith.constant 0 : index
    %get3A_20 = arith.constant 0 : index
    %get3A_21 = vector.load %arg4[%get3A_19, %get3A_20] : memref<1x256xf32, #tpu.memory_space<vmem>>, vector<1x256xf32>
    %add3A_22 = vector.broadcast %get3A_21 : vector<1x256xf32> to vector<1000x256xf32>
    %add3A_23 = arith.addf %mul3A_18, %add3A_22 : vector<1000x256xf32>
    %get3A_24 = arith.constant 0 : index
    %get3A_25 = arith.constant 0 : index
    %get3A_26 = vector.load %arg5[%get3A_24, %get3A_25] : memref<256x256xf32, #tpu.memory_space<vmem>>, vector<256x256xf32>
    %dot_general3A = arith.constant dense<0.000000e+00> : vector<1000x256xf32>
    %dot_general3A_27 = tpu.matmul %add3A_23, %get3A_26, %dot_general3A {dimension_numbers = #tpu.dot_dimension_numbers<[1], [0], [0], [1], [0, 0, 1, 1], [], []>, transpose_lhs_hint = false} : vector<1000x256xf32>, vector<256x256xf32>, vector<1000x256xf32> -> vector<1000x256xf32>
    %get3A_28 = arith.constant 0 : index
    %get3A_29 = arith.constant 0 : index
    %get3A_30 = vector.load %arg6[%get3A_28, %get3A_29] : memref<1x256xf32, #tpu.memory_space<vmem>>, vector<1x256xf32>
    %add3A_31 = vector.broadcast %get3A_30 : vector<1x256xf32> to vector<1000x256xf32>
    %add3A_32 = arith.addf %dot_general3A_27, %add3A_31 : vector<1000x256xf32>
    %jit3A = arith.constant 2.000000e-01 : f32
    %ge3A = arith.constant 0.000000e+00 : f32
    %ge3A_33 = vector.broadcast %ge3A : f32 to vector<1000x256xf32>
    %ge3A_34 = arith.cmpf oge, %add3A_32, %ge3A_33 : vector<1000x256xf32>
    %mul3A_35 = vector.broadcast %jit3A : f32 to vector<1000x256xf32>
    %mul3A_36 = arith.mulf %mul3A_35, %add3A_32 : vector<1000x256xf32>
    %select_n3A = arith.select %ge3A_34, %add3A_32, %mul3A_36 : vector<1000x256xi1>, vector<1000x256xf32>
    %slice3A = vector.extract_strided_slice %select_n3A {offsets = [0, 0], sizes = [1000, 128], strides = [1, 1]} : vector<1000x256xf32> to vector<1000x128xf32>
    %swap3A = arith.constant 0 : index
    %swap3A_37 = arith.constant 0 : index
    %swap3A_38 = arith.constant 0 : index
    %swap3A_39 = vector.load %arg7[%swap3A, %swap3A_37, %swap3A_38] : memref<2x1000x128xf32, #tpu.memory_space<vmem>>, vector<1x1000x128xf32>
    %swap3A_40 = vector.shape_cast %swap3A_39 : vector<1x1000x128xf32> to vector<1000x128xf32>
    %swap3A_41 = vector.shape_cast %slice3A : vector<1000x128xf32> to vector<1x1000x128xf32>
    tpu.vector_store %arg7[%swap3A, %swap3A_37, %swap3A_38], %swap3A_41 {strides = array<i32>} : memref<2x1000x128xf32, #tpu.memory_space<vmem>>, vector<1x1000x128xf32>,
    %slice3A_42 = vector.extract_strided_slice %select_n3A {offsets = [0, 128], sizes = [1000, 128], strides = [1, 1]} : vector<1000x256xf32> to vector<1000x128xf32>
    %swap3A_43 = arith.constant 1 : index
    %swap3A_44 = arith.constant 0 : index
    %swap3A_45 = arith.constant 0 : index
    %swap3A_46 = vector.load %arg7[%swap3A_43, %swap3A_44, %swap3A_45] : memref<2x1000x128xf32, #tpu.memory_space<vmem>>, vector<1x1000x128xf32>
    %swap3A_47 = vector.shape_cast %swap3A_46 : vector<1x1000x128xf32> to vector<1000x128xf32>
    %swap3A_48 = vector.shape_cast %slice3A_42 : vector<1000x128xf32> to vector<1x1000x128xf32>
    tpu.vector_store %arg7[%swap3A_43, %swap3A_44, %swap3A_45], %swap3A_48 {strides = array<i32>} : memref<2x1000x128xf32, #tpu.memory_space<vmem>>, vector<1x1000x128xf32>,
    return
  }
  func.func @transform_0(%arg0: i32) -> (i32, i32) {
    %c0_i32 = arith.constant 0 : i32
    %c0_i32_0 = arith.constant 0 : i32
    return %arg0, %c0_i32 : i32, i32
  }
  func.func @transform_1(%arg0: i32) -> (i32, i32) {
    %c0_i32 = arith.constant 0 : i32
    %c0_i32_0 = arith.constant 0 : i32
    %c0_i32_1 = arith.constant 0 : i32
    return %c0_i32, %c0_i32_0 : i32, i32
  }
  func.func @transform_2(%arg0: i32) -> (i32, i32) {
    %c0_i32 = arith.constant 0 : i32
    %c0_i32_0 = arith.constant 0 : i32
    %c0_i32_1 = arith.constant 0 : i32
    return %c0_i32, %c0_i32_0 : i32, i32
  }
  func.func @transform_3(%arg0: i32) -> (i32, i32) {
    %c0_i32 = arith.constant 0 : i32
    %c0_i32_0 = arith.constant 0 : i32
    %c0_i32_1 = arith.constant 0 : i32
    return %c0_i32, %c0_i32_0 : i32, i32
  }
  func.func @transform_4(%arg0: i32) -> (i32, i32) {
    %c0_i32 = arith.constant 0 : i32
    %c0_i32_0 = arith.constant 0 : i32
    %c0_i32_1 = arith.constant 0 : i32
    return %c0_i32, %c0_i32_0 : i32, i32
  }
  func.func @transform_5(%arg0: i32) -> (i32, i32) {
    %c0_i32 = arith.constant 0 : i32
    %c0_i32_0 = arith.constant 0 : i32
    %c0_i32_1 = arith.constant 0 : i32
    return %c0_i32, %c0_i32_0 : i32, i32
  }
  func.func @transform_6(%arg0: i32) -> (i32, i32, i32) {
    %c0_i32 = arith.constant 0 : i32
    %c0_i32_0 = arith.constant 0 : i32
    %c0_i32_1 = arith.constant 0 : i32
    return %c0_i32, %arg0, %c0_i32_0 : i32, i32, i32
  }
}

module attributes {stable_mosaic.version = 14 : i64} {
  func.func @body(%arg0: i32, %arg1: memref<2x1000x128xf32, #tpu.memory_space<vmem>>, %arg2: memref<256x256xf32, #tpu.memory_space<vmem>>, %arg3: memref<1x256xf32, #tpu.memory_space<vmem>>, %arg4: memref<1000x256xf32, #tpu.memory_space<vmem>>, %arg5: memref<1x2x256xf32, #tpu.memory_space<vmem>>) attributes {dimension_semantics = [#tpu.dimension_semantics<arbitrary>], iteration_bounds = array<i64: 10>, scalar_prefetch = 0 : i64, scratch_operands = 0 : i64, tpu.core_type = #tpu.core_type<tc>, window_params = [{transform_indices = @transform_0, window_bounds = array<i64: 2, 1000, 128>}, {pipeline_mode = #tpu.pipeline_mode<synchronous>, transform_indices = @transform_1, window_bounds = array<i64: 256, 256>}, {pipeline_mode = #tpu.pipeline_mode<synchronous>, transform_indices = @transform_2, window_bounds = array<i64: 1, 256>}, {transform_indices = @transform_3, window_bounds = array<i64: 1000, 256>}, {transform_indices = @transform_4, window_bounds = array<i64: 1, 2, 256>}]} {
    %get3A = arith.constant 0 : index
    %get3A_0 = arith.constant 0 : index
    %get3A_1 = arith.constant 0 : index
    %get3A_2 = vector.load %arg1[%get3A, %get3A_0, %get3A_1] : memref<2x1000x128xf32, #tpu.memory_space<vmem>>, vector<1x1000x128xf32>
    %get3A_3 = vector.shape_cast %get3A_2 : vector<1x1000x128xf32> to vector<1000x128xf32>
    %get3A_4 = arith.constant 1 : index
    %get3A_5 = arith.constant 0 : index
    %get3A_6 = arith.constant 0 : index
    %get3A_7 = vector.load %arg1[%get3A_4, %get3A_5, %get3A_6] : memref<2x1000x128xf32, #tpu.memory_space<vmem>>, vector<1x1000x128xf32>
    %get3A_8 = vector.shape_cast %get3A_7 : vector<1x1000x128xf32> to vector<1000x128xf32>
    %concatenate3A = tpu.concatenate %get3A_3, %get3A_8 in 1 : vector<1000x128xf32>, vector<1000x128xf32> -> vector<1000x256xf32>
    %get3A_9 = arith.constant 0 : index
    %get3A_10 = arith.constant 0 : index
    %get3A_11 = vector.load %arg2[%get3A_9, %get3A_10] : memref<256x256xf32, #tpu.memory_space<vmem>>, vector<256x256xf32>
    %dot_general3A = arith.constant dense<0.000000e+00> : vector<1000x256xf32>
    %dot_general3A_12 = tpu.matmul %concatenate3A, %get3A_11, %dot_general3A {dimension_numbers = #tpu.dot_dimension_numbers<[1], [0], [0], [1], [0, 0, 1, 1], [], []>, transpose_lhs_hint = false} : vector<1000x256xf32>, vector<256x256xf32>, vector<1000x256xf32> -> vector<1000x256xf32>
    %get3A_13 = arith.constant 0 : index
    %get3A_14 = arith.constant 0 : index
    %get3A_15 = vector.load %arg3[%get3A_13, %get3A_14] : memref<1x256xf32, #tpu.memory_space<vmem>>, vector<1x256xf32>
    %add3A = vector.broadcast %get3A_15 : vector<1x256xf32> to vector<1000x256xf32>
    %add3A_16 = arith.addf %dot_general3A_12, %add3A : vector<1000x256xf32>
    %jit3A = arith.constant 2.000000e-01 : f32
    %ge3A = arith.constant 0.000000e+00 : f32
    %ge3A_17 = vector.broadcast %ge3A : f32 to vector<1000x256xf32>
    %ge3A_18 = arith.cmpf oge, %add3A_16, %ge3A_17 : vector<1000x256xf32>
    %mul3A = vector.broadcast %jit3A : f32 to vector<1000x256xf32>
    %mul3A_19 = arith.mulf %mul3A, %add3A_16 : vector<1000x256xf32>
    %select_n3A = arith.select %ge3A_18, %add3A_16, %mul3A_19 : vector<1000x256xi1>, vector<1000x256xf32>
    %swap3A = arith.constant 0 : index
    %swap3A_20 = arith.constant 0 : index
    %swap3A_21 = vector.load %arg4[%swap3A, %swap3A_20] : memref<1000x256xf32, #tpu.memory_space<vmem>>, vector<1000x256xf32>
    tpu.vector_store %arg4[%swap3A, %swap3A_20], %select_n3A {strides = array<i32>} : memref<1000x256xf32, #tpu.memory_space<vmem>>, vector<1000x256xf32>,
    %reduce_sum3A = arith.constant dense<0.000000e+00> : vector<256xf32>
    %reduce_sum3A_22 = vector.multi_reduction <add>, %select_n3A, %reduce_sum3A [0] : vector<1000x256xf32> to vector<256xf32>
    %mul3A_23 = arith.mulf %select_n3A, %select_n3A : vector<1000x256xf32>
    %reduce_sum3A_24 = arith.constant dense<0.000000e+00> : vector<256xf32>
    %reduce_sum3A_25 = vector.multi_reduction <add>, %mul3A_23, %reduce_sum3A_24 [0] : vector<1000x256xf32> to vector<256xf32>
    %stack3A = vector.shape_cast %reduce_sum3A_22 : vector<256xf32> to vector<1x256xf32>
    %stack3A_26 = vector.shape_cast %reduce_sum3A_25 : vector<256xf32> to vector<1x256xf32>
    %stack3A_27 = tpu.concatenate %stack3A, %stack3A_26 in 0 : vector<1x256xf32>, vector<1x256xf32> -> vector<2x256xf32>
    %reshape3A = vector.shape_cast %stack3A_27 : vector<2x256xf32> to vector<1x2x256xf32>
    %swap3A_28 = arith.constant 0 : index
    %swap3A_29 = arith.constant 0 : index
    %swap3A_30 = arith.constant 0 : index
    %swap3A_31 = vector.load %arg5[%swap3A_28, %swap3A_29, %swap3A_30] : memref<1x2x256xf32, #tpu.memory_space<vmem>>, vector<1x2x256xf32>
    tpu.vector_store %arg5[%swap3A_28, %swap3A_29, %swap3A_30], %reshape3A {strides = array<i32>} : memref<1x2x256xf32, #tpu.memory_space<vmem>>, vector<1x2x256xf32>,
    return
  }
  func.func @transform_0(%arg0: i32) -> (i32, i32, i32) {
    %c0_i32 = arith.constant 0 : i32
    %c0_i32_0 = arith.constant 0 : i32
    %c0_i32_1 = arith.constant 0 : i32
    return %c0_i32, %arg0, %c0_i32_0 : i32, i32, i32
  }
  func.func @transform_1(%arg0: i32) -> (i32, i32) {
    %c0_i32 = arith.constant 0 : i32
    %c0_i32_0 = arith.constant 0 : i32
    %c0_i32_1 = arith.constant 0 : i32
    return %c0_i32, %c0_i32_0 : i32, i32
  }
  func.func @transform_2(%arg0: i32) -> (i32, i32) {
    %c0_i32 = arith.constant 0 : i32
    %c0_i32_0 = arith.constant 0 : i32
    %c0_i32_1 = arith.constant 0 : i32
    return %c0_i32, %c0_i32_0 : i32, i32
  }
  func.func @transform_3(%arg0: i32) -> (i32, i32) {
    %c0_i32 = arith.constant 0 : i32
    %c0_i32_0 = arith.constant 0 : i32
    return %arg0, %c0_i32 : i32, i32
  }
  func.func @transform_4(%arg0: i32) -> (i32, i32, i32) {
    %c0_i32 = arith.constant 0 : i32
    %c0_i32_0 = arith.constant 0 : i32
    %c0_i32_1 = arith.constant 0 : i32
    return %arg0, %c0_i32, %c0_i32_0 : i32, i32, i32
  }
}

module attributes {stable_mosaic.version = 14 : i64} {
  func.func @body(%arg0: i32, %arg1: memref<1000x256xf32, #tpu.memory_space<vmem>>, %arg2: memref<2x256xf32, #tpu.memory_space<vmem>>, %arg3: memref<1x256xf32, #tpu.memory_space<vmem>>, %arg4: memref<1x256xf32, #tpu.memory_space<vmem>>, %arg5: memref<256x256xf32, #tpu.memory_space<vmem>>, %arg6: memref<1x256xf32, #tpu.memory_space<vmem>>, %arg7: memref<1x1x1000xi32, #tpu.memory_space<vmem>>, %arg8: memref<1000x256xf32, #tpu.memory_space<vmem>>, %arg9: memref<200x256xf32, #tpu.memory_space<vmem>>) attributes {dimension_semantics = [#tpu.dimension_semantics<arbitrary>], iteration_bounds = array<i64: 10>, scalar_prefetch = 0 : i64, scratch_operands = 0 : i64, tpu.core_type = #tpu.core_type<tc>, window_params = [{transform_indices = @transform_0, window_bounds = array<i64: 1000, 256>}, {pipeline_mode = #tpu.pipeline_mode<synchronous>, transform_indices = @transform_1, window_bounds = array<i64: 2, 256>}, {pipeline_mode = #tpu.pipeline_mode<synchronous>, transform_indices = @transform_2, window_bounds = array<i64: 1, 256>}, {pipeline_mode = #tpu.pipeline_mode<synchronous>, transform_indices = @transform_3, window_bounds = array<i64: 1, 256>}, {pipeline_mode = #tpu.pipeline_mode<synchronous>, transform_indices = @transform_4, window_bounds = array<i64: 256, 256>}, {pipeline_mode = #tpu.pipeline_mode<synchronous>, transform_indices = @transform_5, window_bounds = array<i64: 1, 256>}, {transform_indices = @transform_6, window_bounds = array<i64: 1, 1, 1000>}, {transform_indices = @transform_7, window_bounds = array<i64: 1000, 256>}, {pipeline_mode = #tpu.pipeline_mode<synchronous>, transform_indices = @transform_8, window_bounds = array<i64: 200, 256>}]} {
    %get3A = arith.constant 0 : index
    %get3A_0 = arith.constant 0 : index
    %get3A_1 = vector.load %arg2[%get3A, %get3A_0] : memref<2x256xf32, #tpu.memory_space<vmem>>, vector<1x256xf32>
    %get3A_2 = vector.shape_cast %get3A_1 : vector<1x256xf32> to vector<256xf32>
    %get3A_3 = arith.constant 1 : index
    %get3A_4 = arith.constant 0 : index
    %get3A_5 = vector.load %arg2[%get3A_3, %get3A_4] : memref<2x256xf32, #tpu.memory_space<vmem>>, vector<1x256xf32>
    %get3A_6 = vector.shape_cast %get3A_5 : vector<1x256xf32> to vector<256xf32>
    %get3A_7 = arith.constant 0 : index
    %get3A_8 = arith.constant 0 : index
    %get3A_9 = vector.load %arg1[%get3A_7, %get3A_8] : memref<1000x256xf32, #tpu.memory_space<vmem>>, vector<1000x256xf32>
    %broadcast_in_dim3A = vector.shape_cast %get3A_2 : vector<256xf32> to vector<1x256xf32>
    %sub3A = vector.broadcast %broadcast_in_dim3A : vector<1x256xf32> to vector<1000x256xf32>
    %sub3A_10 = arith.subf %get3A_9, %sub3A : vector<1000x256xf32>
    %add3A = arith.constant 9.99999974E-6 : f32
    %add3A_11 = vector.broadcast %add3A : f32 to vector<256xf32>
    %add3A_12 = arith.addf %get3A_6, %add3A_11 : vector<256xf32>
    %sqrt3A = math.sqrt %add3A_12 : vector<256xf32>
    %broadcast_in_dim3A_13 = vector.shape_cast %sqrt3A : vector<256xf32> to vector<1x256xf32>
    %div3A = vector.broadcast %broadcast_in_dim3A_13 : vector<1x256xf32> to vector<1000x256xf32>
    %div3A_14 = arith.divf %sub3A_10, %div3A : vector<1000x256xf32>
    %get3A_15 = arith.constant 0 : index
    %get3A_16 = arith.constant 0 : index
    %get3A_17 = vector.load %arg3[%get3A_15, %get3A_16] : memref<1x256xf32, #tpu.memory_space<vmem>>, vector<1x256xf32>
    %mul3A = vector.broadcast %get3A_17 : vector<1x256xf32> to vector<1000x256xf32>
    %mul3A_18 = arith.mulf %div3A_14, %mul3A : vector<1000x256xf32>
    %get3A_19 = arith.constant 0 : index
    %get3A_20 = arith.constant 0 : index
    %get3A_21 = vector.load %arg4[%get3A_19, %get3A_20] : memref<1x256xf32, #tpu.memory_space<vmem>>, vector<1x256xf32>
    %add3A_22 = vector.broadcast %get3A_21 : vector<1x256xf32> to vector<1000x256xf32>
    %add3A_23 = arith.addf %mul3A_18, %add3A_22 : vector<1000x256xf32>
    %get3A_24 = arith.constant 0 : index
    %get3A_25 = arith.constant 0 : index
    %get3A_26 = vector.load %arg5[%get3A_24, %get3A_25] : memref<256x256xf32, #tpu.memory_space<vmem>>, vector<256x256xf32>
    %dot_general3A = arith.constant dense<0.000000e+00> : vector<1000x256xf32>
    %dot_general3A_27 = tpu.matmul %add3A_23, %get3A_26, %dot_general3A {dimension_numbers = #tpu.dot_dimension_numbers<[1], [0], [0], [1], [0, 0, 1, 1], [], []>, transpose_lhs_hint = false} : vector<1000x256xf32>, vector<256x256xf32>, vector<1000x256xf32> -> vector<1000x256xf32>
    %get3A_28 = arith.constant 0 : index
    %get3A_29 = arith.constant 0 : index
    %get3A_30 = vector.load %arg6[%get3A_28, %get3A_29] : memref<1x256xf32, #tpu.memory_space<vmem>>, vector<1x256xf32>
    %add3A_31 = vector.broadcast %get3A_30 : vector<1x256xf32> to vector<1000x256xf32>
    %add3A_32 = arith.addf %dot_general3A_27, %add3A_31 : vector<1000x256xf32>
    %jit3A = arith.constant 2.000000e-01 : f32
    %ge3A = arith.constant 0.000000e+00 : f32
    %ge3A_33 = vector.broadcast %ge3A : f32 to vector<1000x256xf32>
    %ge3A_34 = arith.cmpf oge, %add3A_32, %ge3A_33 : vector<1000x256xf32>
    %mul3A_35 = vector.broadcast %jit3A : f32 to vector<1000x256xf32>
    %mul3A_36 = arith.mulf %mul3A_35, %add3A_32 : vector<1000x256xf32>
    %select_n3A = arith.select %ge3A_34, %add3A_32, %mul3A_36 : vector<1000x256xi1>, vector<1000x256xf32>
    %swap3A = arith.constant 0 : index
    %swap3A_37 = arith.constant 0 : index
    %swap3A_38 = vector.load %arg8[%swap3A, %swap3A_37] : memref<1000x256xf32, #tpu.memory_space<vmem>>, vector<1000x256xf32>
    tpu.vector_store %arg8[%swap3A, %swap3A_37], %select_n3A {strides = array<i32>} : memref<1000x256xf32, #tpu.memory_space<vmem>>, vector<1000x256xf32>,
    %get3A_39 = arith.constant 0 : index
    %get3A_40 = arith.constant 0 : index
    %get3A_41 = arith.constant 0 : index
    %get3A_42 = vector.load %arg7[%get3A_39, %get3A_40, %get3A_41] : memref<1x1x1000xi32, #tpu.memory_space<vmem>>, vector<1x1x1000xi32>
    %reshape3A = vector.shape_cast %get3A_42 : vector<1x1x1000xi32> to vector<1000xi32>
    %broadcast_in_dim3A_43 = vector.shape_cast %reshape3A : vector<1000xi32> to vector<1000x1xi32>
    %iota3A = tpu.iota {dimensions = array<i32: 1>} : vector<1000x200xi32>
    %eq3A = vector.broadcast %broadcast_in_dim3A_43 : vector<1000x1xi32> to vector<1000x200xi32>
    %eq3A_44 = arith.cmpi eq, %eq3A, %iota3A : vector<1000x200xi32>
    %convert_element_type3A = arith.extui %eq3A_44 : vector<1000x200xi1> to vector<1000x200xi32>
    %convert_element_type3A_45 = arith.sitofp %convert_element_type3A : vector<1000x200xi32> to vector<1000x200xf32>
    %dot_general3A_46 = arith.constant dense<0.000000e+00> : vector<200x256xf32>
    %dot_general3A_47 = tpu.matmul %convert_element_type3A_45, %select_n3A, %dot_general3A_46 {dimension_numbers = #tpu.dot_dimension_numbers<[0], [0], [1], [1], [0, 1, 1, 1], [], []>, precision = #tpu.contract_precision<fp32>, transpose_lhs_hint = false} : vector<1000x200xf32>, vector<1000x256xf32>, vector<200x256xf32> -> vector<200x256xf32>
    %eq3A_48 = arith.constant 0 : i32
    %eq3A_49 = arith.cmpi eq, %arg0, %eq3A_48 : i32
    %convert_element_type3A_50 = arith.extui %eq3A_49 : i1 to i32
    %cond3A = arith.constant 0 : i32
    %cond3A_51 = arith.cmpi ne, %convert_element_type3A_50, %cond3A : i32
    scf.if %cond3A_51 {
      %swap3A_56 = arith.constant 0 : index
      %swap3A_57 = arith.constant 0 : index
      %swap3A_58 = vector.load %arg9[%swap3A_56, %swap3A_57] : memref<200x256xf32, #tpu.memory_space<vmem>>, vector<200x256xf32>
      tpu.vector_store %arg9[%swap3A_56, %swap3A_57], %dot_general3A_47 {strides = array<i32>} : memref<200x256xf32, #tpu.memory_space<vmem>>, vector<200x256xf32>,
    } else {
    }
    %gt3A = arith.constant 0 : i32
    %gt3A_52 = arith.cmpi sgt, %arg0, %gt3A : i32
    %convert_element_type3A_53 = arith.extui %gt3A_52 : i1 to i32
    %cond3A_54 = arith.constant 0 : i32
    %cond3A_55 = arith.cmpi ne, %convert_element_type3A_53, %cond3A_54 : i32
    scf.if %cond3A_55 {
      %get3A_56 = arith.constant 0 : index
      %get3A_57 = arith.constant 0 : index
      %get3A_58 = vector.load %arg9[%get3A_56, %get3A_57] : memref<200x256xf32, #tpu.memory_space<vmem>>, vector<200x256xf32>
      %add3A_59 = arith.addf %get3A_58, %dot_general3A_47 : vector<200x256xf32>
      %swap3A_60 = arith.constant 0 : index
      %swap3A_61 = arith.constant 0 : index
      %swap3A_62 = vector.load %arg9[%swap3A_60, %swap3A_61] : memref<200x256xf32, #tpu.memory_space<vmem>>, vector<200x256xf32>
      tpu.vector_store %arg9[%swap3A_60, %swap3A_61], %add3A_59 {strides = array<i32>} : memref<200x256xf32, #tpu.memory_space<vmem>>, vector<200x256xf32>,
    } else {
    }
    return
  }
  func.func @transform_0(%arg0: i32) -> (i32, i32) {
    %c0_i32 = arith.constant 0 : i32
    %c0_i32_0 = arith.constant 0 : i32
    return %arg0, %c0_i32 : i32, i32
  }
  func.func @transform_1(%arg0: i32) -> (i32, i32) {
    %c0_i32 = arith.constant 0 : i32
    %c0_i32_0 = arith.constant 0 : i32
    %c0_i32_1 = arith.constant 0 : i32
    return %c0_i32, %c0_i32_0 : i32, i32
  }
  func.func @transform_2(%arg0: i32) -> (i32, i32) {
    %c0_i32 = arith.constant 0 : i32
    %c0_i32_0 = arith.constant 0 : i32
    %c0_i32_1 = arith.constant 0 : i32
    return %c0_i32, %c0_i32_0 : i32, i32
  }
  func.func @transform_3(%arg0: i32) -> (i32, i32) {
    %c0_i32 = arith.constant 0 : i32
    %c0_i32_0 = arith.constant 0 : i32
    %c0_i32_1 = arith.constant 0 : i32
    return %c0_i32, %c0_i32_0 : i32, i32
  }
  func.func @transform_4(%arg0: i32) -> (i32, i32) {
    %c0_i32 = arith.constant 0 : i32
    %c0_i32_0 = arith.constant 0 : i32
    %c0_i32_1 = arith.constant 0 : i32
    return %c0_i32, %c0_i32_0 : i32, i32
  }
  func.func @transform_5(%arg0: i32) -> (i32, i32) {
    %c0_i32 = arith.constant 0 : i32
    %c0_i32_0 = arith.constant 0 : i32
    %c0_i32_1 = arith.constant 0 : i32
    return %c0_i32, %c0_i32_0 : i32, i32
  }
  func.func @transform_6(%arg0: i32) -> (i32, i32, i32) {
    %c0_i32 = arith.constant 0 : i32
    %c0_i32_0 = arith.constant 0 : i32
    %c0_i32_1 = arith.constant 0 : i32
    return %arg0, %c0_i32, %c0_i32_0 : i32, i32, i32
  }
  func.func @transform_7(%arg0: i32) -> (i32, i32) {
    %c0_i32 = arith.constant 0 : i32
    %c0_i32_0 = arith.constant 0 : i32
    return %arg0, %c0_i32 : i32, i32
  }
  func.func @transform_8(%arg0: i32) -> (i32, i32) {
    %c0_i32 = arith.constant 0 : i32
    %c0_i32_0 = arith.constant 0 : i32
    %c0_i32_1 = arith.constant 0 : i32
    return %c0_i32, %c0_i32_0 : i32, i32
  }
}

module attributes {stable_mosaic.version = 14 : i64} {
  func.func @body(%arg0: memref<200x256xf32, #tpu.memory_space<vmem>>, %arg1: memref<200x7xf32, #tpu.memory_space<vmem>>, %arg2: memref<1x256xf32, #tpu.memory_space<vmem>>, %arg3: memref<1x256xf32, #tpu.memory_space<vmem>>, %arg4: memref<256x256xf32, #tpu.memory_space<vmem>>, %arg5: memref<1x256xf32, #tpu.memory_space<vmem>>, %arg6: memref<7x8xf32, #tpu.memory_space<vmem>>, %arg7: memref<1x8xf32, #tpu.memory_space<vmem>>, %arg8: memref<8x8xf32, #tpu.memory_space<vmem>>, %arg9: memref<1x8xf32, #tpu.memory_space<vmem>>, %arg10: memref<256x256xf32, #tpu.memory_space<vmem>>, %arg11: memref<8x256xf32, #tpu.memory_space<vmem>>, %arg12: memref<1x256xf32, #tpu.memory_space<vmem>>, %arg13: memref<1x256xf32, #tpu.memory_space<vmem>>, %arg14: memref<1x256xf32, #tpu.memory_space<vmem>>, %arg15: memref<256x256xf32, #tpu.memory_space<vmem>>, %arg16: memref<1x256xf32, #tpu.memory_space<vmem>>, %arg17: memref<256x64xf32, #tpu.memory_space<vmem>>, %arg18: memref<1x64xf32, #tpu.memory_space<vmem>>, %arg19: memref<256x64xf32, #tpu.memory_space<vmem>>, %arg20: memref<1x64xf32, #tpu.memory_space<vmem>>, %arg21: memref<64x256xf32, #tpu.memory_space<vmem>>, %arg22: memref<1x256xf32, #tpu.memory_space<vmem>>, %arg23: memref<256x256xf32, #tpu.memory_space<vmem>>, %arg24: memref<1x256xf32, #tpu.memory_space<vmem>>, %arg25: memref<256x2450xf32, #tpu.memory_space<vmem>>, %arg26: memref<1x2450xf32, #tpu.memory_space<vmem>>, %arg27: memref<200x64xf32, #tpu.memory_space<vmem>>, %arg28: memref<200x1225xf32, #tpu.memory_space<vmem>>, %arg29: memref<2450x1225xf32, #tpu.memory_space<vmem>>, %arg30: memref<1225x2500xf32, #tpu.memory_space<vmem>>, %arg31: memref<200x2500xf32, #tpu.memory_space<vmem>>) attributes {dimension_semantics = [], scalar_prefetch = 0 : i64, scratch_operands = 0 : i64, tpu.core_type = #tpu.core_type<tc>} {
    %get3A = arith.constant 0 : index
    %get3A_0 = arith.constant 0 : index
    %get3A_1 = vector.load %arg0[%get3A, %get3A_0] : memref<200x256xf32, #tpu.memory_space<vmem>>, vector<200x256xf32>
    %reduce_sum3A = arith.constant dense<0.000000e+00> : vector<256xf32>
    %reduce_sum3A_2 = vector.multi_reduction <add>, %get3A_1, %reduce_sum3A [0] : vector<200x256xf32> to vector<256xf32>
    %div3A = arith.constant 2.000000e+02 : f32
    %div3A_3 = vector.broadcast %div3A : f32 to vector<256xf32>
    %div3A_4 = arith.divf %reduce_sum3A_2, %div3A_3 : vector<256xf32>
    %broadcast_in_dim3A = vector.shape_cast %div3A_4 : vector<256xf32> to vector<1x256xf32>
    %sub3A = vector.broadcast %broadcast_in_dim3A : vector<1x256xf32> to vector<200x256xf32>
    %sub3A_5 = arith.subf %get3A_1, %sub3A : vector<200x256xf32>
    %integer_pow3A = arith.mulf %sub3A_5, %sub3A_5 : vector<200x256xf32>
    %reduce_sum3A_6 = arith.constant dense<0.000000e+00> : vector<256xf32>
    %reduce_sum3A_7 = vector.multi_reduction <add>, %integer_pow3A, %reduce_sum3A_6 [0] : vector<200x256xf32> to vector<256xf32>
    %div3A_8 = arith.constant 2.000000e+02 : f32
    %div3A_9 = vector.broadcast %div3A_8 : f32 to vector<256xf32>
    %div3A_10 = arith.divf %reduce_sum3A_7, %div3A_9 : vector<256xf32>
    %broadcast_in_dim3A_11 = vector.shape_cast %div3A_4 : vector<256xf32> to vector<1x256xf32>
    %sub3A_12 = vector.broadcast %broadcast_in_dim3A_11 : vector<1x256xf32> to vector<200x256xf32>
    %sub3A_13 = arith.subf %get3A_1, %sub3A_12 : vector<200x256xf32>
    %add3A = arith.constant 9.99999974E-6 : f32
    %add3A_14 = vector.broadcast %add3A : f32 to vector<256xf32>
    %add3A_15 = arith.addf %div3A_10, %add3A_14 : vector<256xf32>
    %sqrt3A = math.sqrt %add3A_15 : vector<256xf32>
    %broadcast_in_dim3A_16 = vector.shape_cast %sqrt3A : vector<256xf32> to vector<1x256xf32>
    %div3A_17 = vector.broadcast %broadcast_in_dim3A_16 : vector<1x256xf32> to vector<200x256xf32>
    %div3A_18 = arith.divf %sub3A_13, %div3A_17 : vector<200x256xf32>
    %get3A_19 = arith.constant 0 : index
    %get3A_20 = arith.constant 0 : index
    %get3A_21 = vector.load %arg2[%get3A_19, %get3A_20] : memref<1x256xf32, #tpu.memory_space<vmem>>, vector<1x256xf32>
    %mul3A = vector.broadcast %get3A_21 : vector<1x256xf32> to vector<200x256xf32>
    %mul3A_22 = arith.mulf %div3A_18, %mul3A : vector<200x256xf32>
    %get3A_23 = arith.constant 0 : index
    %get3A_24 = arith.constant 0 : index
    %get3A_25 = vector.load %arg3[%get3A_23, %get3A_24] : memref<1x256xf32, #tpu.memory_space<vmem>>, vector<1x256xf32>
    %add3A_26 = vector.broadcast %get3A_25 : vector<1x256xf32> to vector<200x256xf32>
    %add3A_27 = arith.addf %mul3A_22, %add3A_26 : vector<200x256xf32>
    %get3A_28 = arith.constant 0 : index
    %get3A_29 = arith.constant 0 : index
    %get3A_30 = vector.load %arg4[%get3A_28, %get3A_29] : memref<256x256xf32, #tpu.memory_space<vmem>>, vector<256x256xf32>
    %dot_general3A = arith.constant dense<0.000000e+00> : vector<200x256xf32>
    %dot_general3A_31 = tpu.matmul %add3A_27, %get3A_30, %dot_general3A {dimension_numbers = #tpu.dot_dimension_numbers<[1], [0], [0], [1], [0, 0, 1, 1], [], []>, transpose_lhs_hint = false} : vector<200x256xf32>, vector<256x256xf32>, vector<200x256xf32> -> vector<200x256xf32>
    %get3A_32 = arith.constant 0 : index
    %get3A_33 = arith.constant 0 : index
    %get3A_34 = vector.load %arg5[%get3A_32, %get3A_33] : memref<1x256xf32, #tpu.memory_space<vmem>>, vector<1x256xf32>
    %add3A_35 = vector.broadcast %get3A_34 : vector<1x256xf32> to vector<200x256xf32>
    %add3A_36 = arith.addf %dot_general3A_31, %add3A_35 : vector<200x256xf32>
    %get3A_37 = arith.constant 0 : index
    %get3A_38 = arith.constant 0 : index
    %get3A_39 = vector.load %arg1[%get3A_37, %get3A_38] : memref<200x7xf32, #tpu.memory_space<vmem>>, vector<200x7xf32>
    %get3A_40 = arith.constant 0 : index
    %get3A_41 = arith.constant 0 : index
    %get3A_42 = vector.load %arg6[%get3A_40, %get3A_41] : memref<7x8xf32, #tpu.memory_space<vmem>>, vector<7x8xf32>
    %dot_general3A_43 = arith.constant dense<0.000000e+00> : vector<200x8xf32>
    %dot_general3A_44 = tpu.matmul %get3A_39, %get3A_42, %dot_general3A_43 {dimension_numbers = #tpu.dot_dimension_numbers<[1], [0], [0], [1], [0, 0, 1, 1], [], []>, transpose_lhs_hint = false} : vector<200x7xf32>, vector<7x8xf32>, vector<200x8xf32> -> vector<200x8xf32>
    %get3A_45 = arith.constant 0 : index
    %get3A_46 = arith.constant 0 : index
    %get3A_47 = vector.load %arg7[%get3A_45, %get3A_46] : memref<1x8xf32, #tpu.memory_space<vmem>>, vector<1x8xf32>
    %add3A_48 = vector.broadcast %get3A_47 : vector<1x8xf32> to vector<200x8xf32>
    %add3A_49 = arith.addf %dot_general3A_44, %add3A_48 : vector<200x8xf32>
    %max3A = arith.constant 0.000000e+00 : f32
    %max3A_50 = vector.broadcast %max3A : f32 to vector<200x8xf32>
    %max3A_51 = arith.maximumf %add3A_49, %max3A_50 : vector<200x8xf32>
    %get3A_52 = arith.constant 0 : index
    %get3A_53 = arith.constant 0 : index
    %get3A_54 = vector.load %arg8[%get3A_52, %get3A_53] : memref<8x8xf32, #tpu.memory_space<vmem>>, vector<8x8xf32>
    %dot_general3A_55 = arith.constant dense<0.000000e+00> : vector<200x8xf32>
    %dot_general3A_56 = tpu.matmul %max3A_51, %get3A_54, %dot_general3A_55 {dimension_numbers = #tpu.dot_dimension_numbers<[1], [0], [0], [1], [0, 0, 1, 1], [], []>, transpose_lhs_hint = false} : vector<200x8xf32>, vector<8x8xf32>, vector<200x8xf32> -> vector<200x8xf32>
    %get3A_57 = arith.constant 0 : index
    %get3A_58 = arith.constant 0 : index
    %get3A_59 = vector.load %arg9[%get3A_57, %get3A_58] : memref<1x8xf32, #tpu.memory_space<vmem>>, vector<1x8xf32>
    %add3A_60 = vector.broadcast %get3A_59 : vector<1x8xf32> to vector<200x8xf32>
    %add3A_61 = arith.addf %dot_general3A_56, %add3A_60 : vector<200x8xf32>
    %get3A_62 = arith.constant 0 : index
    %get3A_63 = arith.constant 0 : index
    %get3A_64 = vector.load %arg10[%get3A_62, %get3A_63] : memref<256x256xf32, #tpu.memory_space<vmem>>, vector<256x256xf32>
    %dot_general3A_65 = arith.constant dense<0.000000e+00> : vector<200x256xf32>
    %dot_general3A_66 = tpu.matmul %add3A_36, %get3A_64, %dot_general3A_65 {dimension_numbers = #tpu.dot_dimension_numbers<[1], [0], [0], [1], [0, 0, 1, 1], [], []>, transpose_lhs_hint = false} : vector<200x256xf32>, vector<256x256xf32>, vector<200x256xf32> -> vector<200x256xf32>
    %get3A_67 = arith.constant 0 : index
    %get3A_68 = arith.constant 0 : index
    %get3A_69 = vector.load %arg11[%get3A_67, %get3A_68] : memref<8x256xf32, #tpu.memory_space<vmem>>, vector<8x256xf32>
    %dot_general3A_70 = arith.constant dense<0.000000e+00> : vector<200x256xf32>
    %dot_general3A_71 = tpu.matmul %add3A_61, %get3A_69, %dot_general3A_70 {dimension_numbers = #tpu.dot_dimension_numbers<[1], [0], [0], [1], [0, 0, 1, 1], [], []>, transpose_lhs_hint = false} : vector<200x8xf32>, vector<8x256xf32>, vector<200x256xf32> -> vector<200x256xf32>
    %add3A_72 = arith.addf %dot_general3A_66, %dot_general3A_71 : vector<200x256xf32>
    %get3A_73 = arith.constant 0 : index
    %get3A_74 = arith.constant 0 : index
    %get3A_75 = vector.load %arg12[%get3A_73, %get3A_74] : memref<1x256xf32, #tpu.memory_space<vmem>>, vector<1x256xf32>
    %add3A_76 = vector.broadcast %get3A_75 : vector<1x256xf32> to vector<200x256xf32>
    %add3A_77 = arith.addf %add3A_72, %add3A_76 : vector<200x256xf32>
    %jit3A = arith.constant 2.000000e-01 : f32
    %ge3A = arith.constant 0.000000e+00 : f32
    %ge3A_78 = vector.broadcast %ge3A : f32 to vector<200x256xf32>
    %ge3A_79 = arith.cmpf oge, %add3A_77, %ge3A_78 : vector<200x256xf32>
    %mul3A_80 = vector.broadcast %jit3A : f32 to vector<200x256xf32>
    %mul3A_81 = arith.mulf %mul3A_80, %add3A_77 : vector<200x256xf32>
    %select_n3A = arith.select %ge3A_79, %add3A_77, %mul3A_81 : vector<200x256xi1>, vector<200x256xf32>
    %reduce_sum3A_82 = arith.constant dense<0.000000e+00> : vector<256xf32>
    %reduce_sum3A_83 = vector.multi_reduction <add>, %select_n3A, %reduce_sum3A_82 [0] : vector<200x256xf32> to vector<256xf32>
    %div3A_84 = arith.constant 2.000000e+02 : f32
    %div3A_85 = vector.broadcast %div3A_84 : f32 to vector<256xf32>
    %div3A_86 = arith.divf %reduce_sum3A_83, %div3A_85 : vector<256xf32>
    %broadcast_in_dim3A_87 = vector.shape_cast %div3A_86 : vector<256xf32> to vector<1x256xf32>
    %sub3A_88 = vector.broadcast %broadcast_in_dim3A_87 : vector<1x256xf32> to vector<200x256xf32>
    %sub3A_89 = arith.subf %select_n3A, %sub3A_88 : vector<200x256xf32>
    %integer_pow3A_90 = arith.mulf %sub3A_89, %sub3A_89 : vector<200x256xf32>
    %reduce_sum3A_91 = arith.constant dense<0.000000e+00> : vector<256xf32>
    %reduce_sum3A_92 = vector.multi_reduction <add>, %integer_pow3A_90, %reduce_sum3A_91 [0] : vector<200x256xf32> to vector<256xf32>
    %div3A_93 = arith.constant 2.000000e+02 : f32
    %div3A_94 = vector.broadcast %div3A_93 : f32 to vector<256xf32>
    %div3A_95 = arith.divf %reduce_sum3A_92, %div3A_94 : vector<256xf32>
    %broadcast_in_dim3A_96 = vector.shape_cast %div3A_86 : vector<256xf32> to vector<1x256xf32>
    %sub3A_97 = vector.broadcast %broadcast_in_dim3A_96 : vector<1x256xf32> to vector<200x256xf32>
    %sub3A_98 = arith.subf %select_n3A, %sub3A_97 : vector<200x256xf32>
    %add3A_99 = arith.constant 9.99999974E-6 : f32
    %add3A_100 = vector.broadcast %add3A_99 : f32 to vector<256xf32>
    %add3A_101 = arith.addf %div3A_95, %add3A_100 : vector<256xf32>
    %sqrt3A_102 = math.sqrt %add3A_101 : vector<256xf32>
    %broadcast_in_dim3A_103 = vector.shape_cast %sqrt3A_102 : vector<256xf32> to vector<1x256xf32>
    %div3A_104 = vector.broadcast %broadcast_in_dim3A_103 : vector<1x256xf32> to vector<200x256xf32>
    %div3A_105 = arith.divf %sub3A_98, %div3A_104 : vector<200x256xf32>
    %get3A_106 = arith.constant 0 : index
    %get3A_107 = arith.constant 0 : index
    %get3A_108 = vector.load %arg13[%get3A_106, %get3A_107] : memref<1x256xf32, #tpu.memory_space<vmem>>, vector<1x256xf32>
    %mul3A_109 = vector.broadcast %get3A_108 : vector<1x256xf32> to vector<200x256xf32>
    %mul3A_110 = arith.mulf %div3A_105, %mul3A_109 : vector<200x256xf32>
    %get3A_111 = arith.constant 0 : index
    %get3A_112 = arith.constant 0 : index
    %get3A_113 = vector.load %arg14[%get3A_111, %get3A_112] : memref<1x256xf32, #tpu.memory_space<vmem>>, vector<1x256xf32>
    %add3A_114 = vector.broadcast %get3A_113 : vector<1x256xf32> to vector<200x256xf32>
    %add3A_115 = arith.addf %mul3A_110, %add3A_114 : vector<200x256xf32>
    %get3A_116 = arith.constant 0 : index
    %get3A_117 = arith.constant 0 : index
    %get3A_118 = vector.load %arg15[%get3A_116, %get3A_117] : memref<256x256xf32, #tpu.memory_space<vmem>>, vector<256x256xf32>
    %dot_general3A_119 = arith.constant dense<0.000000e+00> : vector<200x256xf32>
    %dot_general3A_120 = tpu.matmul %add3A_115, %get3A_118, %dot_general3A_119 {dimension_numbers = #tpu.dot_dimension_numbers<[1], [0], [0], [1], [0, 0, 1, 1], [], []>, transpose_lhs_hint = false} : vector<200x256xf32>, vector<256x256xf32>, vector<200x256xf32> -> vector<200x256xf32>
    %get3A_121 = arith.constant 0 : index
    %get3A_122 = arith.constant 0 : index
    %get3A_123 = vector.load %arg16[%get3A_121, %get3A_122] : memref<1x256xf32, #tpu.memory_space<vmem>>, vector<1x256xf32>
    %add3A_124 = vector.broadcast %get3A_123 : vector<1x256xf32> to vector<200x256xf32>
    %add3A_125 = arith.addf %dot_general3A_120, %add3A_124 : vector<200x256xf32>
    %get3A_126 = arith.constant 0 : index
    %get3A_127 = arith.constant 0 : index
    %get3A_128 = vector.load %arg17[%get3A_126, %get3A_127] : memref<256x64xf32, #tpu.memory_space<vmem>>, vector<256x64xf32>
    %dot_general3A_129 = arith.constant dense<0.000000e+00> : vector<200x64xf32>
    %dot_general3A_130 = tpu.matmul %add3A_125, %get3A_128, %dot_general3A_129 {dimension_numbers = #tpu.dot_dimension_numbers<[1], [0], [0], [1], [0, 0, 1, 1], [], []>, transpose_lhs_hint = false} : vector<200x256xf32>, vector<256x64xf32>, vector<200x64xf32> -> vector<200x64xf32>
    %get3A_131 = arith.constant 0 : index
    %get3A_132 = arith.constant 0 : index
    %get3A_133 = vector.load %arg18[%get3A_131, %get3A_132] : memref<1x64xf32, #tpu.memory_space<vmem>>, vector<1x64xf32>
    %add3A_134 = vector.broadcast %get3A_133 : vector<1x64xf32> to vector<200x64xf32>
    %add3A_135 = arith.addf %dot_general3A_130, %add3A_134 : vector<200x64xf32>
    %get3A_136 = arith.constant 0 : index
    %get3A_137 = arith.constant 0 : index
    %get3A_138 = vector.load %arg19[%get3A_136, %get3A_137] : memref<256x64xf32, #tpu.memory_space<vmem>>, vector<256x64xf32>
    %dot_general3A_139 = arith.constant dense<0.000000e+00> : vector<200x64xf32>
    %dot_general3A_140 = tpu.matmul %add3A_125, %get3A_138, %dot_general3A_139 {dimension_numbers = #tpu.dot_dimension_numbers<[1], [0], [0], [1], [0, 0, 1, 1], [], []>, transpose_lhs_hint = false} : vector<200x256xf32>, vector<256x64xf32>, vector<200x64xf32> -> vector<200x64xf32>
    %get3A_141 = arith.constant 0 : index
    %get3A_142 = arith.constant 0 : index
    %get3A_143 = vector.load %arg20[%get3A_141, %get3A_142] : memref<1x64xf32, #tpu.memory_space<vmem>>, vector<1x64xf32>
    %add3A_144 = vector.broadcast %get3A_143 : vector<1x64xf32> to vector<200x64xf32>
    %add3A_145 = arith.addf %dot_general3A_140, %add3A_144 : vector<200x64xf32>
    %get3A_146 = arith.constant 0 : index
    %get3A_147 = arith.constant 0 : index
    %get3A_148 = vector.load %arg27[%get3A_146, %get3A_147] : memref<200x64xf32, #tpu.memory_space<vmem>>, vector<200x64xf32>
    %mul3A_149 = arith.constant 5.000000e-01 : f32
    %mul3A_150 = vector.broadcast %mul3A_149 : f32 to vector<200x64xf32>
    %mul3A_151 = arith.mulf %mul3A_150, %add3A_145 : vector<200x64xf32>
    %exp3A = math.exp %mul3A_151 : vector<200x64xf32>
    %mul3A_152 = arith.mulf %get3A_148, %exp3A : vector<200x64xf32>
    %add3A_153 = arith.addf %add3A_135, %mul3A_152 : vector<200x64xf32>
    %get3A_154 = arith.constant 0 : index
    %get3A_155 = arith.constant 0 : index
    %get3A_156 = vector.load %arg21[%get3A_154, %get3A_155] : memref<64x256xf32, #tpu.memory_space<vmem>>, vector<64x256xf32>
    %dot_general3A_157 = arith.constant dense<0.000000e+00> : vector<200x256xf32>
    %dot_general3A_158 = tpu.matmul %add3A_153, %get3A_156, %dot_general3A_157 {dimension_numbers = #tpu.dot_dimension_numbers<[1], [0], [0], [1], [0, 0, 1, 1], [], []>, transpose_lhs_hint = false} : vector<200x64xf32>, vector<64x256xf32>, vector<200x256xf32> -> vector<200x256xf32>
    %get3A_159 = arith.constant 0 : index
    %get3A_160 = arith.constant 0 : index
    %get3A_161 = vector.load %arg22[%get3A_159, %get3A_160] : memref<1x256xf32, #tpu.memory_space<vmem>>, vector<1x256xf32>
    %add3A_162 = vector.broadcast %get3A_161 : vector<1x256xf32> to vector<200x256xf32>
    %add3A_163 = arith.addf %dot_general3A_158, %add3A_162 : vector<200x256xf32>
    %max3A_164 = arith.constant 0.000000e+00 : f32
    %max3A_165 = vector.broadcast %max3A_164 : f32 to vector<200x256xf32>
    %max3A_166 = arith.maximumf %add3A_163, %max3A_165 : vector<200x256xf32>
    %get3A_167 = arith.constant 0 : index
    %get3A_168 = arith.constant 0 : index
    %get3A_169 = vector.load %arg23[%get3A_167, %get3A_168] : memref<256x256xf32, #tpu.memory_space<vmem>>, vector<256x256xf32>
    %dot_general3A_170 = arith.constant dense<0.000000e+00> : vector<200x256xf32>
    %dot_general3A_171 = tpu.matmul %max3A_166, %get3A_169, %dot_general3A_170 {dimension_numbers = #tpu.dot_dimension_numbers<[1], [0], [0], [1], [0, 0, 1, 1], [], []>, transpose_lhs_hint = false} : vector<200x256xf32>, vector<256x256xf32>, vector<200x256xf32> -> vector<200x256xf32>
    %get3A_172 = arith.constant 0 : index
    %get3A_173 = arith.constant 0 : index
    %get3A_174 = vector.load %arg24[%get3A_172, %get3A_173] : memref<1x256xf32, #tpu.memory_space<vmem>>, vector<1x256xf32>
    %add3A_175 = vector.broadcast %get3A_174 : vector<1x256xf32> to vector<200x256xf32>
    %add3A_176 = arith.addf %dot_general3A_171, %add3A_175 : vector<200x256xf32>
    %max3A_177 = arith.constant 0.000000e+00 : f32
    %max3A_178 = vector.broadcast %max3A_177 : f32 to vector<200x256xf32>
    %max3A_179 = arith.maximumf %add3A_176, %max3A_178 : vector<200x256xf32>
    %get3A_180 = arith.constant 0 : index
    %get3A_181 = arith.constant 0 : index
    %get3A_182 = vector.load %arg25[%get3A_180, %get3A_181] : memref<256x2450xf32, #tpu.memory_space<vmem>>, vector<256x2450xf32>
    %dot_general3A_183 = arith.constant dense<0.000000e+00> : vector<200x2450xf32>
    %dot_general3A_184 = tpu.matmul %max3A_179, %get3A_182, %dot_general3A_183 {dimension_numbers = #tpu.dot_dimension_numbers<[1], [0], [0], [1], [0, 0, 1, 1], [], []>, transpose_lhs_hint = false} : vector<200x256xf32>, vector<256x2450xf32>, vector<200x2450xf32> -> vector<200x2450xf32>
    %get3A_185 = arith.constant 0 : index
    %get3A_186 = arith.constant 0 : index
    %get3A_187 = vector.load %arg26[%get3A_185, %get3A_186] : memref<1x2450xf32, #tpu.memory_space<vmem>>, vector<1x2450xf32>
    %add3A_188 = vector.broadcast %get3A_187 : vector<1x2450xf32> to vector<200x2450xf32>
    %add3A_189 = arith.addf %dot_general3A_184, %add3A_188 : vector<200x2450xf32>
    %get3A_190 = arith.constant 0 : index
    %get3A_191 = arith.constant 0 : index
    %get3A_192 = vector.load %arg29[%get3A_190, %get3A_191] : memref<2450x1225xf32, #tpu.memory_space<vmem>>, vector<2450x1225xf32>
    %dot_general3A_193 = arith.constant dense<0.000000e+00> : vector<200x1225xf32>
    %dot_general3A_194 = tpu.matmul %add3A_189, %get3A_192, %dot_general3A_193 {dimension_numbers = #tpu.dot_dimension_numbers<[1], [0], [0], [1], [0, 0, 1, 1], [], []>, transpose_lhs_hint = false} : vector<200x2450xf32>, vector<2450x1225xf32>, vector<200x1225xf32> -> vector<200x1225xf32>
    %get3A_195 = arith.constant 0 : index
    %get3A_196 = arith.constant 0 : index
    %get3A_197 = vector.load %arg28[%get3A_195, %get3A_196] : memref<200x1225xf32, #tpu.memory_space<vmem>>, vector<200x1225xf32>
    %add3A_198 = arith.addf %dot_general3A_194, %get3A_197 : vector<200x1225xf32>
    %ge3A_199 = arith.constant 0.000000e+00 : f32
    %ge3A_200 = vector.broadcast %ge3A_199 : f32 to vector<200x1225xf32>
    %ge3A_201 = arith.cmpf oge, %add3A_198, %ge3A_200 : vector<200x1225xf32>
    %jit3A_202 = arith.constant 1.000000e+00 : f32
    %jit3A_203 = arith.constant 0.000000e+00 : f32
    %broadcast_in_dim3A_204 = vector.broadcast %jit3A_202 : f32 to vector<200x1225xf32>
    %broadcast_in_dim3A_205 = vector.broadcast %jit3A_203 : f32 to vector<200x1225xf32>
    %select_n3A_206 = arith.select %ge3A_201, %broadcast_in_dim3A_204, %broadcast_in_dim3A_205 : vector<200x1225xi1>, vector<200x1225xf32>
    %get3A_207 = arith.constant 0 : index
    %get3A_208 = arith.constant 0 : index
    %get3A_209 = vector.load %arg30[%get3A_207, %get3A_208] : memref<1225x2500xf32, #tpu.memory_space<vmem>>, vector<1225x2500xf32>
    %dot_general3A_210 = arith.constant dense<0.000000e+00> : vector<200x2500xf32>
    %dot_general3A_211 = tpu.matmul %select_n3A_206, %get3A_209, %dot_general3A_210 {dimension_numbers = #tpu.dot_dimension_numbers<[1], [0], [0], [1], [0, 0, 1, 1], [], []>, transpose_lhs_hint = false} : vector<200x1225xf32>, vector<1225x2500xf32>, vector<200x2500xf32> -> vector<200x2500xf32>
    %swap3A = arith.constant 0 : index
    %swap3A_212 = arith.constant 0 : index
    %swap3A_213 = vector.load %arg31[%swap3A, %swap3A_212] : memref<200x2500xf32, #tpu.memory_space<vmem>>, vector<200x2500xf32>
    tpu.vector_store %arg31[%swap3A, %swap3A_212], %dot_general3A_211 {strides = array<i32>} : memref<200x2500xf32, #tpu.memory_space<vmem>>, vector<200x2500xf32>,
    return
  }
}

</mosaic_0001>

<sc_bundles>
// kernel: kernel.15.cloned.1.call-start
scs
__scs_entry_jumppad:
0x0: {  	(pc) =	sbr.rel $0x88, $3  }
0x1: {  	(tag) =	ssettag $0x0;
	lr =	simm.s32 $0x1  }
0x2: {  	[smem:$0x3F73] =	sst lr;
	_ =	strace $0xD0000000  }
0x3: {  	_ = 	snop  }
0x4: {  	_ = 	snop  }
0x5: {  	_ = 	snop  }
0x6: {  	_ = 	snop  }
0x7: {  	_ = 	snop  }
__scs_overlays_trampoline_lowered:
0x8: {  	[smem:$0x3F82] =	sst s0  }
0x9: {  	[smem:$0x3F83] =	sst s1  }
0xa: {  	[smem:$0x3F84] =	sst s2  }
0xb: {  	[smem:$0x3F85] =	sst s3  }
0xc: {  	[smem:$0x3F86] =	sst s4  }
0xd: {  	[smem:$0x3F87] =	sst s5  }
0xe: {  	[smem:$0x3F88] =	sst s6  }
0xf: {  	[smem:$0x3F89] =	sst s7  }
0x10: {  	[smem:$0x3F8A] =	sst s8  }
0x11: {  	[smem:$0x3F8B] =	sst s9;
	s0 =	simm.s32 @!p0 $0x0  }
0x12: {  	s1 =	sld [smem:$0x3F71];
	s0 =	simm.s32 @p0 $0x1  }
0x13: {  	[smem:$0x3F8C] =	sst s0;
	s0 =	simm.s32 @!p1 $0x0  }
0x14: {  	s2 =	sld [smem:$0x3F70];
	s0 =	simm.s32 @p1 $0x1  }
0x15: {  	[smem:$0x3F8D] =	sst s0;
	s0 =	simm.s32 @!p2 $0x0  }
0x16: {  	s3 =	sld [smem:$0x3FDB];
	s0 =	simm.s32 @p2 $0x1  }
0x17: {  	s4 =	simm.s32 $0x1BF5;
	[smem:$0x3F8F] =	sst s0  }
0x18: {  	s0 =	sld [smem:$0x3F72];
	_ =	swait.ge [sflag:s4], $0x0  }
0x19: {  	s7 =	sld [smem:$0x3F73]  }
0x1a: {  	s8 =	sadd.s32 $0xFFFFE003, lr  }
0x1b: {  	s9 =	sadd.s32 $0xFFFFFEF7, lr;
	s5 =	simm.s32 $0xFFFFFFFF;
	p2 =	slt.u32 s8, $0xFFFFF086  }
0x1c: {  	p1 =	slt.u32 s9, $0xF7A;
	s5 =	simm.s32 @!p2 $0x0  }
0x1d: {  	s5 =	simm.s32 @p1 $0x1;
	p0 =	seq.s32 s7, s2  }
0x1e: {  	s7 =	smul.u32 @!p0 $0xF7A, s2;
	p2 =	seq.s32 @!p0 s5, $0x0  }
0x1f: {  	s9 =	smul.u32 $0xF7A, s1;
	s8 =	simm.s32 @!p0 $0x1BF5;
	p2 =	por !p2, p0  }
0x20: {  	[sflag:s8] =	ssyncset.s32 @!p0 $0xFFFFF086;
	s6 =	sadd.s32 @!p0 s3, s7;
	s7 =	simm.s32 @!p0 $0x108  }
0x21: {  	s3 =	sadd.s32 s3, s9;
	s6 =	sadd.s32 @!p0 $0x88, s6;
	s7 =	simm.s32 @p2 $0x1082  }
0x22: {  	[simem:s7], [sflag:s8] =	dma.local @!p0 [hbm:s6], $0xF7A  }
0x23: {  	s9 =	sor.u32 $0xD0000000, s2;
	s6 =	simm.s32 $0x108;
	_ =	swait.ge @!p0 [sflag:s8], $0x0  }
0x24: {  	s3 =	sadd.s32 $0x88, s3;
	s6 =	simm.s32 @!p1 $0x1082;
	[sflag:s4] =	ssyncset.s32 $0xFFFFF086  }
0x25: {  	[simem:s6], [sflag:s4] =	dma.local [hbm:s3], $0xF7A  }
0x26: {  	[smem:$0x3F73] =	sst s1;
	(tag) =	ssettag s2;
	_ =	strace s9  }
0x27: {  	s1 =	sld [smem:$0x3F83]  }
0x28: {  	s2 =	sld [smem:$0x3F84]  }
0x29: {  	s4 =	sld [smem:$0x3F86]  }
0x2a: {  	p0 =	seq.s32 s5, $0x0;
	s5 =	sld [smem:$0x3F87]  }
0x2b: {  	s6 =	sld [smem:$0x3F88]  }
0x2c: {  	s7 =	sld [smem:$0x3F89]  }
0x2d: {  	s3 =	simm.s32 $0x108;
	s8 =	sld [smem:$0x3F8A]  }
0x2e: {  	s3 =	simm.s32 @!p0 $0x1082;
	s9 =	sld [smem:$0x3F8B]  }
0x2f: {  	lr =	sadd.s32 s0, s3;
	s0 =	sld [smem:$0x3F82]  }
0x30: {  	s3 =	sld [smem:$0x3F85]  }
0x31: {  	[smem:$0x3F8E] =	sst s10  }
0x32: {  	s10 =	sld [smem:$0x3F8C];
	_ =	sdelay $0x3  }
0x33: {  	p0 =	seq.s32 s10, $0x1;
	s10 =	sld [smem:$0x3F8E];
	_ =	sdelay $0x3  }
0x34: {  	[smem:$0x3F8E] =	sst s10  }
0x35: {  	s10 =	sld [smem:$0x3F8D];
	_ =	sdelay $0x3  }
0x36: {  	p1 =	seq.s32 s10, $0x1;
	s10 =	sld [smem:$0x3F8E];
	_ =	sdelay $0x3  }
0x37: {  	[smem:$0x3F8E] =	sst s10  }
0x38: {  	s10 =	sld [smem:$0x3F8F]  }
0x39: {  	_ = 	snop;
	(pc) =	sbr.ind lr, $3  }
0x3a: {  	_ = 	snop  }
0x3b: {  	_ = 	snop  }
0x3c: {  	p2 =	seq.s32 s10, $0x1;
	s10 =	sld [smem:$0x3F8E]  }
0x3d: {  	_ =	shalt  }
0x3e: {  	_ =	shalt  }
0x3f: {  	_ =	shalt  }
0x40: {  	_ =	shalt  }
0x41: {  	_ =	shalt  }
0x42: {  	_ =	shalt  }
0x43: {  	_ =	shalt  }
0x44: {  	_ =	shalt  }
0x45: {  	_ =	shalt  }
0x46: {  	_ =	shalt  }
0x47: {  	_ =	shalt  }
0x48: {  	_ =	shalt  }
0x49: {  	_ =	shalt  }
0x4a: {  	_ =	shalt  }
0x4b: {  	_ =	shalt  }
0x4c: {  	_ =	shalt  }
0x4d: {  	_ =	shalt  }
0x4e: {  	_ =	shalt  }
0x4f: {  	_ =	shalt  }
0x50: {  	_ =	shalt  }
0x51: {  	_ =	shalt  }
0x52: {  	_ =	shalt  }
0x53: {  	_ =	shalt  }
0x54: {  	_ =	shalt  }
0x55: {  	_ =	shalt  }
0x56: {  	_ =	shalt  }
0x57: {  	_ =	shalt  }
0x58: {  	_ =	shalt  }
0x59: {  	_ =	shalt  }
0x5a: {  	_ =	shalt  }
0x5b: {  	_ =	shalt  }
0x5c: {  	_ =	shalt  }
0x5d: {  	_ =	shalt  }
0x5e: {  	_ =	shalt  }
0x5f: {  	_ =	shalt  }
0x60: {  	_ =	shalt  }
0x61: {  	_ =	shalt  }
0x62: {  	_ =	shalt  }
0x63: {  	_ =	shalt  }
0x64: {  	_ =	shalt  }
0x65: {  	_ =	shalt  }
0x66: {  	_ =	shalt  }
0x67: {  	_ =	shalt  }
0x68: {  	_ =	shalt  }
0x69: {  	_ =	shalt  }
0x6a: {  	_ =	shalt  }
0x6b: {  	_ =	shalt  }
0x6c: {  	_ =	shalt  }
0x6d: {  	_ =	shalt  }
0x6e: {  	_ =	shalt  }
0x6f: {  	_ =	shalt  }
0x70: {  	_ =	shalt  }
0x71: {  	_ =	shalt  }
0x72: {  	_ =	shalt  }
0x73: {  	_ =	shalt  }
0x74: {  	_ =	shalt  }
0x75: {  	_ =	shalt  }
0x76: {  	_ =	shalt  }
0x77: {  	_ =	shalt  }
0x78: {  	_ =	shalt  }
0x79: {  	_ =	shalt  }
0x7a: {  	_ =	shalt  }
0x7b: {  	_ =	shalt  }
0x7c: {  	_ =	shalt  }
0x7d: {  	_ =	shalt  }
0x7e: {  	_ =	shalt  }
0x7f: {  	_ =	shalt  }
0x80: {  	_ =	shalt  }
0x81: {  	_ =	shalt  }
0x82: {  	_ =	shalt  }
0x83: {  	_ =	shalt  }
0x84: {  	_ =	shalt  }
0x85: {  	_ =	shalt  }
0x86: {  	_ =	shalt  }
0x87: {  	_ =	shalt  }
.Lfunc_end0:
.L_simem_size_0:
called_computation_lowered:
.L_overlay_start_0:
0x88: {  	s2 =	sld [smem:$0x3FD9]  }
0x89: {  	s3 =	sld [smem:$0x3FFE];
	_ =	sdelay $0x1  }
0x8a: {  	s1 =	srdreg.scid  }
0x8b: {  	s0 =	sand.u32 $0x1, s1  }
0x8c: {  	s17 =	sshll.u32 s0, $0xA;
	s2 =	sadd.s32 s3, s2  }
0x8d: {  	s2 =	sadd.s32 s2, s17  }
0x8e: {  	[smem:$0x3F9A] =	sst s2  }
0x8f: {  	_ = 	snop  }
0x90: {  	s2 =	sld [smem:$0x3FC9];
	(tm) =	ssettm $0x1  }
0x91: {  	s18 =	sld [smem:$0x3FFB];
	_ =	sdelay $0x3  }
0x92: {  	_ =	strace s18  }
0x93: {  	s3 =	sld [smem:$0x3FFC];
	_ =	sdelay $0x3  }
0x94: {  	_ =	strace s3  }
0x95: {  	s3 =	sld [smem:$0x3FFD];
	_ =	sdelay $0x3  }
0x96: {  	_ =	strace s3  }
0x97: {  	_ =	strace $0x8FFFFFFF  }
0x98: {  	s19 =	sld [smem:$0x3FDB];
	_ =	sdelay $0x1  }
0x99: {  	s4 =	simm.s32 $_scs_section_size  }
0x9a: {  	s5 =	simm.s32 $_size__tile_overlayer_lowered;
	s6 =	simm.s32 $_tile_overlayer_lowered  }
0x9b: {  	s22 =	simm.s32 $0x1BFF;
	s21 =	sshll.u32 s6, $0x1;
	s3 =	sadd.s32 s4, s19  }
0x9c: {  	s7 =	simm.s32 $0x0;
	s20 =	sshll.u32 s5, $0x1;
	s5 =	sadd.s32 s21, s3  }
0x9d: {  	[timem:s7], [sflag:s22] =	dma.local [hbm:s5], s20  }
0x9e: {  	_ =	swait.ge [sflag:s22], s20  }
0x9f: {  	s4 =	ssub.s32 $0x0, s20;
	[sflag:s22] =	ssyncset.done $0x0  }
0xa0: {  	[sflag:s22] =	ssyncadd.s32 s4;
	_ =	sdelay $0x1  }
0xa1: {  	s23 =	simm.s32 $0x1B8B  }
0xa2: {  	_ =	swait.ge [sflag:s23], $0x1  }
0xa3: {  	[sflag:s23] =	ssyncset.done $0x0  }
0xa4: {  	s25 =	simm.s32 $0x1B8E;
	s24 =	sld [smem:$0x3FFE];
	[sflag:s23] =	ssyncadd.s32 $0xFFFFFFFF  }
0xa5: {  	s26 =	simm.s32 $execute0_lowered;
	[smem:$0x3FD2] =	sst s25  }
0xa6: {  	s5 =	sshll.u32 s26, $0x1;
	_ =	strace $0x80000046;
	[dreg:$0x1] =	wrdreg $0xFFFFFFFF  }
0xa7: {  	s28 =	simm.s32 $_size_execute0_lowered;
	s3 =	sadd.s32 s3, s5;
	[dreg:$0x0] =	wrdreg $0x0  }
0xa8: {  	s5 =	sshll.u32 s28, $0x1;
	[dreg:$0x2] =	wrdreg s3  }
0xa9: {  	[dreg:$0x3] =	wrdreg s5  }
0xaa: {  	[dreg:$0x4] =	wrdreg $0xC0  }
0xab: {  	_ =	task [dreg:s7], $0x5FFFF  }
0xac: {  	[dreg:$0x1] =	wrdreg $0xFFFFFFFF  }
0xad: {  	[dreg:$0x0] =	wrdreg $0x60  }
0xae: {  	[dreg:$0x2] =	wrdreg s2  }
0xaf: {  	[dreg:$0x3] =	wrdreg s24  }
0xb0: {  	[dreg:$0x4] =	wrdreg $0x82000  }
0xb1: {  	[dreg:$0x5] =	wrdreg $0x9  }
0xb2: {  	_ =	task.clear_ibuf [dreg:s7], $0x6FFFF;
	_ =	strace $0x90000046  }
0xb3: {  	s29 =	simm.s32 $0x9;
	_ =	strace $0x80000048  }
0xb4: {  	_ =	swait.ge [sflag:s29], $0x1  }
0xb5: {  	[sflag:s29] =	ssyncadd.s32 $0xFFFFFFFF  }
0xb6: {  	_ =	strace $0x90000048  }
0xb7: {  	_ =	sfence  }
0xb8: {  	s30 =	sld [smem:$0x0];
	_ =	sdelay $0x2  }
0xb9: {  	s31 =	sshll.u32 s1, $0xD;
	s1 =	sshrl.u32 s1, $0x2  }
0xba: {  	s3 =	sand.u32 $0x4000, s31;
	s1 =	sadd.s32 s1, s30  }
0xbb: {  	s0 =	sor.u32 s3, s0;
	s1 =	sshll.u32 s1, $0x11  }
0xbc: {  	s0 =	sor.u32 s1, s0  }
0xbd: {  	s0 =	sadd.s32 $0x8F2B, s0  }
0xbe: {  	[sflag:s0] =	ssyncadd.remote.s32 $0x1  }
0xbf: {  	_ =	sfence.sel $0xFFFF  }
0xc0: {  	[dreg:$0x0] =	wrdreg $0xFFFFFFFF;
	(pc) =	sbr.abs _section_cstart, $3  }
0xc1: {  	[dreg:$0x1] =	wrdreg $0xFFFFFFFF  }
0xc2: {  	_ =	task.clear_ibuf [dreg:s7], $0x2FFFF;
	_ =	strace $0x9FFFFFFF  }
0xc3: {  	(tm) =	ssettm $0x7FFFFFFF  }
tec
execute0_lowered:
.L_overlay_start_1:
0x0: {  	(tag) =	ssettag $0x1  }
0x1: {  	s1 =	rddreg [dreg:$0x0]  }
0x2: {  	s7 =	rddreg [dreg:$0x1]  }
0x3: {  	s3 =	rddreg [dreg:$0x2]  }
0x4: {  	s0 =	srdreg.scid;
	s2 =	rddreg [dreg:$0x3]  }
0x5: {  	s4 =	simm.s32 $0x0;
	s12 =	simm.s32 $0x3;
	s13 =	simm.s32 $0x100  }
0x6: {  	s14 =	simm.s32 $0x80;
	s15 =	simm.s32 $0x200;
	s5 =	sand.u32 $0x1, s0  }
0x7: {  	s16 =	simm.s32 $0x4200;
	s0 =	stileid.u32;
	s6 =	smul.u32 $0x28000, s5  }
0x8: {  	s17 =	simm.s32 $0x1;
	s18 =	simm.s32 $0x180;
	s8 =	smul.u32 $0x2800, s0  }
0x9: {  	s19 =	simm.s32 $0x2;
	s20 =	simm.s32 $0x0;
	s9 =	smul.u32 $0x278, s0  }
0xa: {  	[smem:$0x7FF] =	sst s4;
	s10 =	smul.u32 $0x2710, s5;
	s5 =	ssub.s32 $0x2, s5  }
0xb: {  	_ =	strace $0x80000047;
	s31 =	sshll.u32 s0, $0x6;
	s26 =	sshrl.u32 s5, $0x1  }
0xc: {  	s9 =	smin.u32 s9, $0x2498;
	s6 =	sadd.s32 s8, s6;
	s28 =	ssub.s32 s5, s26  }
0xd: {  	s24 =	sadd.s32 s10, s9;
	s6 =	sshrl.u32 s6, $0x3;
	s29 =	sshll.u32 s9, $0x7  }
0xe: {  	s30 =	sshll.u32 s9, $0x4;
	s8 =	sshll.u32 s24, $0x4;
	s25 =	sadd.s32 s6, s7  }
0xf: {  	s11 =	sadd.s32 s29, s3;
	s5 =	sadd.s32 s1, s30;
	s6 =	sor.u32 $0x1C03, s31  }
0x10: {  	s7 =	sadd.s32 s8, s7;
	s8 =	smax.u32 s28, $0x1;
	s9 =	sadd.s32 $0x12400, s25  }
0x11: {  	s10 =	sadd.s32 $0x8400, s25;
	s11 =	sshrl.u32 s11, $0x3;
	s7 =	sadd.s32 $0x1C400, s7  }
.LBB2_1:
0x12: {  	[spmem:s11], [sflag:s6] =	dma.local [hbm:s5], $0x2780  }
0x13: {  	_ =	swait.ge [sflag:s12], $0x2780  }
0x14: {  	[sflag:s12] =	ssyncset.done $0x0  }
0x15: {  	[sflag:s12] =	ssyncadd.s32 $0xFFFFD880  }
0x16: {  	s21 =	sadd.s32 $0x0, s10;
	[bflag:$0x0] =	sbarrier.arrive $0xFFFF  }
0x17: {  	[tilespmem:s4], [sflag:$0x3] =	stream.linear.gather [hbm4b:s21+s4], $0x100, $0x38;
	[tilespmem:$0x1BAC0] =	vst v63  }
0x18: {  	_ =	swait.ge [sflag:s12], $0x100  }
0x19: {  	[sflag:s12] =	ssyncset.done $0x0  }
0x1a: {  	s31 =	sadd.s32 $0x0, s9;
	[sflag:s12] =	ssyncadd.s32 $0xFFFFFF00  }
0x1b: {  	[tilespmem:s13], [sflag:$0x3] =	stream.linear.gather [hbm4b:s31+s4], $0x100, $0x38;
	[tilespmem:$0x1BAC0] =	vst v63  }
0x1c: {  	_ =	swait.ge [sflag:s12], $0x100  }
0x1d: {  	[sflag:s12] =	ssyncset.done $0x0  }
0x1e: {  	[sflag:s12] =	ssyncadd.s32 $0xFFFFFF00  }
0x1f: {  	[tilespmem:s15], [sflag:$0x1] =	stream.indirect.gather [hbm4b:s1+s14], $0x80, s4, s14, $0xb8;
	[tilespmem:$0x1BAC0] =	vst v63  }
0x20: {  	_ = 	snop  }
0x21: {  	[tilespmem:s16], [sflag:$0x1] =	stream.indirect.gather [hbm4b:s1+s14], $0x80, s14, s14, $0xb8;
	[tilespmem:$0x1BAC0] =	vst v63  }
0x22: {  	_ =	swait.ge [sflag:s17], $0x4000  }
0x23: {  	[sflag:s17] =	ssyncset.done $0x0  }
0x24: {  	[sflag:s17] =	ssyncadd.s32 $0xFFFFC000  }
0x25: {  	[spmem:s3] =	stream.indirect.scatter.add.f32 [tilespmem:s15], [sflag:$0x2], $0x80, s13, s14, $0xb8;
	[tilespmem:$0x1BAC0] =	vst v63  }
0x26: {  	_ =	swait.ge [sflag:s17], $0x4000  }
0x27: {  	[sflag:s17] =	ssyncset.done $0x0  }
0x28: {  	[sflag:s17] =	ssyncadd.s32 $0xFFFFC000  }
0x29: {  	[spmem:s3] =	stream.indirect.scatter.add.f32 [tilespmem:s16], [sflag:$0x2], $0x80, s18, s14, $0xb8;
	[tilespmem:$0x1BAC0] =	vst v63  }
0x2a: {  	_ =	swait.ge [sflag:s19], $0x4000  }
0x2b: {  	[sflag:s19] =	ssyncset.done $0x0  }
0x2c: {  	[sflag:s19] =	ssyncadd.s32 $0xFFFFC000  }
0x2d: {  	_ =	swait.ge [sflag:s19], $0x4000  }
0x2e: {  	s22 =	simm.s32 $0x40;
	s21 =	simm.s32 $0x20;
	[sflag:s19] =	ssyncset.done $0x0  }
.LBB2_2:
0x2f: {  	s23 =	sadd.s32 s21, s10  }
0x30: {  	[sflag:s19] =	ssyncadd.s32 $0xFFFFC000;
	s24 =	smov.u32 s22;
	s25 =	sadd.s32 $0x20, s22  }
0x31: {  	[tilespmem:s4], [sflag:$0x3] =	stream.linear.gather [hbm4b:s23+s4], $0x100, $0x38;
	[tilespmem:$0x1BAC0] =	vst v63  }
0x32: {  	p0 =	sne.s32 s22, $0x4E0;
	_ =	swait.ge [sflag:s12], $0x100  }
0x33: {  	[sflag:s12] =	ssyncset.done $0x0  }
0x34: {  	s22 =	sadd.s32 s21, s9;
	s21 =	smov.u32 s24;
	[sflag:s12] =	ssyncadd.s32 $0xFFFFFF00  }
0x35: {  	[tilespmem:s13], [sflag:$0x3] =	stream.linear.gather [hbm4b:s22+s4], $0x100, $0x38;
	[tilespmem:$0x1BAC0] =	vst v63  }
0x36: {  	_ =	swait.ge [sflag:s12], $0x100  }
0x37: {  	[sflag:s12] =	ssyncset.done $0x0  }
0x38: {  	[sflag:s12] =	ssyncadd.s32 $0xFFFFFF00  }
0x39: {  	[tilespmem:s15], [sflag:$0x1] =	stream.indirect.gather [hbm4b:s1+s14], $0x80, s4, s14, $0xb8;
	[tilespmem:$0x1BAC0] =	vst v63  }
0x3a: {  	_ = 	snop  }
0x3b: {  	[tilespmem:s16], [sflag:$0x1] =	stream.indirect.gather [hbm4b:s1+s14], $0x80, s14, s14, $0xb8;
	[tilespmem:$0x1BAC0] =	vst v63  }
0x3c: {  	_ =	swait.ge [sflag:s17], $0x4000  }
0x3d: {  	[sflag:s17] =	ssyncset.done $0x0  }
0x3e: {  	[sflag:s17] =	ssyncadd.s32 $0xFFFFC000  }
0x3f: {  	[spmem:s3] =	stream.indirect.scatter.add.f32 [tilespmem:s15], [sflag:$0x2], $0x80, s13, s14, $0xb8;
	[tilespmem:$0x1BAC0] =	vst v63  }
0x40: {  	_ =	swait.ge [sflag:s17], $0x4000  }
0x41: {  	[sflag:s17] =	ssyncset.done $0x0  }
0x42: {  	[sflag:s17] =	ssyncadd.s32 $0xFFFFC000  }
0x43: {  	[spmem:s3] =	stream.indirect.scatter.add.f32 [tilespmem:s16], [sflag:$0x2], $0x80, s18, s14, $0xb8;
	[tilespmem:$0x1BAC0] =	vst v63  }
.Ltmp0:
0x44: {  	_ =	swait.ge [sflag:s19], $0x4000;
	(pc) =	sbr.rel @p0 .LBB2_2-.Ltmp0, $4  }
0x45: {  	[sflag:s19] =	ssyncset.done $0x0  }
0x46: {  	[sflag:s19] =	ssyncadd.s32 $0xFFFFC000  }
0x47: {  	_ =	swait.ge [sflag:s19], $0x4000  }
0x48: {  	s22 =	smov.u32 s25;
	[sflag:s19] =	ssyncset.done $0x0  }
0x49: {  	s22 =	sadd.s32 s21, s10;
	[sflag:s19] =	ssyncadd.s32 $0xFFFFC000  }
0x4a: {  	[tilespmem:s4], [sflag:$0x3] =	stream.linear.gather [hbm4b:s22+s4], $0x100, $0x38;
	[tilespmem:$0x1BAC0] =	vst v63  }
0x4b: {  	_ =	swait.ge [sflag:s12], $0x100  }
0x4c: {  	[sflag:s12] =	ssyncset.done $0x0  }
0x4d: {  	s31 =	sadd.s32 s21, s9;
	[sflag:s12] =	ssyncadd.s32 $0xFFFFFF00  }
0x4e: {  	[tilespmem:s13], [sflag:$0x3] =	stream.linear.gather [hbm4b:s31+s4], $0x100, $0x38;
	[tilespmem:$0x1BAC0] =	vst v63  }
0x4f: {  	_ =	swait.ge [sflag:s12], $0x100  }
0x50: {  	[sflag:s12] =	ssyncset.done $0x0  }
0x51: {  	[sflag:s12] =	ssyncadd.s32 $0xFFFFFF00  }
0x52: {  	[tilespmem:s15], [sflag:$0x1] =	stream.indirect.gather [hbm4b:s1+s14], $0x80, s4, s14, $0xb8;
	[tilespmem:$0x1BAC0] =	vst v63  }
0x53: {  	_ = 	snop  }
0x54: {  	[tilespmem:s16], [sflag:$0x1] =	stream.indirect.gather [hbm4b:s1+s14], $0x80, s14, s14, $0xb8;
	[tilespmem:$0x1BAC0] =	vst v63  }
0x55: {  	_ =	swait.ge [sflag:s17], $0x4000  }
0x56: {  	[sflag:s17] =	ssyncset.done $0x0  }
0x57: {  	[sflag:s17] =	ssyncadd.s32 $0xFFFFC000  }
0x58: {  	[spmem:s3] =	stream.indirect.scatter.add.f32 [tilespmem:s15], [sflag:$0x2], $0x80, s13, s14, $0xb8;
	[tilespmem:$0x1BAC0] =	vst v63  }
0x59: {  	_ =	swait.ge [sflag:s17], $0x4000  }
0x5a: {  	[sflag:s17] =	ssyncset.done $0x0  }
0x5b: {  	[sflag:s17] =	ssyncadd.s32 $0xFFFFC000  }
0x5c: {  	[spmem:s3] =	stream.indirect.scatter.add.f32 [tilespmem:s16], [sflag:$0x2], $0x80, s18, s14, $0xb8;
	[tilespmem:$0x1BAC0] =	vst v63  }
0x5d: {  	_ =	swait.ge [sflag:s19], $0x4000  }
0x5e: {  	[sflag:s19] =	ssyncset.done $0x0  }
0x5f: {  	[sflag:s19] =	ssyncadd.s32 $0xFFFFC000  }
0x60: {  	_ =	swait.ge [sflag:s19], $0x4000  }
0x61: {  	s20 =	sadd.s32 $0x1, s20;
	[sflag:s19] =	ssyncset.done $0x0  }
0x62: {  	p0 =	sne.s32 s20, s8;
	[sflag:s19] =	ssyncadd.s32 $0xFFFFC000  }
.Ltmp1:
0x63: {  	[bflag:$0x0] =	sbarrier.arrive $0xFFFF;
	(pc) =	sbr.rel @p0 .LBB2_1-.Ltmp1, $4  }
0x64: {  	[hbm:s7], [sflag:s6] =	dma.local [spmem:s11], $0x2780  }
0x65: {  	_ =	swait.ge [sflag:s12], $0x2780  }
0x66: {  	[sflag:s12] =	ssyncset.done $0x0  }
0x67: {  	[sflag:s12] =	ssyncadd.s32 $0xFFFFD880  }
0x68: {  	_ =	sfence.sel $0x180000  }
0x69: {  	[bflag:$0x0] =	sbarrier.arrive $0xFFFF  }
0x6a: {  	p0 =	sne.s32 s0, $0x0;
	_ =	strace $0x90000047  }
0x6b: {  	s0 =	sadd.s32 @!p0 $0x100000, s2;
	[bflag:$0x2] =	sbarrier.arrive $0xFFFF  }
0x6c: {  	[sflag:s0] =	ssyncadd.tile.s32 @!p0 $0x1;
	_ =	shalt  }
.Lfunc_end2:
_tile_overlayer_lowered:
.L_overlay_start_2:
0x6d: {  	(tag) =	ssettag $0x2  }
0x6e: {  	s0 =	rddreg [dreg:$0x0];
	s2 =	stileid.u32  }
0x6f: {  	s1 =	rddreg [dreg:$0x1];
	p0 =	sne.s32 s2, $0x0  }
0x70: {  	s3 =	rddreg [dreg:$0x2];
	[bflag:$0x3] =	sbarrier.arrive $0xFFFF;
	s2 =	simm.s32 @!p0 $0x1C03  }
0x71: {  	[timem:s3], [sflag:s2] =	dma.local @!p0 [hbm:s0], s1  }
0x72: {  	s0 =	simm.s32 @!p0 $0x3  }
0x73: {  	_ =	swait.ge @!p0 [sflag:s0], s1  }
0x74: {  	s1 =	ssub.s32 @!p0 $0x0, s1;
	[sflag:s0] =	ssyncset.done @!p0 $0x0  }
0x75: {  	[sflag:s0] =	ssyncadd.s32 @!p0 s1  }
0x76: {  	[bflag:$0x3] =	sbarrier.arrive $0xFFFF  }
0x77: {  	_ =	shalt  }

// kernel: kernel.18.cloned.1.call-start
scs
__scs_entry_jumppad:
0x0: {  	(pc) =	sbr.rel $0x88, $3  }
0x1: {  	(tag) =	ssettag $0x0;
	lr =	simm.s32 $0x1  }
0x2: {  	[smem:$0x3F73] =	sst lr;
	_ =	strace $0xD0000000  }
0x3: {  	_ = 	snop  }
0x4: {  	_ = 	snop  }
0x5: {  	_ = 	snop  }
0x6: {  	_ = 	snop  }
0x7: {  	_ = 	snop  }
__scs_overlays_trampoline_lowered:
0x8: {  	[smem:$0x3F82] =	sst s0  }
0x9: {  	[smem:$0x3F83] =	sst s1  }
0xa: {  	[smem:$0x3F84] =	sst s2  }
0xb: {  	[smem:$0x3F85] =	sst s3  }
0xc: {  	[smem:$0x3F86] =	sst s4  }
0xd: {  	[smem:$0x3F87] =	sst s5  }
0xe: {  	[smem:$0x3F88] =	sst s6  }
0xf: {  	[smem:$0x3F89] =	sst s7  }
0x10: {  	[smem:$0x3F8A] =	sst s8  }
0x11: {  	[smem:$0x3F8B] =	sst s9;
	s0 =	simm.s32 @!p0 $0x0  }
0x12: {  	s1 =	sld [smem:$0x3F71];
	s0 =	simm.s32 @p0 $0x1  }
0x13: {  	[smem:$0x3F8C] =	sst s0;
	s0 =	simm.s32 @!p1 $0x0  }
0x14: {  	s2 =	sld [smem:$0x3F70];
	s0 =	simm.s32 @p1 $0x1  }
0x15: {  	[smem:$0x3F8D] =	sst s0;
	s0 =	simm.s32 @!p2 $0x0  }
0x16: {  	s3 =	sld [smem:$0x3FDB];
	s0 =	simm.s32 @p2 $0x1  }
0x17: {  	s4 =	simm.s32 $0x1BF5;
	[smem:$0x3F8F] =	sst s0  }
0x18: {  	s0 =	sld [smem:$0x3F72];
	_ =	swait.ge [sflag:s4], $0x0  }
0x19: {  	s7 =	sld [smem:$0x3F73]  }
0x1a: {  	s8 =	sadd.s32 $0xFFFFE003, lr  }
0x1b: {  	s9 =	sadd.s32 $0xFFFFFEF7, lr;
	s5 =	simm.s32 $0xFFFFFFFF;
	p2 =	slt.u32 s8, $0xFFFFF086  }
0x1c: {  	p1 =	slt.u32 s9, $0xF7A;
	s5 =	simm.s32 @!p2 $0x0  }
0x1d: {  	s5 =	simm.s32 @p1 $0x1;
	p0 =	seq.s32 s7, s2  }
0x1e: {  	s7 =	smul.u32 @!p0 $0xF7A, s2;
	p2 =	seq.s32 @!p0 s5, $0x0  }
0x1f: {  	s9 =	smul.u32 $0xF7A, s1;
	s8 =	simm.s32 @!p0 $0x1BF5;
	p2 =	por !p2, p0  }
0x20: {  	[sflag:s8] =	ssyncset.s32 @!p0 $0xFFFFF086;
	s6 =	sadd.s32 @!p0 s3, s7;
	s7 =	simm.s32 @!p0 $0x108  }
0x21: {  	s3 =	sadd.s32 s3, s9;
	s6 =	sadd.s32 @!p0 $0x88, s6;
	s7 =	simm.s32 @p2 $0x1082  }
0x22: {  	[simem:s7], [sflag:s8] =	dma.local @!p0 [hbm:s6], $0xF7A  }
0x23: {  	s9 =	sor.u32 $0xD0000000, s2;
	s6 =	simm.s32 $0x108;
	_ =	swait.ge @!p0 [sflag:s8], $0x0  }
0x24: {  	s3 =	sadd.s32 $0x88, s3;
	s6 =	simm.s32 @!p1 $0x1082;
	[sflag:s4] =	ssyncset.s32 $0xFFFFF086  }
0x25: {  	[simem:s6], [sflag:s4] =	dma.local [hbm:s3], $0xF7A  }
0x26: {  	[smem:$0x3F73] =	sst s1;
	(tag) =	ssettag s2;
	_ =	strace s9  }
0x27: {  	s1 =	sld [smem:$0x3F83]  }
0x28: {  	s2 =	sld [smem:$0x3F84]  }
0x29: {  	s4 =	sld [smem:$0x3F86]  }
0x2a: {  	p0 =	seq.s32 s5, $0x0;
	s5 =	sld [smem:$0x3F87]  }
0x2b: {  	s6 =	sld [smem:$0x3F88]  }
0x2c: {  	s7 =	sld [smem:$0x3F89]  }
0x2d: {  	s3 =	simm.s32 $0x108;
	s8 =	sld [smem:$0x3F8A]  }
0x2e: {  	s3 =	simm.s32 @!p0 $0x1082;
	s9 =	sld [smem:$0x3F8B]  }
0x2f: {  	lr =	sadd.s32 s0, s3;
	s0 =	sld [smem:$0x3F82]  }
0x30: {  	s3 =	sld [smem:$0x3F85]  }
0x31: {  	[smem:$0x3F8E] =	sst s10  }
0x32: {  	s10 =	sld [smem:$0x3F8C];
	_ =	sdelay $0x3  }
0x33: {  	p0 =	seq.s32 s10, $0x1;
	s10 =	sld [smem:$0x3F8E];
	_ =	sdelay $0x3  }
0x34: {  	[smem:$0x3F8E] =	sst s10  }
0x35: {  	s10 =	sld [smem:$0x3F8D];
	_ =	sdelay $0x3  }
0x36: {  	p1 =	seq.s32 s10, $0x1;
	s10 =	sld [smem:$0x3F8E];
	_ =	sdelay $0x3  }
0x37: {  	[smem:$0x3F8E] =	sst s10  }
0x38: {  	s10 =	sld [smem:$0x3F8F]  }
0x39: {  	_ = 	snop;
	(pc) =	sbr.ind lr, $3  }
0x3a: {  	_ = 	snop  }
0x3b: {  	_ = 	snop  }
0x3c: {  	p2 =	seq.s32 s10, $0x1;
	s10 =	sld [smem:$0x3F8E]  }
0x3d: {  	_ =	shalt  }
0x3e: {  	_ =	shalt  }
0x3f: {  	_ =	shalt  }
0x40: {  	_ =	shalt  }
0x41: {  	_ =	shalt  }
0x42: {  	_ =	shalt  }
0x43: {  	_ =	shalt  }
0x44: {  	_ =	shalt  }
0x45: {  	_ =	shalt  }
0x46: {  	_ =	shalt  }
0x47: {  	_ =	shalt  }
0x48: {  	_ =	shalt  }
0x49: {  	_ =	shalt  }
0x4a: {  	_ =	shalt  }
0x4b: {  	_ =	shalt  }
0x4c: {  	_ =	shalt  }
0x4d: {  	_ =	shalt  }
0x4e: {  	_ =	shalt  }
0x4f: {  	_ =	shalt  }
0x50: {  	_ =	shalt  }
0x51: {  	_ =	shalt  }
0x52: {  	_ =	shalt  }
0x53: {  	_ =	shalt  }
0x54: {  	_ =	shalt  }
0x55: {  	_ =	shalt  }
0x56: {  	_ =	shalt  }
0x57: {  	_ =	shalt  }
0x58: {  	_ =	shalt  }
0x59: {  	_ =	shalt  }
0x5a: {  	_ =	shalt  }
0x5b: {  	_ =	shalt  }
0x5c: {  	_ =	shalt  }
0x5d: {  	_ =	shalt  }
0x5e: {  	_ =	shalt  }
0x5f: {  	_ =	shalt  }
0x60: {  	_ =	shalt  }
0x61: {  	_ =	shalt  }
0x62: {  	_ =	shalt  }
0x63: {  	_ =	shalt  }
0x64: {  	_ =	shalt  }
0x65: {  	_ =	shalt  }
0x66: {  	_ =	shalt  }
0x67: {  	_ =	shalt  }
0x68: {  	_ =	shalt  }
0x69: {  	_ =	shalt  }
0x6a: {  	_ =	shalt  }
0x6b: {  	_ =	shalt  }
0x6c: {  	_ =	shalt  }
0x6d: {  	_ =	shalt  }
0x6e: {  	_ =	shalt  }
0x6f: {  	_ =	shalt  }
0x70: {  	_ =	shalt  }
0x71: {  	_ =	shalt  }
0x72: {  	_ =	shalt  }
0x73: {  	_ =	shalt  }
0x74: {  	_ =	shalt  }
0x75: {  	_ =	shalt  }
0x76: {  	_ =	shalt  }
0x77: {  	_ =	shalt  }
0x78: {  	_ =	shalt  }
0x79: {  	_ =	shalt  }
0x7a: {  	_ =	shalt  }
0x7b: {  	_ =	shalt  }
0x7c: {  	_ =	shalt  }
0x7d: {  	_ =	shalt  }
0x7e: {  	_ =	shalt  }
0x7f: {  	_ =	shalt  }
0x80: {  	_ =	shalt  }
0x81: {  	_ =	shalt  }
0x82: {  	_ =	shalt  }
0x83: {  	_ =	shalt  }
0x84: {  	_ =	shalt  }
0x85: {  	_ =	shalt  }
0x86: {  	_ =	shalt  }
0x87: {  	_ =	shalt  }
.Lfunc_end0:
.L_simem_size_0:
called_computation.1_lowered:
.L_overlay_start_0:
0x88: {  	s2 =	sld [smem:$0x3FD9]  }
0x89: {  	s3 =	sld [smem:$0x3FFE];
	_ =	sdelay $0x1  }
0x8a: {  	s1 =	srdreg.scid  }
0x8b: {  	s0 =	sand.u32 $0x1, s1  }
0x8c: {  	s16 =	sshll.u32 s0, $0xA;
	s2 =	sadd.s32 s3, s2  }
0x8d: {  	s2 =	sadd.s32 s2, s16  }
0x8e: {  	[smem:$0x3F9A] =	sst s2  }
0x8f: {  	_ = 	snop  }
0x90: {  	(tm) =	ssettm $0x1  }
0x91: {  	s17 =	sld [smem:$0x3FFB];
	_ =	sdelay $0x3  }
0x92: {  	_ =	strace s17  }
0x93: {  	s2 =	sld [smem:$0x3FFC];
	_ =	sdelay $0x3  }
0x94: {  	_ =	strace s2  }
0x95: {  	s2 =	sld [smem:$0x3FFD];
	_ =	sdelay $0x3  }
0x96: {  	_ =	strace s2  }
0x97: {  	_ =	strace $0x8FFFFFFF  }
0x98: {  	s18 =	sld [smem:$0x3FDB];
	_ =	sdelay $0x1  }
0x99: {  	s19 =	simm.s32 $_scs_section_size  }
0x9a: {  	s4 =	simm.s32 $_size__tile_overlayer_lowered;
	s5 =	simm.s32 $_tile_overlayer_lowered  }
0x9b: {  	s22 =	simm.s32 $0x1BFF;
	s21 =	sshll.u32 s5, $0x1;
	s2 =	sadd.s32 s19, s18  }
0x9c: {  	s6 =	simm.s32 $0x0;
	s20 =	sshll.u32 s4, $0x1;
	s4 =	sadd.s32 s21, s2  }
0x9d: {  	[timem:s6], [sflag:s22] =	dma.local [hbm:s4], s20  }
0x9e: {  	_ =	swait.ge [sflag:s22], s20  }
0x9f: {  	s3 =	ssub.s32 $0x0, s20;
	[sflag:s22] =	ssyncset.done $0x0  }
0xa0: {  	[sflag:s22] =	ssyncadd.s32 s3;
	_ =	sdelay $0x1  }
0xa1: {  	s23 =	simm.s32 $0x1B8B  }
0xa2: {  	_ =	swait.ge [sflag:s23], $0x1  }
0xa3: {  	[sflag:s23] =	ssyncset.done $0x0  }
0xa4: {  	s25 =	simm.s32 $0x1B8E;
	s24 =	sld [smem:$0x3FFE];
	[sflag:s23] =	ssyncadd.s32 $0xFFFFFFFF  }
0xa5: {  	s26 =	simm.s32 $execute0_lowered;
	[smem:$0x3FD2] =	sst s25  }
0xa6: {  	s4 =	sshll.u32 s26, $0x1;
	_ =	strace $0x80000049;
	[dreg:$0x1] =	wrdreg $0xFFFFFFFF  }
0xa7: {  	s28 =	simm.s32 $_size_execute0_lowered;
	s2 =	sadd.s32 s2, s4;
	[dreg:$0x0] =	wrdreg $0x0  }
0xa8: {  	s4 =	sshll.u32 s28, $0x1;
	[dreg:$0x2] =	wrdreg s2  }
0xa9: {  	[dreg:$0x3] =	wrdreg s4  }
0xaa: {  	[dreg:$0x4] =	wrdreg $0xC0  }
0xab: {  	_ =	task [dreg:s6], $0x5FFFF  }
0xac: {  	[dreg:$0x1] =	wrdreg $0xFFFFFFFF  }
0xad: {  	[dreg:$0x0] =	wrdreg $0x60  }
0xae: {  	[dreg:$0x2] =	wrdreg s24  }
0xaf: {  	[dreg:$0x3] =	wrdreg $0x83000  }
0xb0: {  	[dreg:$0x4] =	wrdreg $0x9  }
0xb1: {  	_ =	task.clear_ibuf [dreg:s6], $0x5FFFF;
	_ =	strace $0x90000049  }
0xb2: {  	s29 =	simm.s32 $0x9;
	_ =	strace $0x8000004B  }
0xb3: {  	_ =	swait.ge [sflag:s29], $0x1  }
0xb4: {  	[sflag:s29] =	ssyncadd.s32 $0xFFFFFFFF  }
0xb5: {  	_ =	strace $0x9000004B  }
0xb6: {  	_ =	sfence  }
0xb7: {  	s30 =	sld [smem:$0x0];
	_ =	sdelay $0x2  }
0xb8: {  	s31 =	sshll.u32 s1, $0xD;
	s1 =	sshrl.u32 s1, $0x2  }
0xb9: {  	s3 =	sand.u32 $0x4000, s31;
	s1 =	sadd.s32 s1, s30  }
0xba: {  	s0 =	sor.u32 s3, s0;
	s1 =	sshll.u32 s1, $0x11  }
0xbb: {  	s0 =	sor.u32 s1, s0  }
0xbc: {  	s0 =	sadd.s32 $0x8F2B, s0  }
0xbd: {  	[sflag:s0] =	ssyncadd.remote.s32 $0x1  }
0xbe: {  	_ =	sfence.sel $0xFFFF  }
0xbf: {  	[dreg:$0x0] =	wrdreg $0xFFFFFFFF;
	(pc) =	sbr.abs _section_cstart, $3  }
0xc0: {  	[dreg:$0x1] =	wrdreg $0xFFFFFFFF  }
0xc1: {  	_ =	task.clear_ibuf [dreg:s6], $0x2FFFF;
	_ =	strace $0x9FFFFFFF  }
0xc2: {  	(tm) =	ssettm $0x7FFFFFFF  }
0xc3: {  	_ =	shalt  }
tec
execute0_lowered:
.L_overlay_start_1:
0x0: {  	(tag) =	ssettag $0x1  }
0x1: {  	s5 =	rddreg [dreg:$0x0]  }
0x2: {  	s0 =	stileid.u32;
	s1 =	srdreg.scid  }
0x3: {  	s2 =	rddreg [dreg:$0x1];
	s3 =	simm.s32 $0x0;
	s13 =	simm.s32 $0x100  }
0x4: {  	s14 =	simm.s32 $0x80;
	s15 =	simm.s32 $0x200;
	s16 =	simm.s32 $0x300  }
0x5: {  	s17 =	simm.s32 $0x280;
	s18 =	simm.s32 $0x4300;
	s19 =	simm.s32 $0x1  }
0x6: {  	s21 =	simm.s32 $0x2;
	s22 =	simm.s32 $0x0;
	s4 =	smul.u32 $0x278, s0  }
0x7: {  	s6 =	sand.u32 $0x1, s1;
	s1 =	rddreg [dreg:$0x2];
	s7 =	smul.u32 $0xA00, s0  }
0x8: {  	[smem:$0x7FF] =	sst s3;
	s31 =	sshll.u32 s0, $0x6;
	s20 =	smul.u32 $0x2710, s6  }
0x9: {  	_ =	strace $0x8000004A;
	s6 =	ssub.s32 $0x2, s6;
	s8 =	smin.u32 s4, $0x2498  }
0xa: {  	s4 =	sadd.s32 $0x1C400, s5;
	s10 =	sadd.s32 s7, s5;
	s30 =	sshrl.u32 s6, $0x1  }
0xb: {  	s9 =	sadd.s32 s20, s8;
	s8 =	sshll.u32 s8, $0x7;
	s11 =	ssub.s32 s6, s30  }
0xc: {  	s6 =	sor.u32 $0x1C03, s31;
	v0 =	vmov s20;
	s20 =	simm.s32 $0x180;
	s29 =	sshll.u32 s9, $0x4  }
0xd: {  	s12 =	sadd.s32 s8, s2;
	s8 =	smax.u32 s11, $0x1;
	s9 =	sadd.s32 s29, s5  }
0xe: {  	s5 =	sadd.s32 s4, s29;
	s11 =	sshrl.u32 s12, $0x3;
	s12 =	simm.s32 $0x3  }
0xf: {  	s7 =	sadd.s32 $0x6A600, s9;
	s9 =	sadd.s32 $0x12400, s10;
	s10 =	sadd.s32 $0x8400, s10  }
.LBB2_1:
0x10: {  	[spmem:s11], [sflag:s6] =	dma.local [hbm:s5], $0x2780  }
0x11: {  	_ =	swait.ge [sflag:s12], $0x2780  }
0x12: {  	[sflag:s12] =	ssyncset.done $0x0  }
0x13: {  	[sflag:s12] =	ssyncadd.s32 $0xFFFFD880  }
0x14: {  	s23 =	sadd.s32 $0x0, s10;
	[bflag:$0x0] =	sbarrier.arrive $0xFFFF  }
0x15: {  	[tilespmem:s3], [sflag:$0x3] =	stream.linear.gather [hbm4b:s23+s3], $0x100, $0x38;
	[tilespmem:$0x1BBC0] =	vst v63  }
0x16: {  	_ =	swait.ge [sflag:s12], $0x100  }
0x17: {  	[sflag:s12] =	ssyncset.done $0x0  }
0x18: {  	s31 =	sadd.s32 $0x0, s9;
	[sflag:s12] =	ssyncadd.s32 $0xFFFFFF00  }
0x19: {  	[tilespmem:s13], [sflag:$0x3] =	stream.linear.gather [hbm4b:s31+s3], $0x100, $0x38;
	[tilespmem:$0x1BBC0] =	vst v63  }
0x1a: {  	_ =	swait.ge [sflag:s12], $0x100  }
0x1b: {  	[sflag:s12] =	ssyncset.done $0x0  }
0x1c: {  	[sflag:s12] =	ssyncadd.s32 $0xFFFFFF00  }
0x1d: {  	v1 =	vld [tilespmem:$0xF0]  }
0x1e: {  	v2 =	vld [tilespmem:$0xB0]  }
0x1f: {  	v3 =	vld [tilespmem:$0xD0]  }
0x20: {  	v4 =	vld [tilespmem:$0xC0]  }
0x21: {  	v6 =	vld [tilespmem:$0xA0]  }
0x22: {  	v7 =	vld [tilespmem:$0x90]  }
0x23: {  	v1 =	vadd.s32 v0, v1  }
0x24: {  	v5 =	vld [tilespmem:$0x30];
	v2 =	vadd.s32 v0, v2;
	[tilespmem:$0x2F0] =	vst v1  }
0x25: {  	v59 =	vld [tilespmem:$0x40];
	v4 =	vadd.s32 v0, v4;
	[tilespmem:$0x2B0] =	vst v2  }
0x26: {  	v58 =	vadd.s32 v0, v6;
	v1 =	vld [tilespmem:$0x80];
	[tilespmem:$0x2C0] =	vst v4  }
0x27: {  	v7 =	vadd.s32 v0, v7;
	v2 =	vadd.s32 v0, v3;
	v3 =	vld [tilespmem:$0x70];
	[tilespmem:$0x2A0] =	vst v58  }
0x28: {  	v61 =	vld [tilespmem:$0x20];
	[tilespmem:$0x290] =	vst v7  }
0x29: {  	v57 =	vld [tilespmem:$0x60];
	[tilespmem:$0x2D0] =	vst v2;
	v2 =	vadd.s32 v0, v5  }
0x2a: {  	v62 =	vadd.s32 v0, v59;
	[tilespmem:$0x230] =	vst v2;
	v2 =	vld [tilespmem:$0x50]  }
0x2b: {  	v60 =	vld [tilespmem:$0xE0];
	[tilespmem:$0x240] =	vst v62;
	v1 =	vadd.s32 v0, v1  }
0x2c: {  	v3 =	vadd.s32 v0, v3;
	[tilespmem:$0x280] =	vst v1;
	v1 =	vld [tilespmem:$0x10]  }
0x2d: {  	v63 =	vadd.s32 v0, v61;
	[tilespmem:$0x270] =	vst v3;
	v3 =	vld [tilespmem:$0x0]  }
0x2e: {  	[tilespmem:$0x220] =	vst v63;
	v5 =	vadd.s32 v0, v57  }
0x2f: {  	[tilespmem:$0x260] =	vst v5;
	v2 =	vadd.s32 v0, v2  }
0x30: {  	[tilespmem:$0x250] =	vst v2;
	v2 =	vadd.s32 v0, v60  }
0x31: {  	[tilespmem:$0x2E0] =	vst v2;
	v1 =	vadd.s32 v0, v1  }
0x32: {  	v2 =	vadd.s32 v0, v3;
	[tilespmem:$0x210] =	vst v1  }
0x33: {  	s23 =	simm.s32 $0x20;
	[tilespmem:$0x200] =	vst v2  }
0x34: {  	[tilespmem:s16], [sflag:$0x1] =	stream.indirect.gather [hbm4b:s4+s14], $0x80, s15, s14, $0xb8;
	[tilespmem:$0x1BBC0] =	vst v63  }
.LBB2_2:
0x35: {  	p0 =	sne.s32 s23, $0x9E0;
	s24 =	smov.u32 s23;
	s23 =	sadd.s32 $0x20, s23  }
0x36: {  	[tilespmem:s18], [sflag:$0x1] =	stream.indirect.gather [hbm4b:s4+s14], $0x80, s17, s14, $0xb8;
	[tilespmem:$0x1BBC0] =	vst v63  }
0x37: {  	_ =	swait.ge [sflag:s19], $0x4000  }
0x38: {  	[sflag:s19] =	ssyncset.done $0x0  }
0x39: {  	[sflag:s19] =	ssyncadd.s32 $0xFFFFC000  }
0x3a: {  	[spmem:s2] =	stream.indirect.scatter.add.f32 [tilespmem:s16], [sflag:$0x2], $0x80, s13, s14, $0xb8;
	[tilespmem:$0x1BBC0] =	vst v63  }
0x3b: {  	_ =	swait.ge [sflag:s19], $0x4000  }
0x3c: {  	[sflag:s19] =	ssyncset.done $0x0  }
0x3d: {  	[sflag:s19] =	ssyncadd.s32 $0xFFFFC000  }
0x3e: {  	[spmem:s2] =	stream.indirect.scatter.add.f32 [tilespmem:s18], [sflag:$0x2], $0x80, s20, s14, $0xb8;
	[tilespmem:$0x1BBC0] =	vst v63  }
0x3f: {  	_ =	swait.ge [sflag:s21], $0x4000  }
0x40: {  	[sflag:s21] =	ssyncset.done $0x0  }
0x41: {  	[sflag:s21] =	ssyncadd.s32 $0xFFFFC000  }
0x42: {  	_ =	swait.ge [sflag:s21], $0x4000  }
0x43: {  	[sflag:s21] =	ssyncset.done $0x0  }
0x44: {  	s25 =	sadd.s32 s24, s10;
	[sflag:s21] =	ssyncadd.s32 $0xFFFFC000  }
0x45: {  	[tilespmem:s3], [sflag:$0x3] =	stream.linear.gather [hbm4b:s25+s3], $0x100, $0x38;
	[tilespmem:$0x1BBC0] =	vst v63  }
0x46: {  	_ =	swait.ge [sflag:s12], $0x100  }
0x47: {  	[sflag:s12] =	ssyncset.done $0x0  }
0x48: {  	s24 =	sadd.s32 s24, s9;
	[sflag:s12] =	ssyncadd.s32 $0xFFFFFF00  }
0x49: {  	[tilespmem:s13], [sflag:$0x3] =	stream.linear.gather [hbm4b:s24+s3], $0x100, $0x38;
	[tilespmem:$0x1BBC0] =	vst v63  }
0x4a: {  	_ =	swait.ge [sflag:s12], $0x100  }
0x4b: {  	[sflag:s12] =	ssyncset.done $0x0  }
0x4c: {  	[sflag:s12] =	ssyncadd.s32 $0xFFFFFF00  }
0x4d: {  	v1 =	vld [tilespmem:$0xF0]  }
0x4e: {  	v2 =	vld [tilespmem:$0xB0]  }
0x4f: {  	v3 =	vld [tilespmem:$0xD0]  }
0x50: {  	v4 =	vld [tilespmem:$0xC0]  }
0x51: {  	v5 =	vld [tilespmem:$0x30]  }
0x52: {  	v6 =	vld [tilespmem:$0xA0];
	v1 =	vadd.s32 v0, v1  }
0x53: {  	v7 =	vld [tilespmem:$0x90];
	v2 =	vadd.s32 v0, v2;
	[tilespmem:$0x2F0] =	vst v1  }
0x54: {  	v1 =	vld [tilespmem:$0x80];
	[tilespmem:$0x2B0] =	vst v2;
	v2 =	vadd.s32 v0, v3  }
0x55: {  	v3 =	vld [tilespmem:$0x70];
	v4 =	vadd.s32 v0, v4;
	[tilespmem:$0x2D0] =	vst v2  }
0x56: {  	v2 =	vadd.s32 v0, v5;
	v5 =	vld [tilespmem:$0x60];
	[tilespmem:$0x2C0] =	vst v4  }
0x57: {  	[tilespmem:$0x230] =	vst v2;
	v2 =	vld [tilespmem:$0x50];
	v4 =	vadd.s32 v0, v6  }
0x58: {  	v6 =	vld [tilespmem:$0x40];
	v7 =	vadd.s32 v0, v7;
	[tilespmem:$0x2A0] =	vst v4  }
0x59: {  	v1 =	vadd.s32 v0, v1;
	[tilespmem:$0x290] =	vst v7;
	v4 =	vld [tilespmem:$0xE0]  }
0x5a: {  	v7 =	vld [tilespmem:$0x20];
	v3 =	vadd.s32 v0, v3;
	[tilespmem:$0x280] =	vst v1  }
0x5b: {  	v1 =	vld [tilespmem:$0x10];
	v5 =	vadd.s32 v0, v5;
	[tilespmem:$0x270] =	vst v3  }
0x5c: {  	v3 =	vld [tilespmem:$0x0];
	v2 =	vadd.s32 v0, v2;
	[tilespmem:$0x260] =	vst v5  }
0x5d: {  	v5 =	vadd.s32 v0, v6;
	[tilespmem:$0x250] =	vst v2  }
0x5e: {  	[tilespmem:$0x240] =	vst v5;
	v2 =	vadd.s32 v0, v4  }
.Ltmp0:
0x5f: {  	v4 =	vadd.s32 v0, v7;
	[tilespmem:$0x2E0] =	vst v2;
	(pc) =	sbr.rel @p0 .LBB2_2-.Ltmp0, $4  }
0x60: {  	v1 =	vadd.s32 v0, v1;
	[tilespmem:$0x220] =	vst v4  }
0x61: {  	v2 =	vadd.s32 v0, v3;
	[tilespmem:$0x210] =	vst v1  }
0x62: {  	[tilespmem:$0x200] =	vst v2  }
0x63: {  	[tilespmem:s16], [sflag:$0x1] =	stream.indirect.gather [hbm4b:s4+s14], $0x80, s15, s14, $0xb8;
	[tilespmem:$0x1BBC0] =	vst v63  }
0x64: {  	[tilespmem:s18], [sflag:$0x1] =	stream.indirect.gather [hbm4b:s4+s14], $0x80, s17, s14, $0xb8;
	[tilespmem:$0x1BBC0] =	vst v63  }
0x65: {  	_ =	swait.ge [sflag:s19], $0x4000  }
0x66: {  	[sflag:s19] =	ssyncset.done $0x0  }
0x67: {  	[sflag:s19] =	ssyncadd.s32 $0xFFFFC000  }
0x68: {  	[spmem:s2] =	stream.indirect.scatter.add.f32 [tilespmem:s16], [sflag:$0x2], $0x80, s13, s14, $0xb8;
	[tilespmem:$0x1BBC0] =	vst v63  }
0x69: {  	_ =	swait.ge [sflag:s19], $0x4000  }
0x6a: {  	[sflag:s19] =	ssyncset.done $0x0  }
0x6b: {  	[sflag:s19] =	ssyncadd.s32 $0xFFFFC000  }
0x6c: {  	[spmem:s2] =	stream.indirect.scatter.add.f32 [tilespmem:s18], [sflag:$0x2], $0x80, s20, s14, $0xb8;
	[tilespmem:$0x1BBC0] =	vst v63  }
0x6d: {  	_ =	swait.ge [sflag:s21], $0x4000  }
0x6e: {  	[sflag:s21] =	ssyncset.done $0x0  }
0x6f: {  	[sflag:s21] =	ssyncadd.s32 $0xFFFFC000  }
0x70: {  	_ =	swait.ge [sflag:s21], $0x4000  }
0x71: {  	s22 =	sadd.s32 $0x1, s22;
	[sflag:s21] =	ssyncset.done $0x0  }
0x72: {  	p0 =	sne.s32 s22, s8;
	[sflag:s21] =	ssyncadd.s32 $0xFFFFC000  }
.Ltmp1:
0x73: {  	[bflag:$0x0] =	sbarrier.arrive $0xFFFF;
	(pc) =	sbr.rel @p0 .LBB2_1-.Ltmp1, $4  }
0x74: {  	[hbm:s7], [sflag:s6] =	dma.local [spmem:s11], $0x2780  }
0x75: {  	_ =	swait.ge [sflag:s12], $0x2780  }
0x76: {  	[sflag:s12] =	ssyncset.done $0x0  }
0x77: {  	[sflag:s12] =	ssyncadd.s32 $0xFFFFD880  }
0x78: {  	_ =	sfence.sel $0x180000  }
0x79: {  	[bflag:$0x0] =	sbarrier.arrive $0xFFFF  }
0x7a: {  	p0 =	sne.s32 s0, $0x0;
	_ =	strace $0x9000004A  }
0x7b: {  	s0 =	sadd.s32 @!p0 $0x100000, s1;
	[bflag:$0x2] =	sbarrier.arrive $0xFFFF  }
0x7c: {  	[sflag:s0] =	ssyncadd.tile.s32 @!p0 $0x1;
	_ =	shalt  }
.Lfunc_end2:
_tile_overlayer_lowered:
.L_overlay_start_2:
0x7d: {  	(tag) =	ssettag $0x2  }
0x7e: {  	s0 =	rddreg [dreg:$0x0];
	s2 =	stileid.u32  }
0x7f: {  	s1 =	rddreg [dreg:$0x1];
	p0 =	sne.s32 s2, $0x0  }
0x80: {  	s3 =	rddreg [dreg:$0x2];
	[bflag:$0x3] =	sbarrier.arrive $0xFFFF;
	s2 =	simm.s32 @!p0 $0x1C03  }
0x81: {  	[timem:s3], [sflag:s2] =	dma.local @!p0 [hbm:s0], s1  }
0x82: {  	s0 =	simm.s32 @!p0 $0x3  }
0x83: {  	_ =	swait.ge @!p0 [sflag:s0], s1  }
0x84: {  	s1 =	ssub.s32 @!p0 $0x0, s1;
	[sflag:s0] =	ssyncset.done @!p0 $0x0  }
0x85: {  	[sflag:s0] =	ssyncadd.s32 @!p0 s1  }
0x86: {  	[bflag:$0x3] =	sbarrier.arrive $0xFFFF  }
0x87: {  	_ =	shalt  }

// kernel: kernel.21.cloned.1.call-start
scs
__scs_entry_jumppad:
0x0: {  	(pc) =	sbr.rel $0x88, $3  }
0x1: {  	(tag) =	ssettag $0x0;
	lr =	simm.s32 $0x1  }
0x2: {  	[smem:$0x3F73] =	sst lr;
	_ =	strace $0xD0000000  }
0x3: {  	_ = 	snop  }
0x4: {  	_ = 	snop  }
0x5: {  	_ = 	snop  }
0x6: {  	_ = 	snop  }
0x7: {  	_ = 	snop  }
__scs_overlays_trampoline_lowered:
0x8: {  	[smem:$0x3F82] =	sst s0  }
0x9: {  	[smem:$0x3F83] =	sst s1  }
0xa: {  	[smem:$0x3F84] =	sst s2  }
0xb: {  	[smem:$0x3F85] =	sst s3  }
0xc: {  	[smem:$0x3F86] =	sst s4  }
0xd: {  	[smem:$0x3F87] =	sst s5  }
0xe: {  	[smem:$0x3F88] =	sst s6  }
0xf: {  	[smem:$0x3F89] =	sst s7  }
0x10: {  	[smem:$0x3F8A] =	sst s8  }
0x11: {  	[smem:$0x3F8B] =	sst s9;
	s0 =	simm.s32 @!p0 $0x0  }
0x12: {  	s1 =	sld [smem:$0x3F71];
	s0 =	simm.s32 @p0 $0x1  }
0x13: {  	[smem:$0x3F8C] =	sst s0;
	s0 =	simm.s32 @!p1 $0x0  }
0x14: {  	s2 =	sld [smem:$0x3F70];
	s0 =	simm.s32 @p1 $0x1  }
0x15: {  	[smem:$0x3F8D] =	sst s0;
	s0 =	simm.s32 @!p2 $0x0  }
0x16: {  	s3 =	sld [smem:$0x3FDB];
	s0 =	simm.s32 @p2 $0x1  }
0x17: {  	s4 =	simm.s32 $0x1BF5;
	[smem:$0x3F8F] =	sst s0  }
0x18: {  	s0 =	sld [smem:$0x3F72];
	_ =	swait.ge [sflag:s4], $0x0  }
0x19: {  	s7 =	sld [smem:$0x3F73]  }
0x1a: {  	s8 =	sadd.s32 $0xFFFFE003, lr  }
0x1b: {  	s9 =	sadd.s32 $0xFFFFFEF7, lr;
	s5 =	simm.s32 $0xFFFFFFFF;
	p2 =	slt.u32 s8, $0xFFFFF086  }
0x1c: {  	p1 =	slt.u32 s9, $0xF7A;
	s5 =	simm.s32 @!p2 $0x0  }
0x1d: {  	s5 =	simm.s32 @p1 $0x1;
	p0 =	seq.s32 s7, s2  }
0x1e: {  	s7 =	smul.u32 @!p0 $0xF7A, s2;
	p2 =	seq.s32 @!p0 s5, $0x0  }
0x1f: {  	s9 =	smul.u32 $0xF7A, s1;
	s8 =	simm.s32 @!p0 $0x1BF5;
	p2 =	por !p2, p0  }
0x20: {  	[sflag:s8] =	ssyncset.s32 @!p0 $0xFFFFF086;
	s6 =	sadd.s32 @!p0 s3, s7;
	s7 =	simm.s32 @!p0 $0x108  }
0x21: {  	s3 =	sadd.s32 s3, s9;
	s6 =	sadd.s32 @!p0 $0x88, s6;
	s7 =	simm.s32 @p2 $0x1082  }
0x22: {  	[simem:s7], [sflag:s8] =	dma.local @!p0 [hbm:s6], $0xF7A  }
0x23: {  	s9 =	sor.u32 $0xD0000000, s2;
	s6 =	simm.s32 $0x108;
	_ =	swait.ge @!p0 [sflag:s8], $0x0  }
0x24: {  	s3 =	sadd.s32 $0x88, s3;
	s6 =	simm.s32 @!p1 $0x1082;
	[sflag:s4] =	ssyncset.s32 $0xFFFFF086  }
0x25: {  	[simem:s6], [sflag:s4] =	dma.local [hbm:s3], $0xF7A  }
0x26: {  	[smem:$0x3F73] =	sst s1;
	(tag) =	ssettag s2;
	_ =	strace s9  }
0x27: {  	s1 =	sld [smem:$0x3F83]  }
0x28: {  	s2 =	sld [smem:$0x3F84]  }
0x29: {  	s4 =	sld [smem:$0x3F86]  }
0x2a: {  	p0 =	seq.s32 s5, $0x0;
	s5 =	sld [smem:$0x3F87]  }
0x2b: {  	s6 =	sld [smem:$0x3F88]  }
0x2c: {  	s7 =	sld [smem:$0x3F89]  }
0x2d: {  	s3 =	simm.s32 $0x108;
	s8 =	sld [smem:$0x3F8A]  }
0x2e: {  	s3 =	simm.s32 @!p0 $0x1082;
	s9 =	sld [smem:$0x3F8B]  }
0x2f: {  	lr =	sadd.s32 s0, s3;
	s0 =	sld [smem:$0x3F82]  }
0x30: {  	s3 =	sld [smem:$0x3F85]  }
0x31: {  	[smem:$0x3F8E] =	sst s10  }
0x32: {  	s10 =	sld [smem:$0x3F8C];
	_ =	sdelay $0x3  }
0x33: {  	p0 =	seq.s32 s10, $0x1;
	s10 =	sld [smem:$0x3F8E];
	_ =	sdelay $0x3  }
0x34: {  	[smem:$0x3F8E] =	sst s10  }
0x35: {  	s10 =	sld [smem:$0x3F8D];
	_ =	sdelay $0x3  }
0x36: {  	p1 =	seq.s32 s10, $0x1;
	s10 =	sld [smem:$0x3F8E];
	_ =	sdelay $0x3  }
0x37: {  	[smem:$0x3F8E] =	sst s10  }
0x38: {  	s10 =	sld [smem:$0x3F8F]  }
0x39: {  	_ = 	snop;
	(pc) =	sbr.ind lr, $3  }
0x3a: {  	_ = 	snop  }
0x3b: {  	_ = 	snop  }
0x3c: {  	p2 =	seq.s32 s10, $0x1;
	s10 =	sld [smem:$0x3F8E]  }
0x3d: {  	_ =	shalt  }
0x3e: {  	_ =	shalt  }
0x3f: {  	_ =	shalt  }
0x40: {  	_ =	shalt  }
0x41: {  	_ =	shalt  }
0x42: {  	_ =	shalt  }
0x43: {  	_ =	shalt  }
0x44: {  	_ =	shalt  }
0x45: {  	_ =	shalt  }
0x46: {  	_ =	shalt  }
0x47: {  	_ =	shalt  }
0x48: {  	_ =	shalt  }
0x49: {  	_ =	shalt  }
0x4a: {  	_ =	shalt  }
0x4b: {  	_ =	shalt  }
0x4c: {  	_ =	shalt  }
0x4d: {  	_ =	shalt  }
0x4e: {  	_ =	shalt  }
0x4f: {  	_ =	shalt  }
0x50: {  	_ =	shalt  }
0x51: {  	_ =	shalt  }
0x52: {  	_ =	shalt  }
0x53: {  	_ =	shalt  }
0x54: {  	_ =	shalt  }
0x55: {  	_ =	shalt  }
0x56: {  	_ =	shalt  }
0x57: {  	_ =	shalt  }
0x58: {  	_ =	shalt  }
0x59: {  	_ =	shalt  }
0x5a: {  	_ =	shalt  }
0x5b: {  	_ =	shalt  }
0x5c: {  	_ =	shalt  }
0x5d: {  	_ =	shalt  }
0x5e: {  	_ =	shalt  }
0x5f: {  	_ =	shalt  }
0x60: {  	_ =	shalt  }
0x61: {  	_ =	shalt  }
0x62: {  	_ =	shalt  }
0x63: {  	_ =	shalt  }
0x64: {  	_ =	shalt  }
0x65: {  	_ =	shalt  }
0x66: {  	_ =	shalt  }
0x67: {  	_ =	shalt  }
0x68: {  	_ =	shalt  }
0x69: {  	_ =	shalt  }
0x6a: {  	_ =	shalt  }
0x6b: {  	_ =	shalt  }
0x6c: {  	_ =	shalt  }
0x6d: {  	_ =	shalt  }
0x6e: {  	_ =	shalt  }
0x6f: {  	_ =	shalt  }
0x70: {  	_ =	shalt  }
0x71: {  	_ =	shalt  }
0x72: {  	_ =	shalt  }
0x73: {  	_ =	shalt  }
0x74: {  	_ =	shalt  }
0x75: {  	_ =	shalt  }
0x76: {  	_ =	shalt  }
0x77: {  	_ =	shalt  }
0x78: {  	_ =	shalt  }
0x79: {  	_ =	shalt  }
0x7a: {  	_ =	shalt  }
0x7b: {  	_ =	shalt  }
0x7c: {  	_ =	shalt  }
0x7d: {  	_ =	shalt  }
0x7e: {  	_ =	shalt  }
0x7f: {  	_ =	shalt  }
0x80: {  	_ =	shalt  }
0x81: {  	_ =	shalt  }
0x82: {  	_ =	shalt  }
0x83: {  	_ =	shalt  }
0x84: {  	_ =	shalt  }
0x85: {  	_ =	shalt  }
0x86: {  	_ =	shalt  }
0x87: {  	_ =	shalt  }
.Lfunc_end0:
.L_simem_size_0:
called_computation.2_lowered:
.L_overlay_start_0:
0x88: {  	s2 =	sld [smem:$0x3FD9]  }
0x89: {  	s3 =	sld [smem:$0x3FFE];
	_ =	sdelay $0x1  }
0x8a: {  	s1 =	srdreg.scid  }
0x8b: {  	s0 =	sand.u32 $0x1, s1  }
0x8c: {  	s16 =	sshll.u32 s0, $0xA;
	s2 =	sadd.s32 s3, s2  }
0x8d: {  	s2 =	sadd.s32 s2, s16  }
0x8e: {  	[smem:$0x3F9A] =	sst s2  }
0x8f: {  	_ = 	snop  }
0x90: {  	(tm) =	ssettm $0x1  }
0x91: {  	s17 =	sld [smem:$0x3FFB];
	_ =	sdelay $0x3  }
0x92: {  	_ =	strace s17  }
0x93: {  	s2 =	sld [smem:$0x3FFC];
	_ =	sdelay $0x3  }
0x94: {  	_ =	strace s2  }
0x95: {  	s2 =	sld [smem:$0x3FFD];
	_ =	sdelay $0x3  }
0x96: {  	_ =	strace s2  }
0x97: {  	_ =	strace $0x8FFFFFFF  }
0x98: {  	s18 =	sld [smem:$0x3FDB];
	_ =	sdelay $0x1  }
0x99: {  	s19 =	simm.s32 $_scs_section_size  }
0x9a: {  	s4 =	simm.s32 $_size__tile_overlayer_lowered;
	s5 =	simm.s32 $_tile_overlayer_lowered  }
0x9b: {  	s22 =	simm.s32 $0x1BFF;
	s21 =	sshll.u32 s5, $0x1;
	s2 =	sadd.s32 s19, s18  }
0x9c: {  	s6 =	simm.s32 $0x0;
	s20 =	sshll.u32 s4, $0x1;
	s4 =	sadd.s32 s21, s2  }
0x9d: {  	[timem:s6], [sflag:s22] =	dma.local [hbm:s4], s20  }
0x9e: {  	_ =	swait.ge [sflag:s22], s20  }
0x9f: {  	s3 =	ssub.s32 $0x0, s20;
	[sflag:s22] =	ssyncset.done $0x0  }
0xa0: {  	[sflag:s22] =	ssyncadd.s32 s3;
	_ =	sdelay $0x1  }
0xa1: {  	s23 =	simm.s32 $0x1B8B  }
0xa2: {  	_ =	swait.ge [sflag:s23], $0x1  }
0xa3: {  	[sflag:s23] =	ssyncset.done $0x0  }
0xa4: {  	s25 =	simm.s32 $0x1B8E;
	s24 =	sld [smem:$0x3FFE];
	[sflag:s23] =	ssyncadd.s32 $0xFFFFFFFF  }
0xa5: {  	s26 =	simm.s32 $execute0_lowered;
	[smem:$0x3FD2] =	sst s25  }
0xa6: {  	s4 =	sshll.u32 s26, $0x1;
	_ =	strace $0x8000004C;
	[dreg:$0x1] =	wrdreg $0xFFFFFFFF  }
0xa7: {  	s28 =	simm.s32 $_size_execute0_lowered;
	s2 =	sadd.s32 s2, s4;
	[dreg:$0x0] =	wrdreg $0x0  }
0xa8: {  	s4 =	sshll.u32 s28, $0x1;
	[dreg:$0x2] =	wrdreg s2  }
0xa9: {  	[dreg:$0x3] =	wrdreg s4  }
0xaa: {  	[dreg:$0x4] =	wrdreg $0xC0  }
0xab: {  	_ =	task [dreg:s6], $0x5FFFF  }
0xac: {  	[dreg:$0x1] =	wrdreg $0xFFFFFFFF  }
0xad: {  	[dreg:$0x0] =	wrdreg $0x60  }
0xae: {  	[dreg:$0x2] =	wrdreg s24  }
0xaf: {  	[dreg:$0x3] =	wrdreg $0x83000  }
0xb0: {  	[dreg:$0x4] =	wrdreg $0x9  }
0xb1: {  	_ =	task.clear_ibuf [dreg:s6], $0x5FFFF;
	_ =	strace $0x9000004C  }
0xb2: {  	s29 =	simm.s32 $0x9;
	_ =	strace $0x8000004E  }
0xb3: {  	_ =	swait.ge [sflag:s29], $0x1  }
0xb4: {  	[sflag:s29] =	ssyncadd.s32 $0xFFFFFFFF  }
0xb5: {  	_ =	strace $0x9000004E  }
0xb6: {  	_ =	sfence  }
0xb7: {  	s30 =	sld [smem:$0x0];
	_ =	sdelay $0x2  }
0xb8: {  	s31 =	sshll.u32 s1, $0xD;
	s1 =	sshrl.u32 s1, $0x2  }
0xb9: {  	s3 =	sand.u32 $0x4000, s31;
	s1 =	sadd.s32 s1, s30  }
0xba: {  	s0 =	sor.u32 s3, s0;
	s1 =	sshll.u32 s1, $0x11  }
0xbb: {  	s0 =	sor.u32 s1, s0  }
0xbc: {  	s0 =	sadd.s32 $0x8F2B, s0  }
0xbd: {  	[sflag:s0] =	ssyncadd.remote.s32 $0x1  }
0xbe: {  	_ =	sfence.sel $0xFFFF  }
0xbf: {  	[dreg:$0x0] =	wrdreg $0xFFFFFFFF;
	(pc) =	sbr.abs _section_cstart, $3  }
0xc0: {  	[dreg:$0x1] =	wrdreg $0xFFFFFFFF  }
0xc1: {  	_ =	task.clear_ibuf [dreg:s6], $0x2FFFF;
	_ =	strace $0x9FFFFFFF  }
0xc2: {  	(tm) =	ssettm $0x7FFFFFFF  }
0xc3: {  	_ =	shalt  }
tec
execute0_lowered:
.L_overlay_start_1:
0x0: {  	(tag) =	ssettag $0x1  }
0x1: {  	s5 =	rddreg [dreg:$0x0]  }
0x2: {  	s0 =	stileid.u32;
	s1 =	srdreg.scid  }
0x3: {  	s2 =	rddreg [dreg:$0x1];
	s3 =	simm.s32 $0x0;
	s13 =	simm.s32 $0x100  }
0x4: {  	s14 =	simm.s32 $0x80;
	s15 =	simm.s32 $0x200;
	s16 =	simm.s32 $0x300  }
0x5: {  	s17 =	simm.s32 $0x280;
	s18 =	simm.s32 $0x4300;
	s19 =	simm.s32 $0x1  }
0x6: {  	s21 =	simm.s32 $0x2;
	s22 =	simm.s32 $0x0;
	s4 =	smul.u32 $0x278, s0  }
0x7: {  	s6 =	sand.u32 $0x1, s1;
	s1 =	rddreg [dreg:$0x2];
	s7 =	smul.u32 $0xA00, s0  }
0x8: {  	[smem:$0x7FF] =	sst s3;
	s31 =	sshll.u32 s0, $0x6;
	s20 =	smul.u32 $0x2710, s6  }
0x9: {  	_ =	strace $0x8000004D;
	s6 =	ssub.s32 $0x2, s6;
	s8 =	smin.u32 s4, $0x2498  }
0xa: {  	s4 =	sadd.s32 $0x1C400, s5;
	s10 =	sadd.s32 s7, s5;
	s30 =	sshrl.u32 s6, $0x1  }
0xb: {  	s9 =	sadd.s32 s20, s8;
	s8 =	sshll.u32 s8, $0x7;
	s11 =	ssub.s32 s6, s30  }
0xc: {  	s6 =	sor.u32 $0x1C03, s31;
	v0 =	vmov s20;
	s20 =	simm.s32 $0x180;
	s29 =	sshll.u32 s9, $0x4  }
0xd: {  	s12 =	sadd.s32 s8, s2;
	s8 =	smax.u32 s11, $0x1;
	s9 =	sadd.s32 s29, s5  }
0xe: {  	s5 =	sadd.s32 s4, s29;
	s11 =	sshrl.u32 s12, $0x3;
	s12 =	simm.s32 $0x3  }
0xf: {  	s7 =	sadd.s32 $0x6A600, s9;
	s9 =	sadd.s32 $0x12400, s10;
	s10 =	sadd.s32 $0x8400, s10  }
.LBB2_1:
0x10: {  	[spmem:s11], [sflag:s6] =	dma.local [hbm:s5], $0x2780  }
0x11: {  	_ =	swait.ge [sflag:s12], $0x2780  }
0x12: {  	[sflag:s12] =	ssyncset.done $0x0  }
0x13: {  	[sflag:s12] =	ssyncadd.s32 $0xFFFFD880  }
0x14: {  	s23 =	sadd.s32 $0x0, s10;
	[bflag:$0x0] =	sbarrier.arrive $0xFFFF  }
0x15: {  	[tilespmem:s3], [sflag:$0x3] =	stream.linear.gather [hbm4b:s23+s3], $0x100, $0x38;
	[tilespmem:$0x1BBC0] =	vst v63  }
0x16: {  	_ =	swait.ge [sflag:s12], $0x100  }
0x17: {  	[sflag:s12] =	ssyncset.done $0x0  }
0x18: {  	s31 =	sadd.s32 $0x0, s9;
	[sflag:s12] =	ssyncadd.s32 $0xFFFFFF00  }
0x19: {  	[tilespmem:s13], [sflag:$0x3] =	stream.linear.gather [hbm4b:s31+s3], $0x100, $0x38;
	[tilespmem:$0x1BBC0] =	vst v63  }
0x1a: {  	_ =	swait.ge [sflag:s12], $0x100  }
0x1b: {  	[sflag:s12] =	ssyncset.done $0x0  }
0x1c: {  	[sflag:s12] =	ssyncadd.s32 $0xFFFFFF00  }
0x1d: {  	v1 =	vld [tilespmem:$0xF0]  }
0x1e: {  	v2 =	vld [tilespmem:$0xB0]  }
0x1f: {  	v3 =	vld [tilespmem:$0xD0]  }
0x20: {  	v4 =	vld [tilespmem:$0xC0]  }
0x21: {  	v6 =	vld [tilespmem:$0xA0]  }
0x22: {  	v7 =	vld [tilespmem:$0x90]  }
0x23: {  	v1 =	vadd.s32 v0, v1  }
0x24: {  	v5 =	vld [tilespmem:$0x30];
	v2 =	vadd.s32 v0, v2;
	[tilespmem:$0x2F0] =	vst v1  }
0x25: {  	v59 =	vld [tilespmem:$0x40];
	v4 =	vadd.s32 v0, v4;
	[tilespmem:$0x2B0] =	vst v2  }
0x26: {  	v58 =	vadd.s32 v0, v6;
	v1 =	vld [tilespmem:$0x80];
	[tilespmem:$0x2C0] =	vst v4  }
0x27: {  	v7 =	vadd.s32 v0, v7;
	v2 =	vadd.s32 v0, v3;
	v3 =	vld [tilespmem:$0x70];
	[tilespmem:$0x2A0] =	vst v58  }
0x28: {  	v61 =	vld [tilespmem:$0x20];
	[tilespmem:$0x290] =	vst v7  }
0x29: {  	v57 =	vld [tilespmem:$0x60];
	[tilespmem:$0x2D0] =	vst v2;
	v2 =	vadd.s32 v0, v5  }
0x2a: {  	v62 =	vadd.s32 v0, v59;
	[tilespmem:$0x230] =	vst v2;
	v2 =	vld [tilespmem:$0x50]  }
0x2b: {  	v60 =	vld [tilespmem:$0xE0];
	[tilespmem:$0x240] =	vst v62;
	v1 =	vadd.s32 v0, v1  }
0x2c: {  	v3 =	vadd.s32 v0, v3;
	[tilespmem:$0x280] =	vst v1;
	v1 =	vld [tilespmem:$0x10]  }
0x2d: {  	v63 =	vadd.s32 v0, v61;
	[tilespmem:$0x270] =	vst v3;
	v3 =	vld [tilespmem:$0x0]  }
0x2e: {  	[tilespmem:$0x220] =	vst v63;
	v5 =	vadd.s32 v0, v57  }
0x2f: {  	[tilespmem:$0x260] =	vst v5;
	v2 =	vadd.s32 v0, v2  }
0x30: {  	[tilespmem:$0x250] =	vst v2;
	v2 =	vadd.s32 v0, v60  }
0x31: {  	[tilespmem:$0x2E0] =	vst v2;
	v1 =	vadd.s32 v0, v1  }
0x32: {  	v2 =	vadd.s32 v0, v3;
	[tilespmem:$0x210] =	vst v1  }
0x33: {  	s23 =	simm.s32 $0x20;
	[tilespmem:$0x200] =	vst v2  }
0x34: {  	[tilespmem:s16], [sflag:$0x1] =	stream.indirect.gather [hbm4b:s4+s14], $0x80, s15, s14, $0xb8;
	[tilespmem:$0x1BBC0] =	vst v63  }
.LBB2_2:
0x35: {  	p0 =	sne.s32 s23, $0x9E0;
	s24 =	smov.u32 s23;
	s23 =	sadd.s32 $0x20, s23  }
0x36: {  	[tilespmem:s18], [sflag:$0x1] =	stream.indirect.gather [hbm4b:s4+s14], $0x80, s17, s14, $0xb8;
	[tilespmem:$0x1BBC0] =	vst v63  }
0x37: {  	_ =	swait.ge [sflag:s19], $0x4000  }
0x38: {  	[sflag:s19] =	ssyncset.done $0x0  }
0x39: {  	[sflag:s19] =	ssyncadd.s32 $0xFFFFC000  }
0x3a: {  	[spmem:s2] =	stream.indirect.scatter.add.f32 [tilespmem:s16], [sflag:$0x2], $0x80, s13, s14, $0xb8;
	[tilespmem:$0x1BBC0] =	vst v63  }
0x3b: {  	_ =	swait.ge [sflag:s19], $0x4000  }
0x3c: {  	[sflag:s19] =	ssyncset.done $0x0  }
0x3d: {  	[sflag:s19] =	ssyncadd.s32 $0xFFFFC000  }
0x3e: {  	[spmem:s2] =	stream.indirect.scatter.add.f32 [tilespmem:s18], [sflag:$0x2], $0x80, s20, s14, $0xb8;
	[tilespmem:$0x1BBC0] =	vst v63  }
0x3f: {  	_ =	swait.ge [sflag:s21], $0x4000  }
0x40: {  	[sflag:s21] =	ssyncset.done $0x0  }
0x41: {  	[sflag:s21] =	ssyncadd.s32 $0xFFFFC000  }
0x42: {  	_ =	swait.ge [sflag:s21], $0x4000  }
0x43: {  	[sflag:s21] =	ssyncset.done $0x0  }
0x44: {  	s25 =	sadd.s32 s24, s10;
	[sflag:s21] =	ssyncadd.s32 $0xFFFFC000  }
0x45: {  	[tilespmem:s3], [sflag:$0x3] =	stream.linear.gather [hbm4b:s25+s3], $0x100, $0x38;
	[tilespmem:$0x1BBC0] =	vst v63  }
0x46: {  	_ =	swait.ge [sflag:s12], $0x100  }
0x47: {  	[sflag:s12] =	ssyncset.done $0x0  }
0x48: {  	s24 =	sadd.s32 s24, s9;
	[sflag:s12] =	ssyncadd.s32 $0xFFFFFF00  }
0x49: {  	[tilespmem:s13], [sflag:$0x3] =	stream.linear.gather [hbm4b:s24+s3], $0x100, $0x38;
	[tilespmem:$0x1BBC0] =	vst v63  }
0x4a: {  	_ =	swait.ge [sflag:s12], $0x100  }
0x4b: {  	[sflag:s12] =	ssyncset.done $0x0  }
0x4c: {  	[sflag:s12] =	ssyncadd.s32 $0xFFFFFF00  }
0x4d: {  	v1 =	vld [tilespmem:$0xF0]  }
0x4e: {  	v2 =	vld [tilespmem:$0xB0]  }
0x4f: {  	v3 =	vld [tilespmem:$0xD0]  }
0x50: {  	v4 =	vld [tilespmem:$0xC0]  }
0x51: {  	v5 =	vld [tilespmem:$0x30]  }
0x52: {  	v6 =	vld [tilespmem:$0xA0];
	v1 =	vadd.s32 v0, v1  }
0x53: {  	v7 =	vld [tilespmem:$0x90];
	v2 =	vadd.s32 v0, v2;
	[tilespmem:$0x2F0] =	vst v1  }
0x54: {  	v1 =	vld [tilespmem:$0x80];
	[tilespmem:$0x2B0] =	vst v2;
	v2 =	vadd.s32 v0, v3  }
0x55: {  	v3 =	vld [tilespmem:$0x70];
	v4 =	vadd.s32 v0, v4;
	[tilespmem:$0x2D0] =	vst v2  }
0x56: {  	v2 =	vadd.s32 v0, v5;
	v5 =	vld [tilespmem:$0x60];
	[tilespmem:$0x2C0] =	vst v4  }
0x57: {  	[tilespmem:$0x230] =	vst v2;
	v2 =	vld [tilespmem:$0x50];
	v4 =	vadd.s32 v0, v6  }
0x58: {  	v6 =	vld [tilespmem:$0x40];
	v7 =	vadd.s32 v0, v7;
	[tilespmem:$0x2A0] =	vst v4  }
0x59: {  	v1 =	vadd.s32 v0, v1;
	[tilespmem:$0x290] =	vst v7;
	v4 =	vld [tilespmem:$0xE0]  }
0x5a: {  	v7 =	vld [tilespmem:$0x20];
	v3 =	vadd.s32 v0, v3;
	[tilespmem:$0x280] =	vst v1  }
0x5b: {  	v1 =	vld [tilespmem:$0x10];
	v5 =	vadd.s32 v0, v5;
	[tilespmem:$0x270] =	vst v3  }
0x5c: {  	v3 =	vld [tilespmem:$0x0];
	v2 =	vadd.s32 v0, v2;
	[tilespmem:$0x260] =	vst v5  }
0x5d: {  	v5 =	vadd.s32 v0, v6;
	[tilespmem:$0x250] =	vst v2  }
0x5e: {  	[tilespmem:$0x240] =	vst v5;
	v2 =	vadd.s32 v0, v4  }
.Ltmp0:
0x5f: {  	v4 =	vadd.s32 v0, v7;
	[tilespmem:$0x2E0] =	vst v2;
	(pc) =	sbr.rel @p0 .LBB2_2-.Ltmp0, $4  }
0x60: {  	v1 =	vadd.s32 v0, v1;
	[tilespmem:$0x220] =	vst v4  }
0x61: {  	v2 =	vadd.s32 v0, v3;
	[tilespmem:$0x210] =	vst v1  }
0x62: {  	[tilespmem:$0x200] =	vst v2  }
0x63: {  	[tilespmem:s16], [sflag:$0x1] =	stream.indirect.gather [hbm4b:s4+s14], $0x80, s15, s14, $0xb8;
	[tilespmem:$0x1BBC0] =	vst v63  }
0x64: {  	[tilespmem:s18], [sflag:$0x1] =	stream.indirect.gather [hbm4b:s4+s14], $0x80, s17, s14, $0xb8;
	[tilespmem:$0x1BBC0] =	vst v63  }
0x65: {  	_ =	swait.ge [sflag:s19], $0x4000  }
0x66: {  	[sflag:s19] =	ssyncset.done $0x0  }
0x67: {  	[sflag:s19] =	ssyncadd.s32 $0xFFFFC000  }
0x68: {  	[spmem:s2] =	stream.indirect.scatter.add.f32 [tilespmem:s16], [sflag:$0x2], $0x80, s13, s14, $0xb8;
	[tilespmem:$0x1BBC0] =	vst v63  }
0x69: {  	_ =	swait.ge [sflag:s19], $0x4000  }
0x6a: {  	[sflag:s19] =	ssyncset.done $0x0  }
0x6b: {  	[sflag:s19] =	ssyncadd.s32 $0xFFFFC000  }
0x6c: {  	[spmem:s2] =	stream.indirect.scatter.add.f32 [tilespmem:s18], [sflag:$0x2], $0x80, s20, s14, $0xb8;
	[tilespmem:$0x1BBC0] =	vst v63  }
0x6d: {  	_ =	swait.ge [sflag:s21], $0x4000  }
0x6e: {  	[sflag:s21] =	ssyncset.done $0x0  }
0x6f: {  	[sflag:s21] =	ssyncadd.s32 $0xFFFFC000  }
0x70: {  	_ =	swait.ge [sflag:s21], $0x4000  }
0x71: {  	s22 =	sadd.s32 $0x1, s22;
	[sflag:s21] =	ssyncset.done $0x0  }
0x72: {  	p0 =	sne.s32 s22, s8;
	[sflag:s21] =	ssyncadd.s32 $0xFFFFC000  }
.Ltmp1:
0x73: {  	[bflag:$0x0] =	sbarrier.arrive $0xFFFF;
	(pc) =	sbr.rel @p0 .LBB2_1-.Ltmp1, $4  }
0x74: {  	[hbm:s7], [sflag:s6] =	dma.local [spmem:s11], $0x2780  }
0x75: {  	_ =	swait.ge [sflag:s12], $0x2780  }
0x76: {  	[sflag:s12] =	ssyncset.done $0x0  }
0x77: {  	[sflag:s12] =	ssyncadd.s32 $0xFFFFD880  }
0x78: {  	_ =	sfence.sel $0x180000  }
0x79: {  	[bflag:$0x0] =	sbarrier.arrive $0xFFFF  }
0x7a: {  	p0 =	sne.s32 s0, $0x0;
	_ =	strace $0x9000004D  }
0x7b: {  	s0 =	sadd.s32 @!p0 $0x100000, s1;
	[bflag:$0x2] =	sbarrier.arrive $0xFFFF  }
0x7c: {  	[sflag:s0] =	ssyncadd.tile.s32 @!p0 $0x1;
	_ =	shalt  }
.Lfunc_end2:
_tile_overlayer_lowered:
.L_overlay_start_2:
0x7d: {  	(tag) =	ssettag $0x2  }
0x7e: {  	s0 =	rddreg [dreg:$0x0];
	s2 =	stileid.u32  }
0x7f: {  	s1 =	rddreg [dreg:$0x1];
	p0 =	sne.s32 s2, $0x0  }
0x80: {  	s3 =	rddreg [dreg:$0x2];
	[bflag:$0x3] =	sbarrier.arrive $0xFFFF;
	s2 =	simm.s32 @!p0 $0x1C03  }
0x81: {  	[timem:s3], [sflag:s2] =	dma.local @!p0 [hbm:s0], s1  }
0x82: {  	s0 =	simm.s32 @!p0 $0x3  }
0x83: {  	_ =	swait.ge @!p0 [sflag:s0], s1  }
0x84: {  	s1 =	ssub.s32 @!p0 $0x0, s1;
	[sflag:s0] =	ssyncset.done @!p0 $0x0  }
0x85: {  	[sflag:s0] =	ssyncadd.s32 @!p0 s1  }
0x86: {  	[bflag:$0x3] =	sbarrier.arrive $0xFFFF  }
0x87: {  	_ =	shalt  }

</sc_bundles>
